<compile_context>
chip_gen: v7x
topology: tpu7x:2x2x1
jax: 0.10.2.dev20260603
libtpu: 0.0.44.dev20260713+nightly
codegen_flags: <defaults>
</compile_context>

<pallas_src>
import functools

import jax
import jax.numpy as jnp
from jax import lax
from jax.experimental import pallas as pl
from jax.experimental.pallas import tpu as pltpu
from jax.experimental.pallas import tpu_sc as plsc

BATCH = 16384
NUM_FIELDS = 26
EMBED_DIM = 64
FIELD_SIZE = 100000
TOTAL = BATCH * NUM_FIELDS

_info = plsc.get_sparse_core_info()
NC = _info.num_cores
NS = _info.num_subcores
LANES = _info.num_lanes
NW = NC * NS
BROWS_PER_W = BATCH // NW

CHUNK = 256
STEPS = BROWS_PER_W // CHUNK


def _sc_gather(xt, table):
    mesh = plsc.VectorSubcoreMesh(core_axis_name="c", subcore_axis_name="s")

    @functools.partial(
        pl.kernel,
        mesh=mesh,
        compiler_params=pltpu.CompilerParams(needs_layout_passes=False),
        out_type=jax.ShapeDtypeStruct(
            (BATCH, NUM_FIELDS, EMBED_DIM), jnp.float32
        ),
        scratch_types=[
            pltpu.VMEM((2, CHUNK), jnp.int32),
            pltpu.VMEM((2, CHUNK, EMBED_DIM), jnp.float32),
            pltpu.SemaphoreType.DMA,
            pltpu.SemaphoreType.DMA,
            pltpu.SemaphoreType.DMA,
            pltpu.SemaphoreType.DMA,
        ],
    )
    def k(xt_hbm, t_hbm, out_hbm, xcol, rowbuf, xsem, gsem, gsem2, osem):
        wid = lax.axis_index("s") * NC + lax.axis_index("c")
        b0 = wid * BROWS_PER_W

        def fire(f, s, buf):
            sem = gsem if buf == 0 else gsem2

            def row_body(j, carry):
                xv = xcol[buf, pl.ds(j * LANES, LANES)]
                cv = lax.max(
                    lax.min(xv, FIELD_SIZE - 1), 0
                ) + f * FIELD_SIZE
                for l in range(LANES):
                    r = jnp.squeeze(lax.slice(cv, (l,), (l + 1,)))
                    pltpu.async_copy(
                        t_hbm.at[r], rowbuf.at[buf, j * LANES + l], sem
                    )
                return carry

            lax.fori_loop(0, CHUNK // LANES, row_body, 0)

        def drain(f, s, buf):
            sem = gsem if buf == 0 else gsem2
            pltpu.make_async_copy(
                t_hbm.at[pl.ds(0, CHUNK)], rowbuf.at[buf], sem
            ).wait()
            pltpu.async_copy(
                rowbuf.at[buf],
                out_hbm.at[pl.ds(b0 + s * CHUNK, CHUNK), f],
                osem,
            ).wait()

        def load_fire(f, s, buf):
            pltpu.async_copy(
                xt_hbm.at[f, pl.ds(b0 + s * CHUNK, CHUNK)], xcol.at[buf], xsem
            ).wait()
            fire(f, s, buf)

        load_fire(0, 0, 0)
        load_fire(0, 1, 1)

        def field_body(f, carry):
            drain(f, 0, 0)
            load_fire(f + 1, 0, 0)
            drain(f, 1, 1)
            load_fire(f + 1, 1, 1)
            return carry

        lax.fori_loop(0, NUM_FIELDS - 1, field_body, 0)
        drain(NUM_FIELDS - 1, 0, 0)
        drain(NUM_FIELDS - 1, 1, 1)

    return k(xt, table)


def kernel(x, table):
    out = _sc_gather(x.T, table)
    return out

# --- scband reference (transcript-rebuilt; emitter-appended) ---
"""Pipeline reference for scband-deep-factorization-machine-model-embedding-36112085024969 (READ-ONLY COPY).

The authoritative reference and input builder live on the scoring server;
editing this copy changes nothing except your own understanding.
"""

import jax, jax.numpy as jnp
import numpy as np

FIELD_DIMS = [100000] * 26
EMBED_DIM = 64
BATCH = 16384
NUM_FIELDS = len(FIELD_DIMS)
TOTAL_ROWS = int(sum(FIELD_DIMS))


def setup_inputs(seed: int = 0) -> dict:
    key = jax.random.key(seed)
    k1, k2 = jax.random.split(key)
    x = jax.random.randint(k1, (BATCH, NUM_FIELDS), 0, FIELD_DIMS[0], dtype=jnp.int32)
    table = jax.random.normal(k2, (TOTAL_ROWS, EMBED_DIM), dtype=jnp.float32) * 0.01
    return {"x": x, "table": table}


def reference(x, table):
    # FeaturesEmbedding: add per-field offsets, then lookup into the single
    # concatenated embedding table (sum(field_dims) rows).
    offsets = jnp.asarray(
        np.concatenate([[0], np.cumsum(np.asarray(FIELD_DIMS))[:-1]]), dtype=x.dtype
    )
    idx = x + offsets[None, :]
    embed_x = jnp.take(table, idx, axis=0)  # (BATCH, NUM_FIELDS, EMBED_DIM)
    return embed_x

if __name__ == "__main__":
    import jax
    _d = setup_inputs()
    print(jax.jit(kernel)(*tuple(_d.values())))

</pallas_src>

<mosaic_0001>
#map = affine_map<(d0, d1) -> (0, 0)>
#map1 = affine_map<(d0, d1) -> (0, 0, 0)>
module attributes {stable_mosaic.version = 14 : i64} {
  func.func @k(%arg0: i32, %arg1: i32, %arg2: memref<26x16384xi32, #tpu.memory_space<hbm>>, %arg3: memref<2600000x64xf32, #tpu.memory_space<hbm>>, %arg4: memref<16384x26x64xf32, #tpu.memory_space<hbm>>, %arg5: memref<2x256xi32, #tpu.memory_space<vmem>>, %arg6: memref<2x256x64xf32, #tpu.memory_space<vmem>>, %arg7: memref<!tpu.dma_semaphore, #tpu.memory_space<semaphore_mem>>, %arg8: memref<!tpu.dma_semaphore, #tpu.memory_space<semaphore_mem>>, %arg9: memref<!tpu.dma_semaphore, #tpu.memory_space<semaphore_mem>>, %arg10: memref<!tpu.dma_semaphore, #tpu.memory_space<semaphore_mem>>) attributes {dimension_semantics = [#tpu.dimension_semantics<core_parallel>, #tpu.dimension_semantics<subcore_parallel>], iteration_bounds = array<i64: 2, 16>, scalar_prefetch = 0 : i64, scratch_operands = 6 : i64, tpu.core_type = #tpu.core_type<sc_vector_subcore>, window_params = [{transform_indices = #map}, {transform_indices = #map}, {transform_indices = #map1}]} {
    %mul3A = arith.constant 2 : i32
    %mul3A_0 = arith.muli %arg1, %mul3A : i32
    %add3A = arith.addi %mul3A_0, %arg0 : i32
    %mul3A_1 = arith.constant 512 : i32
    %mul3A_2 = arith.muli %add3A, %mul3A_1 : i32
    %add3A_3 = arith.constant 0 : i32
    %add3A_4 = arith.addi %mul3A_2, %add3A_3 : i32
    %dma_start3A = arith.constant 0 : i32
    %dma_start3A_5 = arith.constant 0 : i32
    %dma_start3A_6 = arith.constant 0 : i32
    %dma_start3A_7 = tpu.memref_slice %arg5[%dma_start3A_5, %dma_start3A_6] : memref<2x256xi32, #tpu.memory_space<vmem>> -> memref<1x256xi32, #tpu.memory_space<vmem>>
    %dma_start3A_8 = tpu.memref_squeeze %dma_start3A_7 : memref<1x256xi32, #tpu.memory_space<vmem>> -> memref<256xi32, #tpu.memory_space<vmem>>
    %dma_start3A_9 = tpu.memref_slice %arg2[%dma_start3A, %add3A_4] : memref<26x16384xi32, #tpu.memory_space<hbm>> -> memref<1x256xi32, #tpu.memory_space<hbm>>
    %dma_start3A_10 = tpu.memref_squeeze %dma_start3A_9 : memref<1x256xi32, #tpu.memory_space<hbm>> -> memref<256xi32, #tpu.memory_space<hbm>>
    %dma_start3A_11 = arith.constant 0 : i32
    %dma_start3A_12 = tpu.memref_slice %arg5[%dma_start3A_5, %dma_start3A_11] : memref<2x256xi32, #tpu.memory_space<vmem>> -> memref<1x256xi32, #tpu.memory_space<vmem>>
    %dma_start3A_13 = tpu.memref_squeeze %dma_start3A_12 : memref<1x256xi32, #tpu.memory_space<vmem>> -> memref<256xi32, #tpu.memory_space<vmem>>
    %dma_start3A_14 = tpu.memref_slice %arg2[%dma_start3A, %add3A_4] : memref<26x16384xi32, #tpu.memory_space<hbm>> -> memref<1x256xi32, #tpu.memory_space<hbm>>
    %dma_start3A_15 = tpu.memref_squeeze %dma_start3A_14 : memref<1x256xi32, #tpu.memory_space<hbm>> -> memref<256xi32, #tpu.memory_space<hbm>>
    tpu.enqueue_dma source(%dma_start3A_15 : memref<256xi32, #tpu.memory_space<hbm>>) target(%dma_start3A_13 : memref<256xi32, #tpu.memory_space<vmem>>) target_semaphore(%arg7 : memref<!tpu.dma_semaphore, #tpu.memory_space<semaphore_mem>>)
    %dma_wait3A = arith.constant 0 : i32
    %dma_wait3A_16 = arith.constant 0 : i32
    %dma_wait3A_17 = arith.constant 0 : i32
    %dma_wait3A_18 = tpu.memref_slice %arg5[%dma_wait3A_16, %dma_wait3A_17] : memref<2x256xi32, #tpu.memory_space<vmem>> -> memref<1x256xi32, #tpu.memory_space<vmem>>
    %dma_wait3A_19 = tpu.memref_squeeze %dma_wait3A_18 : memref<1x256xi32, #tpu.memory_space<vmem>> -> memref<256xi32, #tpu.memory_space<vmem>>
    %dma_wait3A_20 = tpu.memref_slice %arg2[%dma_wait3A, %add3A_4] : memref<26x16384xi32, #tpu.memory_space<hbm>> -> memref<1x256xi32, #tpu.memory_space<hbm>>
    %dma_wait3A_21 = tpu.memref_squeeze %dma_wait3A_20 : memref<1x256xi32, #tpu.memory_space<hbm>> -> memref<256xi32, #tpu.memory_space<hbm>>
    %dma_wait3A_22 = arith.constant 0 : i32
    %dma_wait3A_23 = tpu.memref_slice %arg5[%dma_wait3A_16, %dma_wait3A_22] : memref<2x256xi32, #tpu.memory_space<vmem>> -> memref<1x256xi32, #tpu.memory_space<vmem>>
    %dma_wait3A_24 = tpu.memref_squeeze %dma_wait3A_23 : memref<1x256xi32, #tpu.memory_space<vmem>> -> memref<256xi32, #tpu.memory_space<vmem>>
    %dma_wait3A_25 = tpu.memref_slice %arg2[%dma_wait3A, %add3A_4] : memref<26x16384xi32, #tpu.memory_space<hbm>> -> memref<1x256xi32, #tpu.memory_space<hbm>>
    %dma_wait3A_26 = tpu.memref_squeeze %dma_wait3A_25 : memref<1x256xi32, #tpu.memory_space<hbm>> -> memref<256xi32, #tpu.memory_space<hbm>>
    tpu.wait_dma2 semaphore(%arg7 : memref<!tpu.dma_semaphore, #tpu.memory_space<semaphore_mem>>) src(%dma_wait3A_26 : memref<256xi32, #tpu.memory_space<hbm>>) dst(%dma_wait3A_24 : memref<256xi32, #tpu.memory_space<vmem>>)
    %scan3A = arith.constant 0 : i32
    %scan3A_27 = arith.constant 0 : i32
    %scan3A_28 = arith.constant 16 : i32
    %scan3A_29 = arith.addi %scan3A_27, %scan3A_28 : i32
    %scan3A_30 = arith.constant 1 : i32
    scf.for %scan3A_168 = %scan3A_27 to %scan3A_29 step %scan3A_30  : i32 {
      %mul3A_169 = arith.constant 16 : i32
      %mul3A_170 = arith.muli %scan3A_168, %mul3A_169 : i32
      %get3A = arith.constant 0 : i32
      %get3A_171 = arith.index_cast %get3A : i32 to index
      %get3A_172 = arith.index_cast %mul3A_170 : i32 to index
      %get3A_173 = tpu.vector_load %arg5[%get3A_171, %get3A_172] {strides = array<i32>} : memref<2x256xi32, #tpu.memory_space<vmem>>, vector<16xi32>,
      %min3A = arith.constant 99999 : i32
      %min3A_174 = vector.broadcast %min3A : i32 to vector<16xi32>
      %min3A_175 = arith.minsi %get3A_173, %min3A_174 : vector<16xi32>
      %max3A = arith.constant 0 : i32
      %max3A_176 = vector.broadcast %max3A : i32 to vector<16xi32>
      %max3A_177 = arith.maxsi %min3A_175, %max3A_176 : vector<16xi32>
      %add3A_178 = arith.constant 0 : i32
      %add3A_179 = vector.broadcast %add3A_178 : i32 to vector<16xi32>
      %add3A_180 = arith.addi %max3A_177, %add3A_179 : vector<16xi32>
      %slice3A = vector.extract_strided_slice %add3A_180 {offsets = [0], sizes = [1], strides = [1]} : vector<16xi32> to vector<1xi32>
      %squeeze3A = vector.extract %slice3A[0] : i32 from vector<1xi32>
      %mul3A_181 = arith.constant 16 : i32
      %mul3A_182 = arith.muli %scan3A_168, %mul3A_181 : i32
      %add3A_183 = arith.constant 0 : i32
      %add3A_184 = arith.addi %mul3A_182, %add3A_183 : i32
      %dma_start3A_185 = arith.constant 0 : i32
      %dma_start3A_186 = arith.constant 0 : i32
      %dma_start3A_187 = tpu.memref_slice %arg6[%dma_start3A_185, %add3A_184, %dma_start3A_186] : memref<2x256x64xf32, #tpu.memory_space<vmem>> -> memref<1x1x64xf32, #tpu.memory_space<vmem>>
      %dma_start3A_188 = tpu.memref_squeeze %dma_start3A_187 : memref<1x1x64xf32, #tpu.memory_space<vmem>> -> memref<64xf32, #tpu.memory_space<vmem>>
      %dma_start3A_189 = arith.constant 0 : i32
      %dma_start3A_190 = tpu.memref_slice %arg3[%squeeze3A, %dma_start3A_189] : memref<2600000x64xf32, #tpu.memory_space<hbm>> -> memref<1x64xf32, #tpu.memory_space<hbm>>
      %dma_start3A_191 = tpu.memref_squeeze %dma_start3A_190 : memref<1x64xf32, #tpu.memory_space<hbm>> -> memref<64xf32, #tpu.memory_space<hbm>>
      %dma_start3A_192 = arith.constant 0 : i32
      %dma_start3A_193 = tpu.memref_slice %arg6[%dma_start3A_185, %add3A_184, %dma_start3A_192] : memref<2x256x64xf32, #tpu.memory_space<vmem>> -> memref<1x1x64xf32, #tpu.memory_space<vmem>>
      %dma_start3A_194 = tpu.memref_squeeze %dma_start3A_193 : memref<1x1x64xf32, #tpu.memory_space<vmem>> -> memref<64xf32, #tpu.memory_space<vmem>>
      %dma_start3A_195 = arith.constant 0 : i32
      %dma_start3A_196 = tpu.memref_slice %arg3[%squeeze3A, %dma_start3A_195] : memref<2600000x64xf32, #tpu.memory_space<hbm>> -> memref<1x64xf32, #tpu.memory_space<hbm>>
      %dma_start3A_197 = tpu.memref_squeeze %dma_start3A_196 : memref<1x64xf32, #tpu.memory_space<hbm>> -> memref<64xf32, #tpu.memory_space<hbm>>
      tpu.enqueue_dma source(%dma_start3A_197 : memref<64xf32, #tpu.memory_space<hbm>>) target(%dma_start3A_194 : memref<64xf32, #tpu.memory_space<vmem>>) target_semaphore(%arg8 : memref<!tpu.dma_semaphore, #tpu.memory_space<semaphore_mem>>)
      %slice3A_198 = vector.extract_strided_slice %add3A_180 {offsets = [1], sizes = [1], strides = [1]} : vector<16xi32> to vector<1xi32>
      %squeeze3A_199 = vector.extract %slice3A_198[0] : i32 from vector<1xi32>
      %mul3A_200 = arith.constant 16 : i32
      %mul3A_201 = arith.muli %scan3A_168, %mul3A_200 : i32
      %add3A_202 = arith.constant 1 : i32
      %add3A_203 = arith.addi %mul3A_201, %add3A_202 : i32
      %dma_start3A_204 = arith.constant 0 : i32
      %dma_start3A_205 = arith.constant 0 : i32
      %dma_start3A_206 = tpu.memref_slice %arg6[%dma_start3A_204, %add3A_203, %dma_start3A_205] : memref<2x256x64xf32, #tpu.memory_space<vmem>> -> memref<1x1x64xf32, #tpu.memory_space<vmem>>
      %dma_start3A_207 = tpu.memref_squeeze %dma_start3A_206 : memref<1x1x64xf32, #tpu.memory_space<vmem>> -> memref<64xf32, #tpu.memory_space<vmem>>
      %dma_start3A_208 = arith.constant 0 : i32
      %dma_start3A_209 = tpu.memref_slice %arg3[%squeeze3A_199, %dma_start3A_208] : memref<2600000x64xf32, #tpu.memory_space<hbm>> -> memref<1x64xf32, #tpu.memory_space<hbm>>
      %dma_start3A_210 = tpu.memref_squeeze %dma_start3A_209 : memref<1x64xf32, #tpu.memory_space<hbm>> -> memref<64xf32, #tpu.memory_space<hbm>>
      %dma_start3A_211 = arith.constant 0 : i32
      %dma_start3A_212 = tpu.memref_slice %arg6[%dma_start3A_204, %add3A_203, %dma_start3A_211] : memref<2x256x64xf32, #tpu.memory_space<vmem>> -> memref<1x1x64xf32, #tpu.memory_space<vmem>>
      %dma_start3A_213 = tpu.memref_squeeze %dma_start3A_212 : memref<1x1x64xf32, #tpu.memory_space<vmem>> -> memref<64xf32, #tpu.memory_space<vmem>>
      %dma_start3A_214 = arith.constant 0 : i32
      %dma_start3A_215 = tpu.memref_slice %arg3[%squeeze3A_199, %dma_start3A_214] : memref<2600000x64xf32, #tpu.memory_space<hbm>> -> memref<1x64xf32, #tpu.memory_space<hbm>>
      %dma_start3A_216 = tpu.memref_squeeze %dma_start3A_215 : memref<1x64xf32, #tpu.memory_space<hbm>> -> memref<64xf32, #tpu.memory_space<hbm>>
      tpu.enqueue_dma source(%dma_start3A_216 : memref<64xf32, #tpu.memory_space<hbm>>) target(%dma_start3A_213 : memref<64xf32, #tpu.memory_space<vmem>>) target_semaphore(%arg8 : memref<!tpu.dma_semaphore, #tpu.memory_space<semaphore_mem>>)
      %slice3A_217 = vector.extract_strided_slice %add3A_180 {offsets = [2], sizes = [1], strides = [1]} : vector<16xi32> to vector<1xi32>
      %squeeze3A_218 = vector.extract %slice3A_217[0] : i32 from vector<1xi32>
      %mul3A_219 = arith.constant 16 : i32
      %mul3A_220 = arith.muli %scan3A_168, %mul3A_219 : i32
      %add3A_221 = arith.constant 2 : i32
      %add3A_222 = arith.addi %mul3A_220, %add3A_221 : i32
      %dma_start3A_223 = arith.constant 0 : i32
      %dma_start3A_224 = arith.constant 0 : i32
      %dma_start3A_225 = tpu.memref_slice %arg6[%dma_start3A_223, %add3A_222, %dma_start3A_224] : memref<2x256x64xf32, #tpu.memory_space<vmem>> -> memref<1x1x64xf32, #tpu.memory_space<vmem>>
      %dma_start3A_226 = tpu.memref_squeeze %dma_start3A_225 : memref<1x1x64xf32, #tpu.memory_space<vmem>> -> memref<64xf32, #tpu.memory_space<vmem>>
      %dma_start3A_227 = arith.constant 0 : i32
      %dma_start3A_228 = tpu.memref_slice %arg3[%squeeze3A_218, %dma_start3A_227] : memref<2600000x64xf32, #tpu.memory_space<hbm>> -> memref<1x64xf32, #tpu.memory_space<hbm>>
      %dma_start3A_229 = tpu.memref_squeeze %dma_start3A_228 : memref<1x64xf32, #tpu.memory_space<hbm>> -> memref<64xf32, #tpu.memory_space<hbm>>
      %dma_start3A_230 = arith.constant 0 : i32
      %dma_start3A_231 = tpu.memref_slice %arg6[%dma_start3A_223, %add3A_222, %dma_start3A_230] : memref<2x256x64xf32, #tpu.memory_space<vmem>> -> memref<1x1x64xf32, #tpu.memory_space<vmem>>
      %dma_start3A_232 = tpu.memref_squeeze %dma_start3A_231 : memref<1x1x64xf32, #tpu.memory_space<vmem>> -> memref<64xf32, #tpu.memory_space<vmem>>
      %dma_start3A_233 = arith.constant 0 : i32
      %dma_start3A_234 = tpu.memref_slice %arg3[%squeeze3A_218, %dma_start3A_233] : memref<2600000x64xf32, #tpu.memory_space<hbm>> -> memref<1x64xf32, #tpu.memory_space<hbm>>
      %dma_start3A_235 = tpu.memref_squeeze %dma_start3A_234 : memref<1x64xf32, #tpu.memory_space<hbm>> -> memref<64xf32, #tpu.memory_space<hbm>>
      tpu.enqueue_dma source(%dma_start3A_235 : memref<64xf32, #tpu.memory_space<hbm>>) target(%dma_start3A_232 : memref<64xf32, #tpu.memory_space<vmem>>) target_semaphore(%arg8 : memref<!tpu.dma_semaphore, #tpu.memory_space<semaphore_mem>>)
      %slice3A_236 = vector.extract_strided_slice %add3A_180 {offsets = [3], sizes = [1], strides = [1]} : vector<16xi32> to vector<1xi32>
      %squeeze3A_237 = vector.extract %slice3A_236[0] : i32 from vector<1xi32>
      %mul3A_238 = arith.constant 16 : i32
      %mul3A_239 = arith.muli %scan3A_168, %mul3A_238 : i32
      %add3A_240 = arith.constant 3 : i32
      %add3A_241 = arith.addi %mul3A_239, %add3A_240 : i32
      %dma_start3A_242 = arith.constant 0 : i32
      %dma_start3A_243 = arith.constant 0 : i32
      %dma_start3A_244 = tpu.memref_slice %arg6[%dma_start3A_242, %add3A_241, %dma_start3A_243] : memref<2x256x64xf32, #tpu.memory_space<vmem>> -> memref<1x1x64xf32, #tpu.memory_space<vmem>>
      %dma_start3A_245 = tpu.memref_squeeze %dma_start3A_244 : memref<1x1x64xf32, #tpu.memory_space<vmem>> -> memref<64xf32, #tpu.memory_space<vmem>>
      %dma_start3A_246 = arith.constant 0 : i32
      %dma_start3A_247 = tpu.memref_slice %arg3[%squeeze3A_237, %dma_start3A_246] : memref<2600000x64xf32, #tpu.memory_space<hbm>> -> memref<1x64xf32, #tpu.memory_space<hbm>>
      %dma_start3A_248 = tpu.memref_squeeze %dma_start3A_247 : memref<1x64xf32, #tpu.memory_space<hbm>> -> memref<64xf32, #tpu.memory_space<hbm>>
      %dma_start3A_249 = arith.constant 0 : i32
      %dma_start3A_250 = tpu.memref_slice %arg6[%dma_start3A_242, %add3A_241, %dma_start3A_249] : memref<2x256x64xf32, #tpu.memory_space<vmem>> -> memref<1x1x64xf32, #tpu.memory_space<vmem>>
      %dma_start3A_251 = tpu.memref_squeeze %dma_start3A_250 : memref<1x1x64xf32, #tpu.memory_space<vmem>> -> memref<64xf32, #tpu.memory_space<vmem>>
      %dma_start3A_252 = arith.constant 0 : i32
      %dma_start3A_253 = tpu.memref_slice %arg3[%squeeze3A_237, %dma_start3A_252] : memref<2600000x64xf32, #tpu.memory_space<hbm>> -> memref<1x64xf32, #tpu.memory_space<hbm>>
      %dma_start3A_254 = tpu.memref_squeeze %dma_start3A_253 : memref<1x64xf32, #tpu.memory_space<hbm>> -> memref<64xf32, #tpu.memory_space<hbm>>
      tpu.enqueue_dma source(%dma_start3A_254 : memref<64xf32, #tpu.memory_space<hbm>>) target(%dma_start3A_251 : memref<64xf32, #tpu.memory_space<vmem>>) target_semaphore(%arg8 : memref<!tpu.dma_semaphore, #tpu.memory_space<semaphore_mem>>)
      %slice3A_255 = vector.extract_strided_slice %add3A_180 {offsets = [4], sizes = [1], strides = [1]} : vector<16xi32> to vector<1xi32>
      %squeeze3A_256 = vector.extract %slice3A_255[0] : i32 from vector<1xi32>
      %mul3A_257 = arith.constant 16 : i32
      %mul3A_258 = arith.muli %scan3A_168, %mul3A_257 : i32
      %add3A_259 = arith.constant 4 : i32
      %add3A_260 = arith.addi %mul3A_258, %add3A_259 : i32
      %dma_start3A_261 = arith.constant 0 : i32
      %dma_start3A_262 = arith.constant 0 : i32
      %dma_start3A_263 = tpu.memref_slice %arg6[%dma_start3A_261, %add3A_260, %dma_start3A_262] : memref<2x256x64xf32, #tpu.memory_space<vmem>> -> memref<1x1x64xf32, #tpu.memory_space<vmem>>
      %dma_start3A_264 = tpu.memref_squeeze %dma_start3A_263 : memref<1x1x64xf32, #tpu.memory_space<vmem>> -> memref<64xf32, #tpu.memory_space<vmem>>
      %dma_start3A_265 = arith.constant 0 : i32
      %dma_start3A_266 = tpu.memref_slice %arg3[%squeeze3A_256, %dma_start3A_265] : memref<2600000x64xf32, #tpu.memory_space<hbm>> -> memref<1x64xf32, #tpu.memory_space<hbm>>
      %dma_start3A_267 = tpu.memref_squeeze %dma_start3A_266 : memref<1x64xf32, #tpu.memory_space<hbm>> -> memref<64xf32, #tpu.memory_space<hbm>>
      %dma_start3A_268 = arith.constant 0 : i32
      %dma_start3A_269 = tpu.memref_slice %arg6[%dma_start3A_261, %add3A_260, %dma_start3A_268] : memref<2x256x64xf32, #tpu.memory_space<vmem>> -> memref<1x1x64xf32, #tpu.memory_space<vmem>>
      %dma_start3A_270 = tpu.memref_squeeze %dma_start3A_269 : memref<1x1x64xf32, #tpu.memory_space<vmem>> -> memref<64xf32, #tpu.memory_space<vmem>>
      %dma_start3A_271 = arith.constant 0 : i32
      %dma_start3A_272 = tpu.memref_slice %arg3[%squeeze3A_256, %dma_start3A_271] : memref<2600000x64xf32, #tpu.memory_space<hbm>> -> memref<1x64xf32, #tpu.memory_space<hbm>>
      %dma_start3A_273 = tpu.memref_squeeze %dma_start3A_272 : memref<1x64xf32, #tpu.memory_space<hbm>> -> memref<64xf32, #tpu.memory_space<hbm>>
      tpu.enqueue_dma source(%dma_start3A_273 : memref<64xf32, #tpu.memory_space<hbm>>) target(%dma_start3A_270 : memref<64xf32, #tpu.memory_space<vmem>>) target_semaphore(%arg8 : memref<!tpu.dma_semaphore, #tpu.memory_space<semaphore_mem>>)
      %slice3A_274 = vector.extract_strided_slice %add3A_180 {offsets = [5], sizes = [1], strides = [1]} : vector<16xi32> to vector<1xi32>
      %squeeze3A_275 = vector.extract %slice3A_274[0] : i32 from vector<1xi32>
      %mul3A_276 = arith.constant 16 : i32
      %mul3A_277 = arith.muli %scan3A_168, %mul3A_276 : i32
      %add3A_278 = arith.constant 5 : i32
      %add3A_279 = arith.addi %mul3A_277, %add3A_278 : i32
      %dma_start3A_280 = arith.constant 0 : i32
      %dma_start3A_281 = arith.constant 0 : i32
      %dma_start3A_282 = tpu.memref_slice %arg6[%dma_start3A_280, %add3A_279, %dma_start3A_281] : memref<2x256x64xf32, #tpu.memory_space<vmem>> -> memref<1x1x64xf32, #tpu.memory_space<vmem>>
      %dma_start3A_283 = tpu.memref_squeeze %dma_start3A_282 : memref<1x1x64xf32, #tpu.memory_space<vmem>> -> memref<64xf32, #tpu.memory_space<vmem>>
      %dma_start3A_284 = arith.constant 0 : i32
      %dma_start3A_285 = tpu.memref_slice %arg3[%squeeze3A_275, %dma_start3A_284] : memref<2600000x64xf32, #tpu.memory_space<hbm>> -> memref<1x64xf32, #tpu.memory_space<hbm>>
      %dma_start3A_286 = tpu.memref_squeeze %dma_start3A_285 : memref<1x64xf32, #tpu.memory_space<hbm>> -> memref<64xf32, #tpu.memory_space<hbm>>
      %dma_start3A_287 = arith.constant 0 : i32
      %dma_start3A_288 = tpu.memref_slice %arg6[%dma_start3A_280, %add3A_279, %dma_start3A_287] : memref<2x256x64xf32, #tpu.memory_space<vmem>> -> memref<1x1x64xf32, #tpu.memory_space<vmem>>
      %dma_start3A_289 = tpu.memref_squeeze %dma_start3A_288 : memref<1x1x64xf32, #tpu.memory_space<vmem>> -> memref<64xf32, #tpu.memory_space<vmem>>
      %dma_start3A_290 = arith.constant 0 : i32
      %dma_start3A_291 = tpu.memref_slice %arg3[%squeeze3A_275, %dma_start3A_290] : memref<2600000x64xf32, #tpu.memory_space<hbm>> -> memref<1x64xf32, #tpu.memory_space<hbm>>
      %dma_start3A_292 = tpu.memref_squeeze %dma_start3A_291 : memref<1x64xf32, #tpu.memory_space<hbm>> -> memref<64xf32, #tpu.memory_space<hbm>>
      tpu.enqueue_dma source(%dma_start3A_292 : memref<64xf32, #tpu.memory_space<hbm>>) target(%dma_start3A_289 : memref<64xf32, #tpu.memory_space<vmem>>) target_semaphore(%arg8 : memref<!tpu.dma_semaphore, #tpu.memory_space<semaphore_mem>>)
      %slice3A_293 = vector.extract_strided_slice %add3A_180 {offsets = [6], sizes = [1], strides = [1]} : vector<16xi32> to vector<1xi32>
      %squeeze3A_294 = vector.extract %slice3A_293[0] : i32 from vector<1xi32>
      %mul3A_295 = arith.constant 16 : i32
      %mul3A_296 = arith.muli %scan3A_168, %mul3A_295 : i32
      %add3A_297 = arith.constant 6 : i32
      %add3A_298 = arith.addi %mul3A_296, %add3A_297 : i32
      %dma_start3A_299 = arith.constant 0 : i32
      %dma_start3A_300 = arith.constant 0 : i32
      %dma_start3A_301 = tpu.memref_slice %arg6[%dma_start3A_299, %add3A_298, %dma_start3A_300] : memref<2x256x64xf32, #tpu.memory_space<vmem>> -> memref<1x1x64xf32, #tpu.memory_space<vmem>>
      %dma_start3A_302 = tpu.memref_squeeze %dma_start3A_301 : memref<1x1x64xf32, #tpu.memory_space<vmem>> -> memref<64xf32, #tpu.memory_space<vmem>>
      %dma_start3A_303 = arith.constant 0 : i32
      %dma_start3A_304 = tpu.memref_slice %arg3[%squeeze3A_294, %dma_start3A_303] : memref<2600000x64xf32, #tpu.memory_space<hbm>> -> memref<1x64xf32, #tpu.memory_space<hbm>>
      %dma_start3A_305 = tpu.memref_squeeze %dma_start3A_304 : memref<1x64xf32, #tpu.memory_space<hbm>> -> memref<64xf32, #tpu.memory_space<hbm>>
      %dma_start3A_306 = arith.constant 0 : i32
      %dma_start3A_307 = tpu.memref_slice %arg6[%dma_start3A_299, %add3A_298, %dma_start3A_306] : memref<2x256x64xf32, #tpu.memory_space<vmem>> -> memref<1x1x64xf32, #tpu.memory_space<vmem>>
      %dma_start3A_308 = tpu.memref_squeeze %dma_start3A_307 : memref<1x1x64xf32, #tpu.memory_space<vmem>> -> memref<64xf32, #tpu.memory_space<vmem>>
      %dma_start3A_309 = arith.constant 0 : i32
      %dma_start3A_310 = tpu.memref_slice %arg3[%squeeze3A_294, %dma_start3A_309] : memref<2600000x64xf32, #tpu.memory_space<hbm>> -> memref<1x64xf32, #tpu.memory_space<hbm>>
      %dma_start3A_311 = tpu.memref_squeeze %dma_start3A_310 : memref<1x64xf32, #tpu.memory_space<hbm>> -> memref<64xf32, #tpu.memory_space<hbm>>
      tpu.enqueue_dma source(%dma_start3A_311 : memref<64xf32, #tpu.memory_space<hbm>>) target(%dma_start3A_308 : memref<64xf32, #tpu.memory_space<vmem>>) target_semaphore(%arg8 : memref<!tpu.dma_semaphore, #tpu.memory_space<semaphore_mem>>)
      %slice3A_312 = vector.extract_strided_slice %add3A_180 {offsets = [7], sizes = [1], strides = [1]} : vector<16xi32> to vector<1xi32>
      %squeeze3A_313 = vector.extract %slice3A_312[0] : i32 from vector<1xi32>
      %mul3A_314 = arith.constant 16 : i32
      %mul3A_315 = arith.muli %scan3A_168, %mul3A_314 : i32
      %add3A_316 = arith.constant 7 : i32
      %add3A_317 = arith.addi %mul3A_315, %add3A_316 : i32
      %dma_start3A_318 = arith.constant 0 : i32
      %dma_start3A_319 = arith.constant 0 : i32
      %dma_start3A_320 = tpu.memref_slice %arg6[%dma_start3A_318, %add3A_317, %dma_start3A_319] : memref<2x256x64xf32, #tpu.memory_space<vmem>> -> memref<1x1x64xf32, #tpu.memory_space<vmem>>
      %dma_start3A_321 = tpu.memref_squeeze %dma_start3A_320 : memref<1x1x64xf32, #tpu.memory_space<vmem>> -> memref<64xf32, #tpu.memory_space<vmem>>
      %dma_start3A_322 = arith.constant 0 : i32
      %dma_start3A_323 = tpu.memref_slice %arg3[%squeeze3A_313, %dma_start3A_322] : memref<2600000x64xf32, #tpu.memory_space<hbm>> -> memref<1x64xf32, #tpu.memory_space<hbm>>
      %dma_start3A_324 = tpu.memref_squeeze %dma_start3A_323 : memref<1x64xf32, #tpu.memory_space<hbm>> -> memref<64xf32, #tpu.memory_space<hbm>>
      %dma_start3A_325 = arith.constant 0 : i32
      %dma_start3A_326 = tpu.memref_slice %arg6[%dma_start3A_318, %add3A_317, %dma_start3A_325] : memref<2x256x64xf32, #tpu.memory_space<vmem>> -> memref<1x1x64xf32, #tpu.memory_space<vmem>>
      %dma_start3A_327 = tpu.memref_squeeze %dma_start3A_326 : memref<1x1x64xf32, #tpu.memory_space<vmem>> -> memref<64xf32, #tpu.memory_space<vmem>>
      %dma_start3A_328 = arith.constant 0 : i32
      %dma_start3A_329 = tpu.memref_slice %arg3[%squeeze3A_313, %dma_start3A_328] : memref<2600000x64xf32, #tpu.memory_space<hbm>> -> memref<1x64xf32, #tpu.memory_space<hbm>>
      %dma_start3A_330 = tpu.memref_squeeze %dma_start3A_329 : memref<1x64xf32, #tpu.memory_space<hbm>> -> memref<64xf32, #tpu.memory_space<hbm>>
      tpu.enqueue_dma source(%dma_start3A_330 : memref<64xf32, #tpu.memory_space<hbm>>) target(%dma_start3A_327 : memref<64xf32, #tpu.memory_space<vmem>>) target_semaphore(%arg8 : memref<!tpu.dma_semaphore, #tpu.memory_space<semaphore_mem>>)
      %slice3A_331 = vector.extract_strided_slice %add3A_180 {offsets = [8], sizes = [1], strides = [1]} : vector<16xi32> to vector<1xi32>
      %squeeze3A_332 = vector.extract %slice3A_331[0] : i32 from vector<1xi32>
      %mul3A_333 = arith.constant 16 : i32
      %mul3A_334 = arith.muli %scan3A_168, %mul3A_333 : i32
      %add3A_335 = arith.constant 8 : i32
      %add3A_336 = arith.addi %mul3A_334, %add3A_335 : i32
      %dma_start3A_337 = arith.constant 0 : i32
      %dma_start3A_338 = arith.constant 0 : i32
      %dma_start3A_339 = tpu.memref_slice %arg6[%dma_start3A_337, %add3A_336, %dma_start3A_338] : memref<2x256x64xf32, #tpu.memory_space<vmem>> -> memref<1x1x64xf32, #tpu.memory_space<vmem>>
      %dma_start3A_340 = tpu.memref_squeeze %dma_start3A_339 : memref<1x1x64xf32, #tpu.memory_space<vmem>> -> memref<64xf32, #tpu.memory_space<vmem>>
      %dma_start3A_341 = arith.constant 0 : i32
      %dma_start3A_342 = tpu.memref_slice %arg3[%squeeze3A_332, %dma_start3A_341] : memref<2600000x64xf32, #tpu.memory_space<hbm>> -> memref<1x64xf32, #tpu.memory_space<hbm>>
      %dma_start3A_343 = tpu.memref_squeeze %dma_start3A_342 : memref<1x64xf32, #tpu.memory_space<hbm>> -> memref<64xf32, #tpu.memory_space<hbm>>
      %dma_start3A_344 = arith.constant 0 : i32
      %dma_start3A_345 = tpu.memref_slice %arg6[%dma_start3A_337, %add3A_336, %dma_start3A_344] : memref<2x256x64xf32, #tpu.memory_space<vmem>> -> memref<1x1x64xf32, #tpu.memory_space<vmem>>
      %dma_start3A_346 = tpu.memref_squeeze %dma_start3A_345 : memref<1x1x64xf32, #tpu.memory_space<vmem>> -> memref<64xf32, #tpu.memory_space<vmem>>
      %dma_start3A_347 = arith.constant 0 : i32
      %dma_start3A_348 = tpu.memref_slice %arg3[%squeeze3A_332, %dma_start3A_347] : memref<2600000x64xf32, #tpu.memory_space<hbm>> -> memref<1x64xf32, #tpu.memory_space<hbm>>
      %dma_start3A_349 = tpu.memref_squeeze %dma_start3A_348 : memref<1x64xf32, #tpu.memory_space<hbm>> -> memref<64xf32, #tpu.memory_space<hbm>>
      tpu.enqueue_dma source(%dma_start3A_349 : memref<64xf32, #tpu.memory_space<hbm>>) target(%dma_start3A_346 : memref<64xf32, #tpu.memory_space<vmem>>) target_semaphore(%arg8 : memref<!tpu.dma_semaphore, #tpu.memory_space<semaphore_mem>>)
      %slice3A_350 = vector.extract_strided_slice %add3A_180 {offsets = [9], sizes = [1], strides = [1]} : vector<16xi32> to vector<1xi32>
      %squeeze3A_351 = vector.extract %slice3A_350[0] : i32 from vector<1xi32>
      %mul3A_352 = arith.constant 16 : i32
      %mul3A_353 = arith.muli %scan3A_168, %mul3A_352 : i32
      %add3A_354 = arith.constant 9 : i32
      %add3A_355 = arith.addi %mul3A_353, %add3A_354 : i32
      %dma_start3A_356 = arith.constant 0 : i32
      %dma_start3A_357 = arith.constant 0 : i32
      %dma_start3A_358 = tpu.memref_slice %arg6[%dma_start3A_356, %add3A_355, %dma_start3A_357] : memref<2x256x64xf32, #tpu.memory_space<vmem>> -> memref<1x1x64xf32, #tpu.memory_space<vmem>>
      %dma_start3A_359 = tpu.memref_squeeze %dma_start3A_358 : memref<1x1x64xf32, #tpu.memory_space<vmem>> -> memref<64xf32, #tpu.memory_space<vmem>>
      %dma_start3A_360 = arith.constant 0 : i32
      %dma_start3A_361 = tpu.memref_slice %arg3[%squeeze3A_351, %dma_start3A_360] : memref<2600000x64xf32, #tpu.memory_space<hbm>> -> memref<1x64xf32, #tpu.memory_space<hbm>>
      %dma_start3A_362 = tpu.memref_squeeze %dma_start3A_361 : memref<1x64xf32, #tpu.memory_space<hbm>> -> memref<64xf32, #tpu.memory_space<hbm>>
      %dma_start3A_363 = arith.constant 0 : i32
      %dma_start3A_364 = tpu.memref_slice %arg6[%dma_start3A_356, %add3A_355, %dma_start3A_363] : memref<2x256x64xf32, #tpu.memory_space<vmem>> -> memref<1x1x64xf32, #tpu.memory_space<vmem>>
      %dma_start3A_365 = tpu.memref_squeeze %dma_start3A_364 : memref<1x1x64xf32, #tpu.memory_space<vmem>> -> memref<64xf32, #tpu.memory_space<vmem>>
      %dma_start3A_366 = arith.constant 0 : i32
      %dma_start3A_367 = tpu.memref_slice %arg3[%squeeze3A_351, %dma_start3A_366] : memref<2600000x64xf32, #tpu.memory_space<hbm>> -> memref<1x64xf32, #tpu.memory_space<hbm>>
      %dma_start3A_368 = tpu.memref_squeeze %dma_start3A_367 : memref<1x64xf32, #tpu.memory_space<hbm>> -> memref<64xf32, #tpu.memory_space<hbm>>
      tpu.enqueue_dma source(%dma_start3A_368 : memref<64xf32, #tpu.memory_space<hbm>>) target(%dma_start3A_365 : memref<64xf32, #tpu.memory_space<vmem>>) target_semaphore(%arg8 : memref<!tpu.dma_semaphore, #tpu.memory_space<semaphore_mem>>)
      %slice3A_369 = vector.extract_strided_slice %add3A_180 {offsets = [10], sizes = [1], strides = [1]} : vector<16xi32> to vector<1xi32>
      %squeeze3A_370 = vector.extract %slice3A_369[0] : i32 from vector<1xi32>
      %mul3A_371 = arith.constant 16 : i32
      %mul3A_372 = arith.muli %scan3A_168, %mul3A_371 : i32
      %add3A_373 = arith.constant 10 : i32
      %add3A_374 = arith.addi %mul3A_372, %add3A_373 : i32
      %dma_start3A_375 = arith.constant 0 : i32
      %dma_start3A_376 = arith.constant 0 : i32
      %dma_start3A_377 = tpu.memref_slice %arg6[%dma_start3A_375, %add3A_374, %dma_start3A_376] : memref<2x256x64xf32, #tpu.memory_space<vmem>> -> memref<1x1x64xf32, #tpu.memory_space<vmem>>
      %dma_start3A_378 = tpu.memref_squeeze %dma_start3A_377 : memref<1x1x64xf32, #tpu.memory_space<vmem>> -> memref<64xf32, #tpu.memory_space<vmem>>
      %dma_start3A_379 = arith.constant 0 : i32
      %dma_start3A_380 = tpu.memref_slice %arg3[%squeeze3A_370, %dma_start3A_379] : memref<2600000x64xf32, #tpu.memory_space<hbm>> -> memref<1x64xf32, #tpu.memory_space<hbm>>
      %dma_start3A_381 = tpu.memref_squeeze %dma_start3A_380 : memref<1x64xf32, #tpu.memory_space<hbm>> -> memref<64xf32, #tpu.memory_space<hbm>>
      %dma_start3A_382 = arith.constant 0 : i32
      %dma_start3A_383 = tpu.memref_slice %arg6[%dma_start3A_375, %add3A_374, %dma_start3A_382] : memref<2x256x64xf32, #tpu.memory_space<vmem>> -> memref<1x1x64xf32, #tpu.memory_space<vmem>>
      %dma_start3A_384 = tpu.memref_squeeze %dma_start3A_383 : memref<1x1x64xf32, #tpu.memory_space<vmem>> -> memref<64xf32, #tpu.memory_space<vmem>>
      %dma_start3A_385 = arith.constant 0 : i32
      %dma_start3A_386 = tpu.memref_slice %arg3[%squeeze3A_370, %dma_start3A_385] : memref<2600000x64xf32, #tpu.memory_space<hbm>> -> memref<1x64xf32, #tpu.memory_space<hbm>>
      %dma_start3A_387 = tpu.memref_squeeze %dma_start3A_386 : memref<1x64xf32, #tpu.memory_space<hbm>> -> memref<64xf32, #tpu.memory_space<hbm>>
      tpu.enqueue_dma source(%dma_start3A_387 : memref<64xf32, #tpu.memory_space<hbm>>) target(%dma_start3A_384 : memref<64xf32, #tpu.memory_space<vmem>>) target_semaphore(%arg8 : memref<!tpu.dma_semaphore, #tpu.memory_space<semaphore_mem>>)
      %slice3A_388 = vector.extract_strided_slice %add3A_180 {offsets = [11], sizes = [1], strides = [1]} : vector<16xi32> to vector<1xi32>
      %squeeze3A_389 = vector.extract %slice3A_388[0] : i32 from vector<1xi32>
      %mul3A_390 = arith.constant 16 : i32
      %mul3A_391 = arith.muli %scan3A_168, %mul3A_390 : i32
      %add3A_392 = arith.constant 11 : i32
      %add3A_393 = arith.addi %mul3A_391, %add3A_392 : i32
      %dma_start3A_394 = arith.constant 0 : i32
      %dma_start3A_395 = arith.constant 0 : i32
      %dma_start3A_396 = tpu.memref_slice %arg6[%dma_start3A_394, %add3A_393, %dma_start3A_395] : memref<2x256x64xf32, #tpu.memory_space<vmem>> -> memref<1x1x64xf32, #tpu.memory_space<vmem>>
      %dma_start3A_397 = tpu.memref_squeeze %dma_start3A_396 : memref<1x1x64xf32, #tpu.memory_space<vmem>> -> memref<64xf32, #tpu.memory_space<vmem>>
      %dma_start3A_398 = arith.constant 0 : i32
      %dma_start3A_399 = tpu.memref_slice %arg3[%squeeze3A_389, %dma_start3A_398] : memref<2600000x64xf32, #tpu.memory_space<hbm>> -> memref<1x64xf32, #tpu.memory_space<hbm>>
      %dma_start3A_400 = tpu.memref_squeeze %dma_start3A_399 : memref<1x64xf32, #tpu.memory_space<hbm>> -> memref<64xf32, #tpu.memory_space<hbm>>
      %dma_start3A_401 = arith.constant 0 : i32
      %dma_start3A_402 = tpu.memref_slice %arg6[%dma_start3A_394, %add3A_393, %dma_start3A_401] : memref<2x256x64xf32, #tpu.memory_space<vmem>> -> memref<1x1x64xf32, #tpu.memory_space<vmem>>
      %dma_start3A_403 = tpu.memref_squeeze %dma_start3A_402 : memref<1x1x64xf32, #tpu.memory_space<vmem>> -> memref<64xf32, #tpu.memory_space<vmem>>
      %dma_start3A_404 = arith.constant 0 : i32
      %dma_start3A_405 = tpu.memref_slice %arg3[%squeeze3A_389, %dma_start3A_404] : memref<2600000x64xf32, #tpu.memory_space<hbm>> -> memref<1x64xf32, #tpu.memory_space<hbm>>
      %dma_start3A_406 = tpu.memref_squeeze %dma_start3A_405 : memref<1x64xf32, #tpu.memory_space<hbm>> -> memref<64xf32, #tpu.memory_space<hbm>>
      tpu.enqueue_dma source(%dma_start3A_406 : memref<64xf32, #tpu.memory_space<hbm>>) target(%dma_start3A_403 : memref<64xf32, #tpu.memory_space<vmem>>) target_semaphore(%arg8 : memref<!tpu.dma_semaphore, #tpu.memory_space<semaphore_mem>>)
      %slice3A_407 = vector.extract_strided_slice %add3A_180 {offsets = [12], sizes = [1], strides = [1]} : vector<16xi32> to vector<1xi32>
      %squeeze3A_408 = vector.extract %slice3A_407[0] : i32 from vector<1xi32>
      %mul3A_409 = arith.constant 16 : i32
      %mul3A_410 = arith.muli %scan3A_168, %mul3A_409 : i32
      %add3A_411 = arith.constant 12 : i32
      %add3A_412 = arith.addi %mul3A_410, %add3A_411 : i32
      %dma_start3A_413 = arith.constant 0 : i32
      %dma_start3A_414 = arith.constant 0 : i32
      %dma_start3A_415 = tpu.memref_slice %arg6[%dma_start3A_413, %add3A_412, %dma_start3A_414] : memref<2x256x64xf32, #tpu.memory_space<vmem>> -> memref<1x1x64xf32, #tpu.memory_space<vmem>>
      %dma_start3A_416 = tpu.memref_squeeze %dma_start3A_415 : memref<1x1x64xf32, #tpu.memory_space<vmem>> -> memref<64xf32, #tpu.memory_space<vmem>>
      %dma_start3A_417 = arith.constant 0 : i32
      %dma_start3A_418 = tpu.memref_slice %arg3[%squeeze3A_408, %dma_start3A_417] : memref<2600000x64xf32, #tpu.memory_space<hbm>> -> memref<1x64xf32, #tpu.memory_space<hbm>>
      %dma_start3A_419 = tpu.memref_squeeze %dma_start3A_418 : memref<1x64xf32, #tpu.memory_space<hbm>> -> memref<64xf32, #tpu.memory_space<hbm>>
      %dma_start3A_420 = arith.constant 0 : i32
      %dma_start3A_421 = tpu.memref_slice %arg6[%dma_start3A_413, %add3A_412, %dma_start3A_420] : memref<2x256x64xf32, #tpu.memory_space<vmem>> -> memref<1x1x64xf32, #tpu.memory_space<vmem>>
      %dma_start3A_422 = tpu.memref_squeeze %dma_start3A_421 : memref<1x1x64xf32, #tpu.memory_space<vmem>> -> memref<64xf32, #tpu.memory_space<vmem>>
      %dma_start3A_423 = arith.constant 0 : i32
      %dma_start3A_424 = tpu.memref_slice %arg3[%squeeze3A_408, %dma_start3A_423] : memref<2600000x64xf32, #tpu.memory_space<hbm>> -> memref<1x64xf32, #tpu.memory_space<hbm>>
      %dma_start3A_425 = tpu.memref_squeeze %dma_start3A_424 : memref<1x64xf32, #tpu.memory_space<hbm>> -> memref<64xf32, #tpu.memory_space<hbm>>
      tpu.enqueue_dma source(%dma_start3A_425 : memref<64xf32, #tpu.memory_space<hbm>>) target(%dma_start3A_422 : memref<64xf32, #tpu.memory_space<vmem>>) target_semaphore(%arg8 : memref<!tpu.dma_semaphore, #tpu.memory_space<semaphore_mem>>)
      %slice3A_426 = vector.extract_strided_slice %add3A_180 {offsets = [13], sizes = [1], strides = [1]} : vector<16xi32> to vector<1xi32>
      %squeeze3A_427 = vector.extract %slice3A_426[0] : i32 from vector<1xi32>
      %mul3A_428 = arith.constant 16 : i32
      %mul3A_429 = arith.muli %scan3A_168, %mul3A_428 : i32
      %add3A_430 = arith.constant 13 : i32
      %add3A_431 = arith.addi %mul3A_429, %add3A_430 : i32
      %dma_start3A_432 = arith.constant 0 : i32
      %dma_start3A_433 = arith.constant 0 : i32
      %dma_start3A_434 = tpu.memref_slice %arg6[%dma_start3A_432, %add3A_431, %dma_start3A_433] : memref<2x256x64xf32, #tpu.memory_space<vmem>> -> memref<1x1x64xf32, #tpu.memory_space<vmem>>
      %dma_start3A_435 = tpu.memref_squeeze %dma_start3A_434 : memref<1x1x64xf32, #tpu.memory_space<vmem>> -> memref<64xf32, #tpu.memory_space<vmem>>
      %dma_start3A_436 = arith.constant 0 : i32
      %dma_start3A_437 = tpu.memref_slice %arg3[%squeeze3A_427, %dma_start3A_436] : memref<2600000x64xf32, #tpu.memory_space<hbm>> -> memref<1x64xf32, #tpu.memory_space<hbm>>
      %dma_start3A_438 = tpu.memref_squeeze %dma_start3A_437 : memref<1x64xf32, #tpu.memory_space<hbm>> -> memref<64xf32, #tpu.memory_space<hbm>>
      %dma_start3A_439 = arith.constant 0 : i32
      %dma_start3A_440 = tpu.memref_slice %arg6[%dma_start3A_432, %add3A_431, %dma_start3A_439] : memref<2x256x64xf32, #tpu.memory_space<vmem>> -> memref<1x1x64xf32, #tpu.memory_space<vmem>>
      %dma_start3A_441 = tpu.memref_squeeze %dma_start3A_440 : memref<1x1x64xf32, #tpu.memory_space<vmem>> -> memref<64xf32, #tpu.memory_space<vmem>>
      %dma_start3A_442 = arith.constant 0 : i32
      %dma_start3A_443 = tpu.memref_slice %arg3[%squeeze3A_427, %dma_start3A_442] : memref<2600000x64xf32, #tpu.memory_space<hbm>> -> memref<1x64xf32, #tpu.memory_space<hbm>>
      %dma_start3A_444 = tpu.memref_squeeze %dma_start3A_443 : memref<1x64xf32, #tpu.memory_space<hbm>> -> memref<64xf32, #tpu.memory_space<hbm>>
      tpu.enqueue_dma source(%dma_start3A_444 : memref<64xf32, #tpu.memory_space<hbm>>) target(%dma_start3A_441 : memref<64xf32, #tpu.memory_space<vmem>>) target_semaphore(%arg8 : memref<!tpu.dma_semaphore, #tpu.memory_space<semaphore_mem>>)
      %slice3A_445 = vector.extract_strided_slice %add3A_180 {offsets = [14], sizes = [1], strides = [1]} : vector<16xi32> to vector<1xi32>
      %squeeze3A_446 = vector.extract %slice3A_445[0] : i32 from vector<1xi32>
      %mul3A_447 = arith.constant 16 : i32
      %mul3A_448 = arith.muli %scan3A_168, %mul3A_447 : i32
      %add3A_449 = arith.constant 14 : i32
      %add3A_450 = arith.addi %mul3A_448, %add3A_449 : i32
      %dma_start3A_451 = arith.constant 0 : i32
      %dma_start3A_452 = arith.constant 0 : i32
      %dma_start3A_453 = tpu.memref_slice %arg6[%dma_start3A_451, %add3A_450, %dma_start3A_452] : memref<2x256x64xf32, #tpu.memory_space<vmem>> -> memref<1x1x64xf32, #tpu.memory_space<vmem>>
      %dma_start3A_454 = tpu.memref_squeeze %dma_start3A_453 : memref<1x1x64xf32, #tpu.memory_space<vmem>> -> memref<64xf32, #tpu.memory_space<vmem>>
      %dma_start3A_455 = arith.constant 0 : i32
      %dma_start3A_456 = tpu.memref_slice %arg3[%squeeze3A_446, %dma_start3A_455] : memref<2600000x64xf32, #tpu.memory_space<hbm>> -> memref<1x64xf32, #tpu.memory_space<hbm>>
      %dma_start3A_457 = tpu.memref_squeeze %dma_start3A_456 : memref<1x64xf32, #tpu.memory_space<hbm>> -> memref<64xf32, #tpu.memory_space<hbm>>
      %dma_start3A_458 = arith.constant 0 : i32
      %dma_start3A_459 = tpu.memref_slice %arg6[%dma_start3A_451, %add3A_450, %dma_start3A_458] : memref<2x256x64xf32, #tpu.memory_space<vmem>> -> memref<1x1x64xf32, #tpu.memory_space<vmem>>
      %dma_start3A_460 = tpu.memref_squeeze %dma_start3A_459 : memref<1x1x64xf32, #tpu.memory_space<vmem>> -> memref<64xf32, #tpu.memory_space<vmem>>
      %dma_start3A_461 = arith.constant 0 : i32
      %dma_start3A_462 = tpu.memref_slice %arg3[%squeeze3A_446, %dma_start3A_461] : memref<2600000x64xf32, #tpu.memory_space<hbm>> -> memref<1x64xf32, #tpu.memory_space<hbm>>
      %dma_start3A_463 = tpu.memref_squeeze %dma_start3A_462 : memref<1x64xf32, #tpu.memory_space<hbm>> -> memref<64xf32, #tpu.memory_space<hbm>>
      tpu.enqueue_dma source(%dma_start3A_463 : memref<64xf32, #tpu.memory_space<hbm>>) target(%dma_start3A_460 : memref<64xf32, #tpu.memory_space<vmem>>) target_semaphore(%arg8 : memref<!tpu.dma_semaphore, #tpu.memory_space<semaphore_mem>>)
      %slice3A_464 = vector.extract_strided_slice %add3A_180 {offsets = [15], sizes = [1], strides = [1]} : vector<16xi32> to vector<1xi32>
      %squeeze3A_465 = vector.extract %slice3A_464[0] : i32 from vector<1xi32>
      %mul3A_466 = arith.constant 16 : i32
      %mul3A_467 = arith.muli %scan3A_168, %mul3A_466 : i32
      %add3A_468 = arith.constant 15 : i32
      %add3A_469 = arith.addi %mul3A_467, %add3A_468 : i32
      %dma_start3A_470 = arith.constant 0 : i32
      %dma_start3A_471 = arith.constant 0 : i32
      %dma_start3A_472 = tpu.memref_slice %arg6[%dma_start3A_470, %add3A_469, %dma_start3A_471] : memref<2x256x64xf32, #tpu.memory_space<vmem>> -> memref<1x1x64xf32, #tpu.memory_space<vmem>>
      %dma_start3A_473 = tpu.memref_squeeze %dma_start3A_472 : memref<1x1x64xf32, #tpu.memory_space<vmem>> -> memref<64xf32, #tpu.memory_space<vmem>>
      %dma_start3A_474 = arith.constant 0 : i32
      %dma_start3A_475 = tpu.memref_slice %arg3[%squeeze3A_465, %dma_start3A_474] : memref<2600000x64xf32, #tpu.memory_space<hbm>> -> memref<1x64xf32, #tpu.memory_space<hbm>>
      %dma_start3A_476 = tpu.memref_squeeze %dma_start3A_475 : memref<1x64xf32, #tpu.memory_space<hbm>> -> memref<64xf32, #tpu.memory_space<hbm>>
      %dma_start3A_477 = arith.constant 0 : i32
      %dma_start3A_478 = tpu.memref_slice %arg6[%dma_start3A_470, %add3A_469, %dma_start3A_477] : memref<2x256x64xf32, #tpu.memory_space<vmem>> -> memref<1x1x64xf32, #tpu.memory_space<vmem>>
      %dma_start3A_479 = tpu.memref_squeeze %dma_start3A_478 : memref<1x1x64xf32, #tpu.memory_space<vmem>> -> memref<64xf32, #tpu.memory_space<vmem>>
      %dma_start3A_480 = arith.constant 0 : i32
      %dma_start3A_481 = tpu.memref_slice %arg3[%squeeze3A_465, %dma_start3A_480] : memref<2600000x64xf32, #tpu.memory_space<hbm>> -> memref<1x64xf32, #tpu.memory_space<hbm>>
      %dma_start3A_482 = tpu.memref_squeeze %dma_start3A_481 : memref<1x64xf32, #tpu.memory_space<hbm>> -> memref<64xf32, #tpu.memory_space<hbm>>
      tpu.enqueue_dma source(%dma_start3A_482 : memref<64xf32, #tpu.memory_space<hbm>>) target(%dma_start3A_479 : memref<64xf32, #tpu.memory_space<vmem>>) target_semaphore(%arg8 : memref<!tpu.dma_semaphore, #tpu.memory_space<semaphore_mem>>)
    }
    %scan3A_31 = arith.constant 16 : i32
    %add3A_32 = arith.constant 256 : i32
    %add3A_33 = arith.addi %mul3A_2, %add3A_32 : i32
    %dma_start3A_34 = arith.constant 0 : i32
    %dma_start3A_35 = arith.constant 1 : i32
    %dma_start3A_36 = arith.constant 0 : i32
    %dma_start3A_37 = tpu.memref_slice %arg5[%dma_start3A_35, %dma_start3A_36] : memref<2x256xi32, #tpu.memory_space<vmem>> -> memref<1x256xi32, #tpu.memory_space<vmem>>
    %dma_start3A_38 = tpu.memref_squeeze %dma_start3A_37 : memref<1x256xi32, #tpu.memory_space<vmem>> -> memref<256xi32, #tpu.memory_space<vmem>>
    %dma_start3A_39 = tpu.memref_slice %arg2[%dma_start3A_34, %add3A_33] : memref<26x16384xi32, #tpu.memory_space<hbm>> -> memref<1x256xi32, #tpu.memory_space<hbm>>
    %dma_start3A_40 = tpu.memref_squeeze %dma_start3A_39 : memref<1x256xi32, #tpu.memory_space<hbm>> -> memref<256xi32, #tpu.memory_space<hbm>>
    %dma_start3A_41 = arith.constant 0 : i32
    %dma_start3A_42 = tpu.memref_slice %arg5[%dma_start3A_35, %dma_start3A_41] : memref<2x256xi32, #tpu.memory_space<vmem>> -> memref<1x256xi32, #tpu.memory_space<vmem>>
    %dma_start3A_43 = tpu.memref_squeeze %dma_start3A_42 : memref<1x256xi32, #tpu.memory_space<vmem>> -> memref<256xi32, #tpu.memory_space<vmem>>
    %dma_start3A_44 = tpu.memref_slice %arg2[%dma_start3A_34, %add3A_33] : memref<26x16384xi32, #tpu.memory_space<hbm>> -> memref<1x256xi32, #tpu.memory_space<hbm>>
    %dma_start3A_45 = tpu.memref_squeeze %dma_start3A_44 : memref<1x256xi32, #tpu.memory_space<hbm>> -> memref<256xi32, #tpu.memory_space<hbm>>
    tpu.enqueue_dma source(%dma_start3A_45 : memref<256xi32, #tpu.memory_space<hbm>>) target(%dma_start3A_43 : memref<256xi32, #tpu.memory_space<vmem>>) target_semaphore(%arg7 : memref<!tpu.dma_semaphore, #tpu.memory_space<semaphore_mem>>)
    %dma_wait3A_46 = arith.constant 0 : i32
    %dma_wait3A_47 = arith.constant 1 : i32
    %dma_wait3A_48 = arith.constant 0 : i32
    %dma_wait3A_49 = tpu.memref_slice %arg5[%dma_wait3A_47, %dma_wait3A_48] : memref<2x256xi32, #tpu.memory_space<vmem>> -> memref<1x256xi32, #tpu.memory_space<vmem>>
    %dma_wait3A_50 = tpu.memref_squeeze %dma_wait3A_49 : memref<1x256xi32, #tpu.memory_space<vmem>> -> memref<256xi32, #tpu.memory_space<vmem>>
    %dma_wait3A_51 = tpu.memref_slice %arg2[%dma_wait3A_46, %add3A_33] : memref<26x16384xi32, #tpu.memory_space<hbm>> -> memref<1x256xi32, #tpu.memory_space<hbm>>
    %dma_wait3A_52 = tpu.memref_squeeze %dma_wait3A_51 : memref<1x256xi32, #tpu.memory_space<hbm>> -> memref<256xi32, #tpu.memory_space<hbm>>
    %dma_wait3A_53 = arith.constant 0 : i32
    %dma_wait3A_54 = tpu.memref_slice %arg5[%dma_wait3A_47, %dma_wait3A_53] : memref<2x256xi32, #tpu.memory_space<vmem>> -> memref<1x256xi32, #tpu.memory_space<vmem>>
    %dma_wait3A_55 = tpu.memref_squeeze %dma_wait3A_54 : memref<1x256xi32, #tpu.memory_space<vmem>> -> memref<256xi32, #tpu.memory_space<vmem>>
    %dma_wait3A_56 = tpu.memref_slice %arg2[%dma_wait3A_46, %add3A_33] : memref<26x16384xi32, #tpu.memory_space<hbm>> -> memref<1x256xi32, #tpu.memory_space<hbm>>
    %dma_wait3A_57 = tpu.memref_squeeze %dma_wait3A_56 : memref<1x256xi32, #tpu.memory_space<hbm>> -> memref<256xi32, #tpu.memory_space<hbm>>
    tpu.wait_dma2 semaphore(%arg7 : memref<!tpu.dma_semaphore, #tpu.memory_space<semaphore_mem>>) src(%dma_wait3A_57 : memref<256xi32, #tpu.memory_space<hbm>>) dst(%dma_wait3A_55 : memref<256xi32, #tpu.memory_space<vmem>>)
    %scan3A_58 = arith.constant 0 : i32
    %scan3A_59 = arith.constant 0 : i32
    %scan3A_60 = arith.constant 16 : i32
    %scan3A_61 = arith.addi %scan3A_59, %scan3A_60 : i32
    %scan3A_62 = arith.constant 1 : i32
    scf.for %scan3A_168 = %scan3A_59 to %scan3A_61 step %scan3A_62  : i32 {
      %mul3A_169 = arith.constant 16 : i32
      %mul3A_170 = arith.muli %scan3A_168, %mul3A_169 : i32
      %get3A = arith.constant 1 : i32
      %get3A_171 = arith.index_cast %get3A : i32 to index
      %get3A_172 = arith.index_cast %mul3A_170 : i32 to index
      %get3A_173 = tpu.vector_load %arg5[%get3A_171, %get3A_172] {strides = array<i32>} : memref<2x256xi32, #tpu.memory_space<vmem>>, vector<16xi32>,
      %min3A = arith.constant 99999 : i32
      %min3A_174 = vector.broadcast %min3A : i32 to vector<16xi32>
      %min3A_175 = arith.minsi %get3A_173, %min3A_174 : vector<16xi32>
      %max3A = arith.constant 0 : i32
      %max3A_176 = vector.broadcast %max3A : i32 to vector<16xi32>
      %max3A_177 = arith.maxsi %min3A_175, %max3A_176 : vector<16xi32>
      %add3A_178 = arith.constant 0 : i32
      %add3A_179 = vector.broadcast %add3A_178 : i32 to vector<16xi32>
      %add3A_180 = arith.addi %max3A_177, %add3A_179 : vector<16xi32>
      %slice3A = vector.extract_strided_slice %add3A_180 {offsets = [0], sizes = [1], strides = [1]} : vector<16xi32> to vector<1xi32>
      %squeeze3A = vector.extract %slice3A[0] : i32 from vector<1xi32>
      %mul3A_181 = arith.constant 16 : i32
      %mul3A_182 = arith.muli %scan3A_168, %mul3A_181 : i32
      %add3A_183 = arith.constant 0 : i32
      %add3A_184 = arith.addi %mul3A_182, %add3A_183 : i32
      %dma_start3A_185 = arith.constant 1 : i32
      %dma_start3A_186 = arith.constant 0 : i32
      %dma_start3A_187 = tpu.memref_slice %arg6[%dma_start3A_185, %add3A_184, %dma_start3A_186] : memref<2x256x64xf32, #tpu.memory_space<vmem>> -> memref<1x1x64xf32, #tpu.memory_space<vmem>>
      %dma_start3A_188 = tpu.memref_squeeze %dma_start3A_187 : memref<1x1x64xf32, #tpu.memory_space<vmem>> -> memref<64xf32, #tpu.memory_space<vmem>>
      %dma_start3A_189 = arith.constant 0 : i32
      %dma_start3A_190 = tpu.memref_slice %arg3[%squeeze3A, %dma_start3A_189] : memref<2600000x64xf32, #tpu.memory_space<hbm>> -> memref<1x64xf32, #tpu.memory_space<hbm>>
      %dma_start3A_191 = tpu.memref_squeeze %dma_start3A_190 : memref<1x64xf32, #tpu.memory_space<hbm>> -> memref<64xf32, #tpu.memory_space<hbm>>
      %dma_start3A_192 = arith.constant 0 : i32
      %dma_start3A_193 = tpu.memref_slice %arg6[%dma_start3A_185, %add3A_184, %dma_start3A_192] : memref<2x256x64xf32, #tpu.memory_space<vmem>> -> memref<1x1x64xf32, #tpu.memory_space<vmem>>
      %dma_start3A_194 = tpu.memref_squeeze %dma_start3A_193 : memref<1x1x64xf32, #tpu.memory_space<vmem>> -> memref<64xf32, #tpu.memory_space<vmem>>
      %dma_start3A_195 = arith.constant 0 : i32
      %dma_start3A_196 = tpu.memref_slice %arg3[%squeeze3A, %dma_start3A_195] : memref<2600000x64xf32, #tpu.memory_space<hbm>> -> memref<1x64xf32, #tpu.memory_space<hbm>>
      %dma_start3A_197 = tpu.memref_squeeze %dma_start3A_196 : memref<1x64xf32, #tpu.memory_space<hbm>> -> memref<64xf32, #tpu.memory_space<hbm>>
      tpu.enqueue_dma source(%dma_start3A_197 : memref<64xf32, #tpu.memory_space<hbm>>) target(%dma_start3A_194 : memref<64xf32, #tpu.memory_space<vmem>>) target_semaphore(%arg9 : memref<!tpu.dma_semaphore, #tpu.memory_space<semaphore_mem>>)
      %slice3A_198 = vector.extract_strided_slice %add3A_180 {offsets = [1], sizes = [1], strides = [1]} : vector<16xi32> to vector<1xi32>
      %squeeze3A_199 = vector.extract %slice3A_198[0] : i32 from vector<1xi32>
      %mul3A_200 = arith.constant 16 : i32
      %mul3A_201 = arith.muli %scan3A_168, %mul3A_200 : i32
      %add3A_202 = arith.constant 1 : i32
      %add3A_203 = arith.addi %mul3A_201, %add3A_202 : i32
      %dma_start3A_204 = arith.constant 1 : i32
      %dma_start3A_205 = arith.constant 0 : i32
      %dma_start3A_206 = tpu.memref_slice %arg6[%dma_start3A_204, %add3A_203, %dma_start3A_205] : memref<2x256x64xf32, #tpu.memory_space<vmem>> -> memref<1x1x64xf32, #tpu.memory_space<vmem>>
      %dma_start3A_207 = tpu.memref_squeeze %dma_start3A_206 : memref<1x1x64xf32, #tpu.memory_space<vmem>> -> memref<64xf32, #tpu.memory_space<vmem>>
      %dma_start3A_208 = arith.constant 0 : i32
      %dma_start3A_209 = tpu.memref_slice %arg3[%squeeze3A_199, %dma_start3A_208] : memref<2600000x64xf32, #tpu.memory_space<hbm>> -> memref<1x64xf32, #tpu.memory_space<hbm>>
      %dma_start3A_210 = tpu.memref_squeeze %dma_start3A_209 : memref<1x64xf32, #tpu.memory_space<hbm>> -> memref<64xf32, #tpu.memory_space<hbm>>
      %dma_start3A_211 = arith.constant 0 : i32
      %dma_start3A_212 = tpu.memref_slice %arg6[%dma_start3A_204, %add3A_203, %dma_start3A_211] : memref<2x256x64xf32, #tpu.memory_space<vmem>> -> memref<1x1x64xf32, #tpu.memory_space<vmem>>
      %dma_start3A_213 = tpu.memref_squeeze %dma_start3A_212 : memref<1x1x64xf32, #tpu.memory_space<vmem>> -> memref<64xf32, #tpu.memory_space<vmem>>
      %dma_start3A_214 = arith.constant 0 : i32
      %dma_start3A_215 = tpu.memref_slice %arg3[%squeeze3A_199, %dma_start3A_214] : memref<2600000x64xf32, #tpu.memory_space<hbm>> -> memref<1x64xf32, #tpu.memory_space<hbm>>
      %dma_start3A_216 = tpu.memref_squeeze %dma_start3A_215 : memref<1x64xf32, #tpu.memory_space<hbm>> -> memref<64xf32, #tpu.memory_space<hbm>>
      tpu.enqueue_dma source(%dma_start3A_216 : memref<64xf32, #tpu.memory_space<hbm>>) target(%dma_start3A_213 : memref<64xf32, #tpu.memory_space<vmem>>) target_semaphore(%arg9 : memref<!tpu.dma_semaphore, #tpu.memory_space<semaphore_mem>>)
      %slice3A_217 = vector.extract_strided_slice %add3A_180 {offsets = [2], sizes = [1], strides = [1]} : vector<16xi32> to vector<1xi32>
      %squeeze3A_218 = vector.extract %slice3A_217[0] : i32 from vector<1xi32>
      %mul3A_219 = arith.constant 16 : i32
      %mul3A_220 = arith.muli %scan3A_168, %mul3A_219 : i32
      %add3A_221 = arith.constant 2 : i32
      %add3A_222 = arith.addi %mul3A_220, %add3A_221 : i32
      %dma_start3A_223 = arith.constant 1 : i32
      %dma_start3A_224 = arith.constant 0 : i32
      %dma_start3A_225 = tpu.memref_slice %arg6[%dma_start3A_223, %add3A_222, %dma_start3A_224] : memref<2x256x64xf32, #tpu.memory_space<vmem>> -> memref<1x1x64xf32, #tpu.memory_space<vmem>>
      %dma_start3A_226 = tpu.memref_squeeze %dma_start3A_225 : memref<1x1x64xf32, #tpu.memory_space<vmem>> -> memref<64xf32, #tpu.memory_space<vmem>>
      %dma_start3A_227 = arith.constant 0 : i32
      %dma_start3A_228 = tpu.memref_slice %arg3[%squeeze3A_218, %dma_start3A_227] : memref<2600000x64xf32, #tpu.memory_space<hbm>> -> memref<1x64xf32, #tpu.memory_space<hbm>>
      %dma_start3A_229 = tpu.memref_squeeze %dma_start3A_228 : memref<1x64xf32, #tpu.memory_space<hbm>> -> memref<64xf32, #tpu.memory_space<hbm>>
      %dma_start3A_230 = arith.constant 0 : i32
      %dma_start3A_231 = tpu.memref_slice %arg6[%dma_start3A_223, %add3A_222, %dma_start3A_230] : memref<2x256x64xf32, #tpu.memory_space<vmem>> -> memref<1x1x64xf32, #tpu.memory_space<vmem>>
      %dma_start3A_232 = tpu.memref_squeeze %dma_start3A_231 : memref<1x1x64xf32, #tpu.memory_space<vmem>> -> memref<64xf32, #tpu.memory_space<vmem>>
      %dma_start3A_233 = arith.constant 0 : i32
      %dma_start3A_234 = tpu.memref_slice %arg3[%squeeze3A_218, %dma_start3A_233] : memref<2600000x64xf32, #tpu.memory_space<hbm>> -> memref<1x64xf32, #tpu.memory_space<hbm>>
      %dma_start3A_235 = tpu.memref_squeeze %dma_start3A_234 : memref<1x64xf32, #tpu.memory_space<hbm>> -> memref<64xf32, #tpu.memory_space<hbm>>
      tpu.enqueue_dma source(%dma_start3A_235 : memref<64xf32, #tpu.memory_space<hbm>>) target(%dma_start3A_232 : memref<64xf32, #tpu.memory_space<vmem>>) target_semaphore(%arg9 : memref<!tpu.dma_semaphore, #tpu.memory_space<semaphore_mem>>)
      %slice3A_236 = vector.extract_strided_slice %add3A_180 {offsets = [3], sizes = [1], strides = [1]} : vector<16xi32> to vector<1xi32>
      %squeeze3A_237 = vector.extract %slice3A_236[0] : i32 from vector<1xi32>
      %mul3A_238 = arith.constant 16 : i32
      %mul3A_239 = arith.muli %scan3A_168, %mul3A_238 : i32
      %add3A_240 = arith.constant 3 : i32
      %add3A_241 = arith.addi %mul3A_239, %add3A_240 : i32
      %dma_start3A_242 = arith.constant 1 : i32
      %dma_start3A_243 = arith.constant 0 : i32
      %dma_start3A_244 = tpu.memref_slice %arg6[%dma_start3A_242, %add3A_241, %dma_start3A_243] : memref<2x256x64xf32, #tpu.memory_space<vmem>> -> memref<1x1x64xf32, #tpu.memory_space<vmem>>
      %dma_start3A_245 = tpu.memref_squeeze %dma_start3A_244 : memref<1x1x64xf32, #tpu.memory_space<vmem>> -> memref<64xf32, #tpu.memory_space<vmem>>
      %dma_start3A_246 = arith.constant 0 : i32
      %dma_start3A_247 = tpu.memref_slice %arg3[%squeeze3A_237, %dma_start3A_246] : memref<2600000x64xf32, #tpu.memory_space<hbm>> -> memref<1x64xf32, #tpu.memory_space<hbm>>
      %dma_start3A_248 = tpu.memref_squeeze %dma_start3A_247 : memref<1x64xf32, #tpu.memory_space<hbm>> -> memref<64xf32, #tpu.memory_space<hbm>>
      %dma_start3A_249 = arith.constant 0 : i32
      %dma_start3A_250 = tpu.memref_slice %arg6[%dma_start3A_242, %add3A_241, %dma_start3A_249] : memref<2x256x64xf32, #tpu.memory_space<vmem>> -> memref<1x1x64xf32, #tpu.memory_space<vmem>>
      %dma_start3A_251 = tpu.memref_squeeze %dma_start3A_250 : memref<1x1x64xf32, #tpu.memory_space<vmem>> -> memref<64xf32, #tpu.memory_space<vmem>>
      %dma_start3A_252 = arith.constant 0 : i32
      %dma_start3A_253 = tpu.memref_slice %arg3[%squeeze3A_237, %dma_start3A_252] : memref<2600000x64xf32, #tpu.memory_space<hbm>> -> memref<1x64xf32, #tpu.memory_space<hbm>>
      %dma_start3A_254 = tpu.memref_squeeze %dma_start3A_253 : memref<1x64xf32, #tpu.memory_space<hbm>> -> memref<64xf32, #tpu.memory_space<hbm>>
      tpu.enqueue_dma source(%dma_start3A_254 : memref<64xf32, #tpu.memory_space<hbm>>) target(%dma_start3A_251 : memref<64xf32, #tpu.memory_space<vmem>>) target_semaphore(%arg9 : memref<!tpu.dma_semaphore, #tpu.memory_space<semaphore_mem>>)
      %slice3A_255 = vector.extract_strided_slice %add3A_180 {offsets = [4], sizes = [1], strides = [1]} : vector<16xi32> to vector<1xi32>
      %squeeze3A_256 = vector.extract %slice3A_255[0] : i32 from vector<1xi32>
      %mul3A_257 = arith.constant 16 : i32
      %mul3A_258 = arith.muli %scan3A_168, %mul3A_257 : i32
      %add3A_259 = arith.constant 4 : i32
      %add3A_260 = arith.addi %mul3A_258, %add3A_259 : i32
      %dma_start3A_261 = arith.constant 1 : i32
      %dma_start3A_262 = arith.constant 0 : i32
      %dma_start3A_263 = tpu.memref_slice %arg6[%dma_start3A_261, %add3A_260, %dma_start3A_262] : memref<2x256x64xf32, #tpu.memory_space<vmem>> -> memref<1x1x64xf32, #tpu.memory_space<vmem>>
      %dma_start3A_264 = tpu.memref_squeeze %dma_start3A_263 : memref<1x1x64xf32, #tpu.memory_space<vmem>> -> memref<64xf32, #tpu.memory_space<vmem>>
      %dma_start3A_265 = arith.constant 0 : i32
      %dma_start3A_266 = tpu.memref_slice %arg3[%squeeze3A_256, %dma_start3A_265] : memref<2600000x64xf32, #tpu.memory_space<hbm>> -> memref<1x64xf32, #tpu.memory_space<hbm>>
      %dma_start3A_267 = tpu.memref_squeeze %dma_start3A_266 : memref<1x64xf32, #tpu.memory_space<hbm>> -> memref<64xf32, #tpu.memory_space<hbm>>
      %dma_start3A_268 = arith.constant 0 : i32
      %dma_start3A_269 = tpu.memref_slice %arg6[%dma_start3A_261, %add3A_260, %dma_start3A_268] : memref<2x256x64xf32, #tpu.memory_space<vmem>> -> memref<1x1x64xf32, #tpu.memory_space<vmem>>
      %dma_start3A_270 = tpu.memref_squeeze %dma_start3A_269 : memref<1x1x64xf32, #tpu.memory_space<vmem>> -> memref<64xf32, #tpu.memory_space<vmem>>
      %dma_start3A_271 = arith.constant 0 : i32
      %dma_start3A_272 = tpu.memref_slice %arg3[%squeeze3A_256, %dma_start3A_271] : memref<2600000x64xf32, #tpu.memory_space<hbm>> -> memref<1x64xf32, #tpu.memory_space<hbm>>
      %dma_start3A_273 = tpu.memref_squeeze %dma_start3A_272 : memref<1x64xf32, #tpu.memory_space<hbm>> -> memref<64xf32, #tpu.memory_space<hbm>>
      tpu.enqueue_dma source(%dma_start3A_273 : memref<64xf32, #tpu.memory_space<hbm>>) target(%dma_start3A_270 : memref<64xf32, #tpu.memory_space<vmem>>) target_semaphore(%arg9 : memref<!tpu.dma_semaphore, #tpu.memory_space<semaphore_mem>>)
      %slice3A_274 = vector.extract_strided_slice %add3A_180 {offsets = [5], sizes = [1], strides = [1]} : vector<16xi32> to vector<1xi32>
      %squeeze3A_275 = vector.extract %slice3A_274[0] : i32 from vector<1xi32>
      %mul3A_276 = arith.constant 16 : i32
      %mul3A_277 = arith.muli %scan3A_168, %mul3A_276 : i32
      %add3A_278 = arith.constant 5 : i32
      %add3A_279 = arith.addi %mul3A_277, %add3A_278 : i32
      %dma_start3A_280 = arith.constant 1 : i32
      %dma_start3A_281 = arith.constant 0 : i32
      %dma_start3A_282 = tpu.memref_slice %arg6[%dma_start3A_280, %add3A_279, %dma_start3A_281] : memref<2x256x64xf32, #tpu.memory_space<vmem>> -> memref<1x1x64xf32, #tpu.memory_space<vmem>>
      %dma_start3A_283 = tpu.memref_squeeze %dma_start3A_282 : memref<1x1x64xf32, #tpu.memory_space<vmem>> -> memref<64xf32, #tpu.memory_space<vmem>>
      %dma_start3A_284 = arith.constant 0 : i32
      %dma_start3A_285 = tpu.memref_slice %arg3[%squeeze3A_275, %dma_start3A_284] : memref<2600000x64xf32, #tpu.memory_space<hbm>> -> memref<1x64xf32, #tpu.memory_space<hbm>>
      %dma_start3A_286 = tpu.memref_squeeze %dma_start3A_285 : memref<1x64xf32, #tpu.memory_space<hbm>> -> memref<64xf32, #tpu.memory_space<hbm>>
      %dma_start3A_287 = arith.constant 0 : i32
      %dma_start3A_288 = tpu.memref_slice %arg6[%dma_start3A_280, %add3A_279, %dma_start3A_287] : memref<2x256x64xf32, #tpu.memory_space<vmem>> -> memref<1x1x64xf32, #tpu.memory_space<vmem>>
      %dma_start3A_289 = tpu.memref_squeeze %dma_start3A_288 : memref<1x1x64xf32, #tpu.memory_space<vmem>> -> memref<64xf32, #tpu.memory_space<vmem>>
      %dma_start3A_290 = arith.constant 0 : i32
      %dma_start3A_291 = tpu.memref_slice %arg3[%squeeze3A_275, %dma_start3A_290] : memref<2600000x64xf32, #tpu.memory_space<hbm>> -> memref<1x64xf32, #tpu.memory_space<hbm>>
      %dma_start3A_292 = tpu.memref_squeeze %dma_start3A_291 : memref<1x64xf32, #tpu.memory_space<hbm>> -> memref<64xf32, #tpu.memory_space<hbm>>
      tpu.enqueue_dma source(%dma_start3A_292 : memref<64xf32, #tpu.memory_space<hbm>>) target(%dma_start3A_289 : memref<64xf32, #tpu.memory_space<vmem>>) target_semaphore(%arg9 : memref<!tpu.dma_semaphore, #tpu.memory_space<semaphore_mem>>)
      %slice3A_293 = vector.extract_strided_slice %add3A_180 {offsets = [6], sizes = [1], strides = [1]} : vector<16xi32> to vector<1xi32>
      %squeeze3A_294 = vector.extract %slice3A_293[0] : i32 from vector<1xi32>
      %mul3A_295 = arith.constant 16 : i32
      %mul3A_296 = arith.muli %scan3A_168, %mul3A_295 : i32
      %add3A_297 = arith.constant 6 : i32
      %add3A_298 = arith.addi %mul3A_296, %add3A_297 : i32
      %dma_start3A_299 = arith.constant 1 : i32
      %dma_start3A_300 = arith.constant 0 : i32
      %dma_start3A_301 = tpu.memref_slice %arg6[%dma_start3A_299, %add3A_298, %dma_start3A_300] : memref<2x256x64xf32, #tpu.memory_space<vmem>> -> memref<1x1x64xf32, #tpu.memory_space<vmem>>
      %dma_start3A_302 = tpu.memref_squeeze %dma_start3A_301 : memref<1x1x64xf32, #tpu.memory_space<vmem>> -> memref<64xf32, #tpu.memory_space<vmem>>
      %dma_start3A_303 = arith.constant 0 : i32
      %dma_start3A_304 = tpu.memref_slice %arg3[%squeeze3A_294, %dma_start3A_303] : memref<2600000x64xf32, #tpu.memory_space<hbm>> -> memref<1x64xf32, #tpu.memory_space<hbm>>
      %dma_start3A_305 = tpu.memref_squeeze %dma_start3A_304 : memref<1x64xf32, #tpu.memory_space<hbm>> -> memref<64xf32, #tpu.memory_space<hbm>>
      %dma_start3A_306 = arith.constant 0 : i32
      %dma_start3A_307 = tpu.memref_slice %arg6[%dma_start3A_299, %add3A_298, %dma_start3A_306] : memref<2x256x64xf32, #tpu.memory_space<vmem>> -> memref<1x1x64xf32, #tpu.memory_space<vmem>>
      %dma_start3A_308 = tpu.memref_squeeze %dma_start3A_307 : memref<1x1x64xf32, #tpu.memory_space<vmem>> -> memref<64xf32, #tpu.memory_space<vmem>>
      %dma_start3A_309 = arith.constant 0 : i32
      %dma_start3A_310 = tpu.memref_slice %arg3[%squeeze3A_294, %dma_start3A_309] : memref<2600000x64xf32, #tpu.memory_space<hbm>> -> memref<1x64xf32, #tpu.memory_space<hbm>>
      %dma_start3A_311 = tpu.memref_squeeze %dma_start3A_310 : memref<1x64xf32, #tpu.memory_space<hbm>> -> memref<64xf32, #tpu.memory_space<hbm>>
      tpu.enqueue_dma source(%dma_start3A_311 : memref<64xf32, #tpu.memory_space<hbm>>) target(%dma_start3A_308 : memref<64xf32, #tpu.memory_space<vmem>>) target_semaphore(%arg9 : memref<!tpu.dma_semaphore, #tpu.memory_space<semaphore_mem>>)
      %slice3A_312 = vector.extract_strided_slice %add3A_180 {offsets = [7], sizes = [1], strides = [1]} : vector<16xi32> to vector<1xi32>
      %squeeze3A_313 = vector.extract %slice3A_312[0] : i32 from vector<1xi32>
      %mul3A_314 = arith.constant 16 : i32
      %mul3A_315 = arith.muli %scan3A_168, %mul3A_314 : i32
      %add3A_316 = arith.constant 7 : i32
      %add3A_317 = arith.addi %mul3A_315, %add3A_316 : i32
      %dma_start3A_318 = arith.constant 1 : i32
      %dma_start3A_319 = arith.constant 0 : i32
      %dma_start3A_320 = tpu.memref_slice %arg6[%dma_start3A_318, %add3A_317, %dma_start3A_319] : memref<2x256x64xf32, #tpu.memory_space<vmem>> -> memref<1x1x64xf32, #tpu.memory_space<vmem>>
      %dma_start3A_321 = tpu.memref_squeeze %dma_start3A_320 : memref<1x1x64xf32, #tpu.memory_space<vmem>> -> memref<64xf32, #tpu.memory_space<vmem>>
      %dma_start3A_322 = arith.constant 0 : i32
      %dma_start3A_323 = tpu.memref_slice %arg3[%squeeze3A_313, %dma_start3A_322] : memref<2600000x64xf32, #tpu.memory_space<hbm>> -> memref<1x64xf32, #tpu.memory_space<hbm>>
      %dma_start3A_324 = tpu.memref_squeeze %dma_start3A_323 : memref<1x64xf32, #tpu.memory_space<hbm>> -> memref<64xf32, #tpu.memory_space<hbm>>
      %dma_start3A_325 = arith.constant 0 : i32
      %dma_start3A_326 = tpu.memref_slice %arg6[%dma_start3A_318, %add3A_317, %dma_start3A_325] : memref<2x256x64xf32, #tpu.memory_space<vmem>> -> memref<1x1x64xf32, #tpu.memory_space<vmem>>
      %dma_start3A_327 = tpu.memref_squeeze %dma_start3A_326 : memref<1x1x64xf32, #tpu.memory_space<vmem>> -> memref<64xf32, #tpu.memory_space<vmem>>
      %dma_start3A_328 = arith.constant 0 : i32
      %dma_start3A_329 = tpu.memref_slice %arg3[%squeeze3A_313, %dma_start3A_328] : memref<2600000x64xf32, #tpu.memory_space<hbm>> -> memref<1x64xf32, #tpu.memory_space<hbm>>
      %dma_start3A_330 = tpu.memref_squeeze %dma_start3A_329 : memref<1x64xf32, #tpu.memory_space<hbm>> -> memref<64xf32, #tpu.memory_space<hbm>>
      tpu.enqueue_dma source(%dma_start3A_330 : memref<64xf32, #tpu.memory_space<hbm>>) target(%dma_start3A_327 : memref<64xf32, #tpu.memory_space<vmem>>) target_semaphore(%arg9 : memref<!tpu.dma_semaphore, #tpu.memory_space<semaphore_mem>>)
      %slice3A_331 = vector.extract_strided_slice %add3A_180 {offsets = [8], sizes = [1], strides = [1]} : vector<16xi32> to vector<1xi32>
      %squeeze3A_332 = vector.extract %slice3A_331[0] : i32 from vector<1xi32>
      %mul3A_333 = arith.constant 16 : i32
      %mul3A_334 = arith.muli %scan3A_168, %mul3A_333 : i32
      %add3A_335 = arith.constant 8 : i32
      %add3A_336 = arith.addi %mul3A_334, %add3A_335 : i32
      %dma_start3A_337 = arith.constant 1 : i32
      %dma_start3A_338 = arith.constant 0 : i32
      %dma_start3A_339 = tpu.memref_slice %arg6[%dma_start3A_337, %add3A_336, %dma_start3A_338] : memref<2x256x64xf32, #tpu.memory_space<vmem>> -> memref<1x1x64xf32, #tpu.memory_space<vmem>>
      %dma_start3A_340 = tpu.memref_squeeze %dma_start3A_339 : memref<1x1x64xf32, #tpu.memory_space<vmem>> -> memref<64xf32, #tpu.memory_space<vmem>>
      %dma_start3A_341 = arith.constant 0 : i32
      %dma_start3A_342 = tpu.memref_slice %arg3[%squeeze3A_332, %dma_start3A_341] : memref<2600000x64xf32, #tpu.memory_space<hbm>> -> memref<1x64xf32, #tpu.memory_space<hbm>>
      %dma_start3A_343 = tpu.memref_squeeze %dma_start3A_342 : memref<1x64xf32, #tpu.memory_space<hbm>> -> memref<64xf32, #tpu.memory_space<hbm>>
      %dma_start3A_344 = arith.constant 0 : i32
      %dma_start3A_345 = tpu.memref_slice %arg6[%dma_start3A_337, %add3A_336, %dma_start3A_344] : memref<2x256x64xf32, #tpu.memory_space<vmem>> -> memref<1x1x64xf32, #tpu.memory_space<vmem>>
      %dma_start3A_346 = tpu.memref_squeeze %dma_start3A_345 : memref<1x1x64xf32, #tpu.memory_space<vmem>> -> memref<64xf32, #tpu.memory_space<vmem>>
      %dma_start3A_347 = arith.constant 0 : i32
      %dma_start3A_348 = tpu.memref_slice %arg3[%squeeze3A_332, %dma_start3A_347] : memref<2600000x64xf32, #tpu.memory_space<hbm>> -> memref<1x64xf32, #tpu.memory_space<hbm>>
      %dma_start3A_349 = tpu.memref_squeeze %dma_start3A_348 : memref<1x64xf32, #tpu.memory_space<hbm>> -> memref<64xf32, #tpu.memory_space<hbm>>
      tpu.enqueue_dma source(%dma_start3A_349 : memref<64xf32, #tpu.memory_space<hbm>>) target(%dma_start3A_346 : memref<64xf32, #tpu.memory_space<vmem>>) target_semaphore(%arg9 : memref<!tpu.dma_semaphore, #tpu.memory_space<semaphore_mem>>)
      %slice3A_350 = vector.extract_strided_slice %add3A_180 {offsets = [9], sizes = [1], strides = [1]} : vector<16xi32> to vector<1xi32>
      %squeeze3A_351 = vector.extract %slice3A_350[0] : i32 from vector<1xi32>
      %mul3A_352 = arith.constant 16 : i32
      %mul3A_353 = arith.muli %scan3A_168, %mul3A_352 : i32
      %add3A_354 = arith.constant 9 : i32
      %add3A_355 = arith.addi %mul3A_353, %add3A_354 : i32
      %dma_start3A_356 = arith.constant 1 : i32
      %dma_start3A_357 = arith.constant 0 : i32
      %dma_start3A_358 = tpu.memref_slice %arg6[%dma_start3A_356, %add3A_355, %dma_start3A_357] : memref<2x256x64xf32, #tpu.memory_space<vmem>> -> memref<1x1x64xf32, #tpu.memory_space<vmem>>
      %dma_start3A_359 = tpu.memref_squeeze %dma_start3A_358 : memref<1x1x64xf32, #tpu.memory_space<vmem>> -> memref<64xf32, #tpu.memory_space<vmem>>
      %dma_start3A_360 = arith.constant 0 : i32
      %dma_start3A_361 = tpu.memref_slice %arg3[%squeeze3A_351, %dma_start3A_360] : memref<2600000x64xf32, #tpu.memory_space<hbm>> -> memref<1x64xf32, #tpu.memory_space<hbm>>
      %dma_start3A_362 = tpu.memref_squeeze %dma_start3A_361 : memref<1x64xf32, #tpu.memory_space<hbm>> -> memref<64xf32, #tpu.memory_space<hbm>>
      %dma_start3A_363 = arith.constant 0 : i32
      %dma_start3A_364 = tpu.memref_slice %arg6[%dma_start3A_356, %add3A_355, %dma_start3A_363] : memref<2x256x64xf32, #tpu.memory_space<vmem>> -> memref<1x1x64xf32, #tpu.memory_space<vmem>>
      %dma_start3A_365 = tpu.memref_squeeze %dma_start3A_364 : memref<1x1x64xf32, #tpu.memory_space<vmem>> -> memref<64xf32, #tpu.memory_space<vmem>>
      %dma_start3A_366 = arith.constant 0 : i32
      %dma_start3A_367 = tpu.memref_slice %arg3[%squeeze3A_351, %dma_start3A_366] : memref<2600000x64xf32, #tpu.memory_space<hbm>> -> memref<1x64xf32, #tpu.memory_space<hbm>>
      %dma_start3A_368 = tpu.memref_squeeze %dma_start3A_367 : memref<1x64xf32, #tpu.memory_space<hbm>> -> memref<64xf32, #tpu.memory_space<hbm>>
      tpu.enqueue_dma source(%dma_start3A_368 : memref<64xf32, #tpu.memory_space<hbm>>) target(%dma_start3A_365 : memref<64xf32, #tpu.memory_space<vmem>>) target_semaphore(%arg9 : memref<!tpu.dma_semaphore, #tpu.memory_space<semaphore_mem>>)
      %slice3A_369 = vector.extract_strided_slice %add3A_180 {offsets = [10], sizes = [1], strides = [1]} : vector<16xi32> to vector<1xi32>
      %squeeze3A_370 = vector.extract %slice3A_369[0] : i32 from vector<1xi32>
      %mul3A_371 = arith.constant 16 : i32
      %mul3A_372 = arith.muli %scan3A_168, %mul3A_371 : i32
      %add3A_373 = arith.constant 10 : i32
      %add3A_374 = arith.addi %mul3A_372, %add3A_373 : i32
      %dma_start3A_375 = arith.constant 1 : i32
      %dma_start3A_376 = arith.constant 0 : i32
      %dma_start3A_377 = tpu.memref_slice %arg6[%dma_start3A_375, %add3A_374, %dma_start3A_376] : memref<2x256x64xf32, #tpu.memory_space<vmem>> -> memref<1x1x64xf32, #tpu.memory_space<vmem>>
      %dma_start3A_378 = tpu.memref_squeeze %dma_start3A_377 : memref<1x1x64xf32, #tpu.memory_space<vmem>> -> memref<64xf32, #tpu.memory_space<vmem>>
      %dma_start3A_379 = arith.constant 0 : i32
      %dma_start3A_380 = tpu.memref_slice %arg3[%squeeze3A_370, %dma_start3A_379] : memref<2600000x64xf32, #tpu.memory_space<hbm>> -> memref<1x64xf32, #tpu.memory_space<hbm>>
      %dma_start3A_381 = tpu.memref_squeeze %dma_start3A_380 : memref<1x64xf32, #tpu.memory_space<hbm>> -> memref<64xf32, #tpu.memory_space<hbm>>
      %dma_start3A_382 = arith.constant 0 : i32
      %dma_start3A_383 = tpu.memref_slice %arg6[%dma_start3A_375, %add3A_374, %dma_start3A_382] : memref<2x256x64xf32, #tpu.memory_space<vmem>> -> memref<1x1x64xf32, #tpu.memory_space<vmem>>
      %dma_start3A_384 = tpu.memref_squeeze %dma_start3A_383 : memref<1x1x64xf32, #tpu.memory_space<vmem>> -> memref<64xf32, #tpu.memory_space<vmem>>
      %dma_start3A_385 = arith.constant 0 : i32
      %dma_start3A_386 = tpu.memref_slice %arg3[%squeeze3A_370, %dma_start3A_385] : memref<2600000x64xf32, #tpu.memory_space<hbm>> -> memref<1x64xf32, #tpu.memory_space<hbm>>
      %dma_start3A_387 = tpu.memref_squeeze %dma_start3A_386 : memref<1x64xf32, #tpu.memory_space<hbm>> -> memref<64xf32, #tpu.memory_space<hbm>>
      tpu.enqueue_dma source(%dma_start3A_387 : memref<64xf32, #tpu.memory_space<hbm>>) target(%dma_start3A_384 : memref<64xf32, #tpu.memory_space<vmem>>) target_semaphore(%arg9 : memref<!tpu.dma_semaphore, #tpu.memory_space<semaphore_mem>>)
      %slice3A_388 = vector.extract_strided_slice %add3A_180 {offsets = [11], sizes = [1], strides = [1]} : vector<16xi32> to vector<1xi32>
      %squeeze3A_389 = vector.extract %slice3A_388[0] : i32 from vector<1xi32>
      %mul3A_390 = arith.constant 16 : i32
      %mul3A_391 = arith.muli %scan3A_168, %mul3A_390 : i32
      %add3A_392 = arith.constant 11 : i32
      %add3A_393 = arith.addi %mul3A_391, %add3A_392 : i32
      %dma_start3A_394 = arith.constant 1 : i32
      %dma_start3A_395 = arith.constant 0 : i32
      %dma_start3A_396 = tpu.memref_slice %arg6[%dma_start3A_394, %add3A_393, %dma_start3A_395] : memref<2x256x64xf32, #tpu.memory_space<vmem>> -> memref<1x1x64xf32, #tpu.memory_space<vmem>>
      %dma_start3A_397 = tpu.memref_squeeze %dma_start3A_396 : memref<1x1x64xf32, #tpu.memory_space<vmem>> -> memref<64xf32, #tpu.memory_space<vmem>>
      %dma_start3A_398 = arith.constant 0 : i32
      %dma_start3A_399 = tpu.memref_slice %arg3[%squeeze3A_389, %dma_start3A_398] : memref<2600000x64xf32, #tpu.memory_space<hbm>> -> memref<1x64xf32, #tpu.memory_space<hbm>>
      %dma_start3A_400 = tpu.memref_squeeze %dma_start3A_399 : memref<1x64xf32, #tpu.memory_space<hbm>> -> memref<64xf32, #tpu.memory_space<hbm>>
      %dma_start3A_401 = arith.constant 0 : i32
      %dma_start3A_402 = tpu.memref_slice %arg6[%dma_start3A_394, %add3A_393, %dma_start3A_401] : memref<2x256x64xf32, #tpu.memory_space<vmem>> -> memref<1x1x64xf32, #tpu.memory_space<vmem>>
      %dma_start3A_403 = tpu.memref_squeeze %dma_start3A_402 : memref<1x1x64xf32, #tpu.memory_space<vmem>> -> memref<64xf32, #tpu.memory_space<vmem>>
      %dma_start3A_404 = arith.constant 0 : i32
      %dma_start3A_405 = tpu.memref_slice %arg3[%squeeze3A_389, %dma_start3A_404] : memref<2600000x64xf32, #tpu.memory_space<hbm>> -> memref<1x64xf32, #tpu.memory_space<hbm>>
      %dma_start3A_406 = tpu.memref_squeeze %dma_start3A_405 : memref<1x64xf32, #tpu.memory_space<hbm>> -> memref<64xf32, #tpu.memory_space<hbm>>
      tpu.enqueue_dma source(%dma_start3A_406 : memref<64xf32, #tpu.memory_space<hbm>>) target(%dma_start3A_403 : memref<64xf32, #tpu.memory_space<vmem>>) target_semaphore(%arg9 : memref<!tpu.dma_semaphore, #tpu.memory_space<semaphore_mem>>)
      %slice3A_407 = vector.extract_strided_slice %add3A_180 {offsets = [12], sizes = [1], strides = [1]} : vector<16xi32> to vector<1xi32>
      %squeeze3A_408 = vector.extract %slice3A_407[0] : i32 from vector<1xi32>
      %mul3A_409 = arith.constant 16 : i32
      %mul3A_410 = arith.muli %scan3A_168, %mul3A_409 : i32
      %add3A_411 = arith.constant 12 : i32
      %add3A_412 = arith.addi %mul3A_410, %add3A_411 : i32
      %dma_start3A_413 = arith.constant 1 : i32
      %dma_start3A_414 = arith.constant 0 : i32
      %dma_start3A_415 = tpu.memref_slice %arg6[%dma_start3A_413, %add3A_412, %dma_start3A_414] : memref<2x256x64xf32, #tpu.memory_space<vmem>> -> memref<1x1x64xf32, #tpu.memory_space<vmem>>
      %dma_start3A_416 = tpu.memref_squeeze %dma_start3A_415 : memref<1x1x64xf32, #tpu.memory_space<vmem>> -> memref<64xf32, #tpu.memory_space<vmem>>
      %dma_start3A_417 = arith.constant 0 : i32
      %dma_start3A_418 = tpu.memref_slice %arg3[%squeeze3A_408, %dma_start3A_417] : memref<2600000x64xf32, #tpu.memory_space<hbm>> -> memref<1x64xf32, #tpu.memory_space<hbm>>
      %dma_start3A_419 = tpu.memref_squeeze %dma_start3A_418 : memref<1x64xf32, #tpu.memory_space<hbm>> -> memref<64xf32, #tpu.memory_space<hbm>>
      %dma_start3A_420 = arith.constant 0 : i32
      %dma_start3A_421 = tpu.memref_slice %arg6[%dma_start3A_413, %add3A_412, %dma_start3A_420] : memref<2x256x64xf32, #tpu.memory_space<vmem>> -> memref<1x1x64xf32, #tpu.memory_space<vmem>>
      %dma_start3A_422 = tpu.memref_squeeze %dma_start3A_421 : memref<1x1x64xf32, #tpu.memory_space<vmem>> -> memref<64xf32, #tpu.memory_space<vmem>>
      %dma_start3A_423 = arith.constant 0 : i32
      %dma_start3A_424 = tpu.memref_slice %arg3[%squeeze3A_408, %dma_start3A_423] : memref<2600000x64xf32, #tpu.memory_space<hbm>> -> memref<1x64xf32, #tpu.memory_space<hbm>>
      %dma_start3A_425 = tpu.memref_squeeze %dma_start3A_424 : memref<1x64xf32, #tpu.memory_space<hbm>> -> memref<64xf32, #tpu.memory_space<hbm>>
      tpu.enqueue_dma source(%dma_start3A_425 : memref<64xf32, #tpu.memory_space<hbm>>) target(%dma_start3A_422 : memref<64xf32, #tpu.memory_space<vmem>>) target_semaphore(%arg9 : memref<!tpu.dma_semaphore, #tpu.memory_space<semaphore_mem>>)
      %slice3A_426 = vector.extract_strided_slice %add3A_180 {offsets = [13], sizes = [1], strides = [1]} : vector<16xi32> to vector<1xi32>
      %squeeze3A_427 = vector.extract %slice3A_426[0] : i32 from vector<1xi32>
      %mul3A_428 = arith.constant 16 : i32
      %mul3A_429 = arith.muli %scan3A_168, %mul3A_428 : i32
      %add3A_430 = arith.constant 13 : i32
      %add3A_431 = arith.addi %mul3A_429, %add3A_430 : i32
      %dma_start3A_432 = arith.constant 1 : i32
      %dma_start3A_433 = arith.constant 0 : i32
      %dma_start3A_434 = tpu.memref_slice %arg6[%dma_start3A_432, %add3A_431, %dma_start3A_433] : memref<2x256x64xf32, #tpu.memory_space<vmem>> -> memref<1x1x64xf32, #tpu.memory_space<vmem>>
      %dma_start3A_435 = tpu.memref_squeeze %dma_start3A_434 : memref<1x1x64xf32, #tpu.memory_space<vmem>> -> memref<64xf32, #tpu.memory_space<vmem>>
      %dma_start3A_436 = arith.constant 0 : i32
      %dma_start3A_437 = tpu.memref_slice %arg3[%squeeze3A_427, %dma_start3A_436] : memref<2600000x64xf32, #tpu.memory_space<hbm>> -> memref<1x64xf32, #tpu.memory_space<hbm>>
      %dma_start3A_438 = tpu.memref_squeeze %dma_start3A_437 : memref<1x64xf32, #tpu.memory_space<hbm>> -> memref<64xf32, #tpu.memory_space<hbm>>
      %dma_start3A_439 = arith.constant 0 : i32
      %dma_start3A_440 = tpu.memref_slice %arg6[%dma_start3A_432, %add3A_431, %dma_start3A_439] : memref<2x256x64xf32, #tpu.memory_space<vmem>> -> memref<1x1x64xf32, #tpu.memory_space<vmem>>
      %dma_start3A_441 = tpu.memref_squeeze %dma_start3A_440 : memref<1x1x64xf32, #tpu.memory_space<vmem>> -> memref<64xf32, #tpu.memory_space<vmem>>
      %dma_start3A_442 = arith.constant 0 : i32
      %dma_start3A_443 = tpu.memref_slice %arg3[%squeeze3A_427, %dma_start3A_442] : memref<2600000x64xf32, #tpu.memory_space<hbm>> -> memref<1x64xf32, #tpu.memory_space<hbm>>
      %dma_start3A_444 = tpu.memref_squeeze %dma_start3A_443 : memref<1x64xf32, #tpu.memory_space<hbm>> -> memref<64xf32, #tpu.memory_space<hbm>>
      tpu.enqueue_dma source(%dma_start3A_444 : memref<64xf32, #tpu.memory_space<hbm>>) target(%dma_start3A_441 : memref<64xf32, #tpu.memory_space<vmem>>) target_semaphore(%arg9 : memref<!tpu.dma_semaphore, #tpu.memory_space<semaphore_mem>>)
      %slice3A_445 = vector.extract_strided_slice %add3A_180 {offsets = [14], sizes = [1], strides = [1]} : vector<16xi32> to vector<1xi32>
      %squeeze3A_446 = vector.extract %slice3A_445[0] : i32 from vector<1xi32>
      %mul3A_447 = arith.constant 16 : i32
      %mul3A_448 = arith.muli %scan3A_168, %mul3A_447 : i32
      %add3A_449 = arith.constant 14 : i32
      %add3A_450 = arith.addi %mul3A_448, %add3A_449 : i32
      %dma_start3A_451 = arith.constant 1 : i32
      %dma_start3A_452 = arith.constant 0 : i32
      %dma_start3A_453 = tpu.memref_slice %arg6[%dma_start3A_451, %add3A_450, %dma_start3A_452] : memref<2x256x64xf32, #tpu.memory_space<vmem>> -> memref<1x1x64xf32, #tpu.memory_space<vmem>>
      %dma_start3A_454 = tpu.memref_squeeze %dma_start3A_453 : memref<1x1x64xf32, #tpu.memory_space<vmem>> -> memref<64xf32, #tpu.memory_space<vmem>>
      %dma_start3A_455 = arith.constant 0 : i32
      %dma_start3A_456 = tpu.memref_slice %arg3[%squeeze3A_446, %dma_start3A_455] : memref<2600000x64xf32, #tpu.memory_space<hbm>> -> memref<1x64xf32, #tpu.memory_space<hbm>>
      %dma_start3A_457 = tpu.memref_squeeze %dma_start3A_456 : memref<1x64xf32, #tpu.memory_space<hbm>> -> memref<64xf32, #tpu.memory_space<hbm>>
      %dma_start3A_458 = arith.constant 0 : i32
      %dma_start3A_459 = tpu.memref_slice %arg6[%dma_start3A_451, %add3A_450, %dma_start3A_458] : memref<2x256x64xf32, #tpu.memory_space<vmem>> -> memref<1x1x64xf32, #tpu.memory_space<vmem>>
      %dma_start3A_460 = tpu.memref_squeeze %dma_start3A_459 : memref<1x1x64xf32, #tpu.memory_space<vmem>> -> memref<64xf32, #tpu.memory_space<vmem>>
      %dma_start3A_461 = arith.constant 0 : i32
      %dma_start3A_462 = tpu.memref_slice %arg3[%squeeze3A_446, %dma_start3A_461] : memref<2600000x64xf32, #tpu.memory_space<hbm>> -> memref<1x64xf32, #tpu.memory_space<hbm>>
      %dma_start3A_463 = tpu.memref_squeeze %dma_start3A_462 : memref<1x64xf32, #tpu.memory_space<hbm>> -> memref<64xf32, #tpu.memory_space<hbm>>
      tpu.enqueue_dma source(%dma_start3A_463 : memref<64xf32, #tpu.memory_space<hbm>>) target(%dma_start3A_460 : memref<64xf32, #tpu.memory_space<vmem>>) target_semaphore(%arg9 : memref<!tpu.dma_semaphore, #tpu.memory_space<semaphore_mem>>)
      %slice3A_464 = vector.extract_strided_slice %add3A_180 {offsets = [15], sizes = [1], strides = [1]} : vector<16xi32> to vector<1xi32>
      %squeeze3A_465 = vector.extract %slice3A_464[0] : i32 from vector<1xi32>
      %mul3A_466 = arith.constant 16 : i32
      %mul3A_467 = arith.muli %scan3A_168, %mul3A_466 : i32
      %add3A_468 = arith.constant 15 : i32
      %add3A_469 = arith.addi %mul3A_467, %add3A_468 : i32
      %dma_start3A_470 = arith.constant 1 : i32
      %dma_start3A_471 = arith.constant 0 : i32
      %dma_start3A_472 = tpu.memref_slice %arg6[%dma_start3A_470, %add3A_469, %dma_start3A_471] : memref<2x256x64xf32, #tpu.memory_space<vmem>> -> memref<1x1x64xf32, #tpu.memory_space<vmem>>
      %dma_start3A_473 = tpu.memref_squeeze %dma_start3A_472 : memref<1x1x64xf32, #tpu.memory_space<vmem>> -> memref<64xf32, #tpu.memory_space<vmem>>
      %dma_start3A_474 = arith.constant 0 : i32
      %dma_start3A_475 = tpu.memref_slice %arg3[%squeeze3A_465, %dma_start3A_474] : memref<2600000x64xf32, #tpu.memory_space<hbm>> -> memref<1x64xf32, #tpu.memory_space<hbm>>
      %dma_start3A_476 = tpu.memref_squeeze %dma_start3A_475 : memref<1x64xf32, #tpu.memory_space<hbm>> -> memref<64xf32, #tpu.memory_space<hbm>>
      %dma_start3A_477 = arith.constant 0 : i32
      %dma_start3A_478 = tpu.memref_slice %arg6[%dma_start3A_470, %add3A_469, %dma_start3A_477] : memref<2x256x64xf32, #tpu.memory_space<vmem>> -> memref<1x1x64xf32, #tpu.memory_space<vmem>>
      %dma_start3A_479 = tpu.memref_squeeze %dma_start3A_478 : memref<1x1x64xf32, #tpu.memory_space<vmem>> -> memref<64xf32, #tpu.memory_space<vmem>>
      %dma_start3A_480 = arith.constant 0 : i32
      %dma_start3A_481 = tpu.memref_slice %arg3[%squeeze3A_465, %dma_start3A_480] : memref<2600000x64xf32, #tpu.memory_space<hbm>> -> memref<1x64xf32, #tpu.memory_space<hbm>>
      %dma_start3A_482 = tpu.memref_squeeze %dma_start3A_481 : memref<1x64xf32, #tpu.memory_space<hbm>> -> memref<64xf32, #tpu.memory_space<hbm>>
      tpu.enqueue_dma source(%dma_start3A_482 : memref<64xf32, #tpu.memory_space<hbm>>) target(%dma_start3A_479 : memref<64xf32, #tpu.memory_space<vmem>>) target_semaphore(%arg9 : memref<!tpu.dma_semaphore, #tpu.memory_space<semaphore_mem>>)
    }
    %scan3A_63 = arith.constant 16 : i32
    %scan3A_64 = arith.constant 0 : i32
    %scan3A_65 = arith.constant 0 : i32
    %scan3A_66 = arith.constant 25 : i32
    %scan3A_67 = arith.addi %scan3A_65, %scan3A_66 : i32
    %scan3A_68 = arith.constant 1 : i32
    scf.for %scan3A_168 = %scan3A_65 to %scan3A_67 step %scan3A_68  : i32 {
      %dma_wait3A_169 = arith.constant 0 : i32
      %dma_wait3A_170 = arith.constant 0 : i32
      %dma_wait3A_171 = arith.constant 0 : i32
      %dma_wait3A_172 = tpu.memref_slice %arg6[%dma_wait3A_169, %dma_wait3A_170, %dma_wait3A_171] : memref<2x256x64xf32, #tpu.memory_space<vmem>> -> memref<1x256x64xf32, #tpu.memory_space<vmem>>
      %dma_wait3A_173 = tpu.memref_squeeze %dma_wait3A_172 : memref<1x256x64xf32, #tpu.memory_space<vmem>> -> memref<256x64xf32, #tpu.memory_space<vmem>>
      %dma_wait3A_174 = arith.constant 0 : i32
      %dma_wait3A_175 = arith.constant 0 : i32
      %dma_wait3A_176 = tpu.memref_slice %arg3[%dma_wait3A_174, %dma_wait3A_175] : memref<2600000x64xf32, #tpu.memory_space<hbm>> -> memref<256x64xf32, #tpu.memory_space<hbm>>
      %dma_wait3A_177 = arith.constant 0 : i32
      %dma_wait3A_178 = arith.constant 0 : i32
      %dma_wait3A_179 = tpu.memref_slice %arg6[%dma_wait3A_169, %dma_wait3A_177, %dma_wait3A_178] : memref<2x256x64xf32, #tpu.memory_space<vmem>> -> memref<1x256x64xf32, #tpu.memory_space<vmem>>
      %dma_wait3A_180 = tpu.memref_squeeze %dma_wait3A_179 : memref<1x256x64xf32, #tpu.memory_space<vmem>> -> memref<256x64xf32, #tpu.memory_space<vmem>>
      %dma_wait3A_181 = arith.constant 0 : i32
      %dma_wait3A_182 = arith.constant 0 : i32
      %dma_wait3A_183 = tpu.memref_slice %arg3[%dma_wait3A_181, %dma_wait3A_182] : memref<2600000x64xf32, #tpu.memory_space<hbm>> -> memref<256x64xf32, #tpu.memory_space<hbm>>
      tpu.wait_dma2 semaphore(%arg8 : memref<!tpu.dma_semaphore, #tpu.memory_space<semaphore_mem>>) src(%dma_wait3A_183 : memref<256x64xf32, #tpu.memory_space<hbm>>) dst(%dma_wait3A_180 : memref<256x64xf32, #tpu.memory_space<vmem>>)
      %add3A_184 = arith.constant 0 : i32
      %add3A_185 = arith.addi %mul3A_2, %add3A_184 : i32
      %dma_start3A_186 = arith.constant 0 : i32
      %dma_start3A_187 = arith.constant 0 : i32
      %dma_start3A_188 = arith.constant 0 : i32
      %dma_start3A_189 = tpu.memref_slice %arg6[%dma_start3A_186, %dma_start3A_187, %dma_start3A_188] : memref<2x256x64xf32, #tpu.memory_space<vmem>> -> memref<1x256x64xf32, #tpu.memory_space<vmem>>
      %dma_start3A_190 = tpu.memref_squeeze %dma_start3A_189 : memref<1x256x64xf32, #tpu.memory_space<vmem>> -> memref<256x64xf32, #tpu.memory_space<vmem>>
      %dma_start3A_191 = arith.constant 0 : i32
      %dma_start3A_192 = tpu.memref_slice %arg4[%add3A_185, %scan3A_168, %dma_start3A_191] : memref<16384x26x64xf32, #tpu.memory_space<hbm>> -> memref<256x1x64xf32, #tpu.memory_space<hbm>>
      %dma_start3A_193 = tpu.memref_squeeze %dma_start3A_192 : memref<256x1x64xf32, #tpu.memory_space<hbm>> -> memref<256x64xf32, #tpu.memory_space<hbm>>
      %dma_start3A_194 = arith.constant 0 : i32
      %dma_start3A_195 = tpu.memref_slice %arg4[%add3A_185, %scan3A_168, %dma_start3A_194] : memref<16384x26x64xf32, #tpu.memory_space<hbm>> -> memref<256x1x64xf32, #tpu.memory_space<hbm>>
      %dma_start3A_196 = tpu.memref_squeeze %dma_start3A_195 : memref<256x1x64xf32, #tpu.memory_space<hbm>> -> memref<256x64xf32, #tpu.memory_space<hbm>>
      %dma_start3A_197 = arith.constant 0 : i32
      %dma_start3A_198 = arith.constant 0 : i32
      %dma_start3A_199 = tpu.memref_slice %arg6[%dma_start3A_186, %dma_start3A_197, %dma_start3A_198] : memref<2x256x64xf32, #tpu.memory_space<vmem>> -> memref<1x256x64xf32, #tpu.memory_space<vmem>>
      %dma_start3A_200 = tpu.memref_squeeze %dma_start3A_199 : memref<1x256x64xf32, #tpu.memory_space<vmem>> -> memref<256x64xf32, #tpu.memory_space<vmem>>
      tpu.enqueue_dma source(%dma_start3A_200 : memref<256x64xf32, #tpu.memory_space<vmem>>) target(%dma_start3A_196 : memref<256x64xf32, #tpu.memory_space<hbm>>) target_semaphore(%arg10 : memref<!tpu.dma_semaphore, #tpu.memory_space<semaphore_mem>>)
      %dma_wait3A_201 = arith.constant 0 : i32
      %dma_wait3A_202 = arith.constant 0 : i32
      %dma_wait3A_203 = arith.constant 0 : i32
      %dma_wait3A_204 = tpu.memref_slice %arg6[%dma_wait3A_201, %dma_wait3A_202, %dma_wait3A_203] : memref<2x256x64xf32, #tpu.memory_space<vmem>> -> memref<1x256x64xf32, #tpu.memory_space<vmem>>
      %dma_wait3A_205 = tpu.memref_squeeze %dma_wait3A_204 : memref<1x256x64xf32, #tpu.memory_space<vmem>> -> memref<256x64xf32, #tpu.memory_space<vmem>>
      %dma_wait3A_206 = arith.constant 0 : i32
      %dma_wait3A_207 = tpu.memref_slice %arg4[%add3A_185, %scan3A_168, %dma_wait3A_206] : memref<16384x26x64xf32, #tpu.memory_space<hbm>> -> memref<256x1x64xf32, #tpu.memory_space<hbm>>
      %dma_wait3A_208 = tpu.memref_squeeze %dma_wait3A_207 : memref<256x1x64xf32, #tpu.memory_space<hbm>> -> memref<256x64xf32, #tpu.memory_space<hbm>>
      %dma_wait3A_209 = arith.constant 0 : i32
      %dma_wait3A_210 = tpu.memref_slice %arg4[%add3A_185, %scan3A_168, %dma_wait3A_209] : memref<16384x26x64xf32, #tpu.memory_space<hbm>> -> memref<256x1x64xf32, #tpu.memory_space<hbm>>
      %dma_wait3A_211 = tpu.memref_squeeze %dma_wait3A_210 : memref<256x1x64xf32, #tpu.memory_space<hbm>> -> memref<256x64xf32, #tpu.memory_space<hbm>>
      %dma_wait3A_212 = arith.constant 0 : i32
      %dma_wait3A_213 = arith.constant 0 : i32
      %dma_wait3A_214 = tpu.memref_slice %arg6[%dma_wait3A_201, %dma_wait3A_212, %dma_wait3A_213] : memref<2x256x64xf32, #tpu.memory_space<vmem>> -> memref<1x256x64xf32, #tpu.memory_space<vmem>>
      %dma_wait3A_215 = tpu.memref_squeeze %dma_wait3A_214 : memref<1x256x64xf32, #tpu.memory_space<vmem>> -> memref<256x64xf32, #tpu.memory_space<vmem>>
      tpu.wait_dma2 semaphore(%arg10 : memref<!tpu.dma_semaphore, #tpu.memory_space<semaphore_mem>>) src(%dma_wait3A_215 : memref<256x64xf32, #tpu.memory_space<vmem>>) dst(%dma_wait3A_211 : memref<256x64xf32, #tpu.memory_space<hbm>>)
      %add3A_216 = arith.constant 1 : i32
      %add3A_217 = arith.addi %scan3A_168, %add3A_216 : i32
      %add3A_218 = arith.constant 0 : i32
      %add3A_219 = arith.addi %mul3A_2, %add3A_218 : i32
      %dma_start3A_220 = arith.constant 0 : i32
      %dma_start3A_221 = arith.constant 0 : i32
      %dma_start3A_222 = tpu.memref_slice %arg5[%dma_start3A_220, %dma_start3A_221] : memref<2x256xi32, #tpu.memory_space<vmem>> -> memref<1x256xi32, #tpu.memory_space<vmem>>
      %dma_start3A_223 = tpu.memref_squeeze %dma_start3A_222 : memref<1x256xi32, #tpu.memory_space<vmem>> -> memref<256xi32, #tpu.memory_space<vmem>>
      %dma_start3A_224 = tpu.memref_slice %arg2[%add3A_217, %add3A_219] : memref<26x16384xi32, #tpu.memory_space<hbm>> -> memref<1x256xi32, #tpu.memory_space<hbm>>
      %dma_start3A_225 = tpu.memref_squeeze %dma_start3A_224 : memref<1x256xi32, #tpu.memory_space<hbm>> -> memref<256xi32, #tpu.memory_space<hbm>>
      %dma_start3A_226 = arith.constant 0 : i32
      %dma_start3A_227 = tpu.memref_slice %arg5[%dma_start3A_220, %dma_start3A_226] : memref<2x256xi32, #tpu.memory_space<vmem>> -> memref<1x256xi32, #tpu.memory_space<vmem>>
      %dma_start3A_228 = tpu.memref_squeeze %dma_start3A_227 : memref<1x256xi32, #tpu.memory_space<vmem>> -> memref<256xi32, #tpu.memory_space<vmem>>
      %dma_start3A_229 = tpu.memref_slice %arg2[%add3A_217, %add3A_219] : memref<26x16384xi32, #tpu.memory_space<hbm>> -> memref<1x256xi32, #tpu.memory_space<hbm>>
      %dma_start3A_230 = tpu.memref_squeeze %dma_start3A_229 : memref<1x256xi32, #tpu.memory_space<hbm>> -> memref<256xi32, #tpu.memory_space<hbm>>
      tpu.enqueue_dma source(%dma_start3A_230 : memref<256xi32, #tpu.memory_space<hbm>>) target(%dma_start3A_228 : memref<256xi32, #tpu.memory_space<vmem>>) target_semaphore(%arg7 : memref<!tpu.dma_semaphore, #tpu.memory_space<semaphore_mem>>)
      %dma_wait3A_231 = arith.constant 0 : i32
      %dma_wait3A_232 = arith.constant 0 : i32
      %dma_wait3A_233 = tpu.memref_slice %arg5[%dma_wait3A_231, %dma_wait3A_232] : memref<2x256xi32, #tpu.memory_space<vmem>> -> memref<1x256xi32, #tpu.memory_space<vmem>>
      %dma_wait3A_234 = tpu.memref_squeeze %dma_wait3A_233 : memref<1x256xi32, #tpu.memory_space<vmem>> -> memref<256xi32, #tpu.memory_space<vmem>>
      %dma_wait3A_235 = tpu.memref_slice %arg2[%add3A_217, %add3A_219] : memref<26x16384xi32, #tpu.memory_space<hbm>> -> memref<1x256xi32, #tpu.memory_space<hbm>>
      %dma_wait3A_236 = tpu.memref_squeeze %dma_wait3A_235 : memref<1x256xi32, #tpu.memory_space<hbm>> -> memref<256xi32, #tpu.memory_space<hbm>>
      %dma_wait3A_237 = arith.constant 0 : i32
      %dma_wait3A_238 = tpu.memref_slice %arg5[%dma_wait3A_231, %dma_wait3A_237] : memref<2x256xi32, #tpu.memory_space<vmem>> -> memref<1x256xi32, #tpu.memory_space<vmem>>
      %dma_wait3A_239 = tpu.memref_squeeze %dma_wait3A_238 : memref<1x256xi32, #tpu.memory_space<vmem>> -> memref<256xi32, #tpu.memory_space<vmem>>
      %dma_wait3A_240 = tpu.memref_slice %arg2[%add3A_217, %add3A_219] : memref<26x16384xi32, #tpu.memory_space<hbm>> -> memref<1x256xi32, #tpu.memory_space<hbm>>
      %dma_wait3A_241 = tpu.memref_squeeze %dma_wait3A_240 : memref<1x256xi32, #tpu.memory_space<hbm>> -> memref<256xi32, #tpu.memory_space<hbm>>
      tpu.wait_dma2 semaphore(%arg7 : memref<!tpu.dma_semaphore, #tpu.memory_space<semaphore_mem>>) src(%dma_wait3A_241 : memref<256xi32, #tpu.memory_space<hbm>>) dst(%dma_wait3A_239 : memref<256xi32, #tpu.memory_space<vmem>>)
      %scan3A_242 = arith.constant 0 : i32
      %scan3A_243 = arith.constant 0 : i32
      %scan3A_244 = arith.constant 16 : i32
      %scan3A_245 = arith.addi %scan3A_243, %scan3A_244 : i32
      %scan3A_246 = arith.constant 1 : i32
      scf.for %scan3A_327 = %scan3A_243 to %scan3A_245 step %scan3A_246  : i32 {
        %mul3A_328 = arith.constant 16 : i32
        %mul3A_329 = arith.muli %scan3A_327, %mul3A_328 : i32
        %get3A = arith.constant 0 : i32
        %get3A_330 = arith.index_cast %get3A : i32 to index
        %get3A_331 = arith.index_cast %mul3A_329 : i32 to index
        %get3A_332 = tpu.vector_load %arg5[%get3A_330, %get3A_331] {strides = array<i32>} : memref<2x256xi32, #tpu.memory_space<vmem>>, vector<16xi32>,
        %min3A = arith.constant 99999 : i32
        %min3A_333 = vector.broadcast %min3A : i32 to vector<16xi32>
        %min3A_334 = arith.minsi %get3A_332, %min3A_333 : vector<16xi32>
        %max3A = arith.constant 0 : i32
        %max3A_335 = vector.broadcast %max3A : i32 to vector<16xi32>
        %max3A_336 = arith.maxsi %min3A_334, %max3A_335 : vector<16xi32>
        %mul3A_337 = arith.constant 100000 : i32
        %mul3A_338 = arith.muli %add3A_217, %mul3A_337 : i32
        %add3A_339 = vector.broadcast %mul3A_338 : i32 to vector<16xi32>
        %add3A_340 = arith.addi %max3A_336, %add3A_339 : vector<16xi32>
        %slice3A = vector.extract_strided_slice %add3A_340 {offsets = [0], sizes = [1], strides = [1]} : vector<16xi32> to vector<1xi32>
        %squeeze3A = vector.extract %slice3A[0] : i32 from vector<1xi32>
        %mul3A_341 = arith.constant 16 : i32
        %mul3A_342 = arith.muli %scan3A_327, %mul3A_341 : i32
        %add3A_343 = arith.constant 0 : i32
        %add3A_344 = arith.addi %mul3A_342, %add3A_343 : i32
        %dma_start3A_345 = arith.constant 0 : i32
        %dma_start3A_346 = arith.constant 0 : i32
        %dma_start3A_347 = tpu.memref_slice %arg6[%dma_start3A_345, %add3A_344, %dma_start3A_346] : memref<2x256x64xf32, #tpu.memory_space<vmem>> -> memref<1x1x64xf32, #tpu.memory_space<vmem>>
        %dma_start3A_348 = tpu.memref_squeeze %dma_start3A_347 : memref<1x1x64xf32, #tpu.memory_space<vmem>> -> memref<64xf32, #tpu.memory_space<vmem>>
        %dma_start3A_349 = arith.constant 0 : i32
        %dma_start3A_350 = tpu.memref_slice %arg3[%squeeze3A, %dma_start3A_349] : memref<2600000x64xf32, #tpu.memory_space<hbm>> -> memref<1x64xf32, #tpu.memory_space<hbm>>
        %dma_start3A_351 = tpu.memref_squeeze %dma_start3A_350 : memref<1x64xf32, #tpu.memory_space<hbm>> -> memref<64xf32, #tpu.memory_space<hbm>>
        %dma_start3A_352 = arith.constant 0 : i32
        %dma_start3A_353 = tpu.memref_slice %arg6[%dma_start3A_345, %add3A_344, %dma_start3A_352] : memref<2x256x64xf32, #tpu.memory_space<vmem>> -> memref<1x1x64xf32, #tpu.memory_space<vmem>>
        %dma_start3A_354 = tpu.memref_squeeze %dma_start3A_353 : memref<1x1x64xf32, #tpu.memory_space<vmem>> -> memref<64xf32, #tpu.memory_space<vmem>>
        %dma_start3A_355 = arith.constant 0 : i32
        %dma_start3A_356 = tpu.memref_slice %arg3[%squeeze3A, %dma_start3A_355] : memref<2600000x64xf32, #tpu.memory_space<hbm>> -> memref<1x64xf32, #tpu.memory_space<hbm>>
        %dma_start3A_357 = tpu.memref_squeeze %dma_start3A_356 : memref<1x64xf32, #tpu.memory_space<hbm>> -> memref<64xf32, #tpu.memory_space<hbm>>
        tpu.enqueue_dma source(%dma_start3A_357 : memref<64xf32, #tpu.memory_space<hbm>>) target(%dma_start3A_354 : memref<64xf32, #tpu.memory_space<vmem>>) target_semaphore(%arg8 : memref<!tpu.dma_semaphore, #tpu.memory_space<semaphore_mem>>)
        %slice3A_358 = vector.extract_strided_slice %add3A_340 {offsets = [1], sizes = [1], strides = [1]} : vector<16xi32> to vector<1xi32>
        %squeeze3A_359 = vector.extract %slice3A_358[0] : i32 from vector<1xi32>
        %mul3A_360 = arith.constant 16 : i32
        %mul3A_361 = arith.muli %scan3A_327, %mul3A_360 : i32
        %add3A_362 = arith.constant 1 : i32
        %add3A_363 = arith.addi %mul3A_361, %add3A_362 : i32
        %dma_start3A_364 = arith.constant 0 : i32
        %dma_start3A_365 = arith.constant 0 : i32
        %dma_start3A_366 = tpu.memref_slice %arg6[%dma_start3A_364, %add3A_363, %dma_start3A_365] : memref<2x256x64xf32, #tpu.memory_space<vmem>> -> memref<1x1x64xf32, #tpu.memory_space<vmem>>
        %dma_start3A_367 = tpu.memref_squeeze %dma_start3A_366 : memref<1x1x64xf32, #tpu.memory_space<vmem>> -> memref<64xf32, #tpu.memory_space<vmem>>
        %dma_start3A_368 = arith.constant 0 : i32
        %dma_start3A_369 = tpu.memref_slice %arg3[%squeeze3A_359, %dma_start3A_368] : memref<2600000x64xf32, #tpu.memory_space<hbm>> -> memref<1x64xf32, #tpu.memory_space<hbm>>
        %dma_start3A_370 = tpu.memref_squeeze %dma_start3A_369 : memref<1x64xf32, #tpu.memory_space<hbm>> -> memref<64xf32, #tpu.memory_space<hbm>>
        %dma_start3A_371 = arith.constant 0 : i32
        %dma_start3A_372 = tpu.memref_slice %arg6[%dma_start3A_364, %add3A_363, %dma_start3A_371] : memref<2x256x64xf32, #tpu.memory_space<vmem>> -> memref<1x1x64xf32, #tpu.memory_space<vmem>>
        %dma_start3A_373 = tpu.memref_squeeze %dma_start3A_372 : memref<1x1x64xf32, #tpu.memory_space<vmem>> -> memref<64xf32, #tpu.memory_space<vmem>>
        %dma_start3A_374 = arith.constant 0 : i32
        %dma_start3A_375 = tpu.memref_slice %arg3[%squeeze3A_359, %dma_start3A_374] : memref<2600000x64xf32, #tpu.memory_space<hbm>> -> memref<1x64xf32, #tpu.memory_space<hbm>>
        %dma_start3A_376 = tpu.memref_squeeze %dma_start3A_375 : memref<1x64xf32, #tpu.memory_space<hbm>> -> memref<64xf32, #tpu.memory_space<hbm>>
        tpu.enqueue_dma source(%dma_start3A_376 : memref<64xf32, #tpu.memory_space<hbm>>) target(%dma_start3A_373 : memref<64xf32, #tpu.memory_space<vmem>>) target_semaphore(%arg8 : memref<!tpu.dma_semaphore, #tpu.memory_space<semaphore_mem>>)
        %slice3A_377 = vector.extract_strided_slice %add3A_340 {offsets = [2], sizes = [1], strides = [1]} : vector<16xi32> to vector<1xi32>
        %squeeze3A_378 = vector.extract %slice3A_377[0] : i32 from vector<1xi32>
        %mul3A_379 = arith.constant 16 : i32
        %mul3A_380 = arith.muli %scan3A_327, %mul3A_379 : i32
        %add3A_381 = arith.constant 2 : i32
        %add3A_382 = arith.addi %mul3A_380, %add3A_381 : i32
        %dma_start3A_383 = arith.constant 0 : i32
        %dma_start3A_384 = arith.constant 0 : i32
        %dma_start3A_385 = tpu.memref_slice %arg6[%dma_start3A_383, %add3A_382, %dma_start3A_384] : memref<2x256x64xf32, #tpu.memory_space<vmem>> -> memref<1x1x64xf32, #tpu.memory_space<vmem>>
        %dma_start3A_386 = tpu.memref_squeeze %dma_start3A_385 : memref<1x1x64xf32, #tpu.memory_space<vmem>> -> memref<64xf32, #tpu.memory_space<vmem>>
        %dma_start3A_387 = arith.constant 0 : i32
        %dma_start3A_388 = tpu.memref_slice %arg3[%squeeze3A_378, %dma_start3A_387] : memref<2600000x64xf32, #tpu.memory_space<hbm>> -> memref<1x64xf32, #tpu.memory_space<hbm>>
        %dma_start3A_389 = tpu.memref_squeeze %dma_start3A_388 : memref<1x64xf32, #tpu.memory_space<hbm>> -> memref<64xf32, #tpu.memory_space<hbm>>
        %dma_start3A_390 = arith.constant 0 : i32
        %dma_start3A_391 = tpu.memref_slice %arg6[%dma_start3A_383, %add3A_382, %dma_start3A_390] : memref<2x256x64xf32, #tpu.memory_space<vmem>> -> memref<1x1x64xf32, #tpu.memory_space<vmem>>
        %dma_start3A_392 = tpu.memref_squeeze %dma_start3A_391 : memref<1x1x64xf32, #tpu.memory_space<vmem>> -> memref<64xf32, #tpu.memory_space<vmem>>
        %dma_start3A_393 = arith.constant 0 : i32
        %dma_start3A_394 = tpu.memref_slice %arg3[%squeeze3A_378, %dma_start3A_393] : memref<2600000x64xf32, #tpu.memory_space<hbm>> -> memref<1x64xf32, #tpu.memory_space<hbm>>
        %dma_start3A_395 = tpu.memref_squeeze %dma_start3A_394 : memref<1x64xf32, #tpu.memory_space<hbm>> -> memref<64xf32, #tpu.memory_space<hbm>>
        tpu.enqueue_dma source(%dma_start3A_395 : memref<64xf32, #tpu.memory_space<hbm>>) target(%dma_start3A_392 : memref<64xf32, #tpu.memory_space<vmem>>) target_semaphore(%arg8 : memref<!tpu.dma_semaphore, #tpu.memory_space<semaphore_mem>>)
        %slice3A_396 = vector.extract_strided_slice %add3A_340 {offsets = [3], sizes = [1], strides = [1]} : vector<16xi32> to vector<1xi32>
        %squeeze3A_397 = vector.extract %slice3A_396[0] : i32 from vector<1xi32>
        %mul3A_398 = arith.constant 16 : i32
        %mul3A_399 = arith.muli %scan3A_327, %mul3A_398 : i32
        %add3A_400 = arith.constant 3 : i32
        %add3A_401 = arith.addi %mul3A_399, %add3A_400 : i32
        %dma_start3A_402 = arith.constant 0 : i32
        %dma_start3A_403 = arith.constant 0 : i32
        %dma_start3A_404 = tpu.memref_slice %arg6[%dma_start3A_402, %add3A_401, %dma_start3A_403] : memref<2x256x64xf32, #tpu.memory_space<vmem>> -> memref<1x1x64xf32, #tpu.memory_space<vmem>>
        %dma_start3A_405 = tpu.memref_squeeze %dma_start3A_404 : memref<1x1x64xf32, #tpu.memory_space<vmem>> -> memref<64xf32, #tpu.memory_space<vmem>>
        %dma_start3A_406 = arith.constant 0 : i32
        %dma_start3A_407 = tpu.memref_slice %arg3[%squeeze3A_397, %dma_start3A_406] : memref<2600000x64xf32, #tpu.memory_space<hbm>> -> memref<1x64xf32, #tpu.memory_space<hbm>>
        %dma_start3A_408 = tpu.memref_squeeze %dma_start3A_407 : memref<1x64xf32, #tpu.memory_space<hbm>> -> memref<64xf32, #tpu.memory_space<hbm>>
        %dma_start3A_409 = arith.constant 0 : i32
        %dma_start3A_410 = tpu.memref_slice %arg6[%dma_start3A_402, %add3A_401, %dma_start3A_409] : memref<2x256x64xf32, #tpu.memory_space<vmem>> -> memref<1x1x64xf32, #tpu.memory_space<vmem>>
        %dma_start3A_411 = tpu.memref_squeeze %dma_start3A_410 : memref<1x1x64xf32, #tpu.memory_space<vmem>> -> memref<64xf32, #tpu.memory_space<vmem>>
        %dma_start3A_412 = arith.constant 0 : i32
        %dma_start3A_413 = tpu.memref_slice %arg3[%squeeze3A_397, %dma_start3A_412] : memref<2600000x64xf32, #tpu.memory_space<hbm>> -> memref<1x64xf32, #tpu.memory_space<hbm>>
        %dma_start3A_414 = tpu.memref_squeeze %dma_start3A_413 : memref<1x64xf32, #tpu.memory_space<hbm>> -> memref<64xf32, #tpu.memory_space<hbm>>
        tpu.enqueue_dma source(%dma_start3A_414 : memref<64xf32, #tpu.memory_space<hbm>>) target(%dma_start3A_411 : memref<64xf32, #tpu.memory_space<vmem>>) target_semaphore(%arg8 : memref<!tpu.dma_semaphore, #tpu.memory_space<semaphore_mem>>)
        %slice3A_415 = vector.extract_strided_slice %add3A_340 {offsets = [4], sizes = [1], strides = [1]} : vector<16xi32> to vector<1xi32>
        %squeeze3A_416 = vector.extract %slice3A_415[0] : i32 from vector<1xi32>
        %mul3A_417 = arith.constant 16 : i32
        %mul3A_418 = arith.muli %scan3A_327, %mul3A_417 : i32
        %add3A_419 = arith.constant 4 : i32
        %add3A_420 = arith.addi %mul3A_418, %add3A_419 : i32
        %dma_start3A_421 = arith.constant 0 : i32
        %dma_start3A_422 = arith.constant 0 : i32
        %dma_start3A_423 = tpu.memref_slice %arg6[%dma_start3A_421, %add3A_420, %dma_start3A_422] : memref<2x256x64xf32, #tpu.memory_space<vmem>> -> memref<1x1x64xf32, #tpu.memory_space<vmem>>
        %dma_start3A_424 = tpu.memref_squeeze %dma_start3A_423 : memref<1x1x64xf32, #tpu.memory_space<vmem>> -> memref<64xf32, #tpu.memory_space<vmem>>
        %dma_start3A_425 = arith.constant 0 : i32
        %dma_start3A_426 = tpu.memref_slice %arg3[%squeeze3A_416, %dma_start3A_425] : memref<2600000x64xf32, #tpu.memory_space<hbm>> -> memref<1x64xf32, #tpu.memory_space<hbm>>
        %dma_start3A_427 = tpu.memref_squeeze %dma_start3A_426 : memref<1x64xf32, #tpu.memory_space<hbm>> -> memref<64xf32, #tpu.memory_space<hbm>>
        %dma_start3A_428 = arith.constant 0 : i32
        %dma_start3A_429 = tpu.memref_slice %arg6[%dma_start3A_421, %add3A_420, %dma_start3A_428] : memref<2x256x64xf32, #tpu.memory_space<vmem>> -> memref<1x1x64xf32, #tpu.memory_space<vmem>>
        %dma_start3A_430 = tpu.memref_squeeze %dma_start3A_429 : memref<1x1x64xf32, #tpu.memory_space<vmem>> -> memref<64xf32, #tpu.memory_space<vmem>>
        %dma_start3A_431 = arith.constant 0 : i32
        %dma_start3A_432 = tpu.memref_slice %arg3[%squeeze3A_416, %dma_start3A_431] : memref<2600000x64xf32, #tpu.memory_space<hbm>> -> memref<1x64xf32, #tpu.memory_space<hbm>>
        %dma_start3A_433 = tpu.memref_squeeze %dma_start3A_432 : memref<1x64xf32, #tpu.memory_space<hbm>> -> memref<64xf32, #tpu.memory_space<hbm>>
        tpu.enqueue_dma source(%dma_start3A_433 : memref<64xf32, #tpu.memory_space<hbm>>) target(%dma_start3A_430 : memref<64xf32, #tpu.memory_space<vmem>>) target_semaphore(%arg8 : memref<!tpu.dma_semaphore, #tpu.memory_space<semaphore_mem>>)
        %slice3A_434 = vector.extract_strided_slice %add3A_340 {offsets = [5], sizes = [1], strides = [1]} : vector<16xi32> to vector<1xi32>
        %squeeze3A_435 = vector.extract %slice3A_434[0] : i32 from vector<1xi32>
        %mul3A_436 = arith.constant 16 : i32
        %mul3A_437 = arith.muli %scan3A_327, %mul3A_436 : i32
        %add3A_438 = arith.constant 5 : i32
        %add3A_439 = arith.addi %mul3A_437, %add3A_438 : i32
        %dma_start3A_440 = arith.constant 0 : i32
        %dma_start3A_441 = arith.constant 0 : i32
        %dma_start3A_442 = tpu.memref_slice %arg6[%dma_start3A_440, %add3A_439, %dma_start3A_441] : memref<2x256x64xf32, #tpu.memory_space<vmem>> -> memref<1x1x64xf32, #tpu.memory_space<vmem>>
        %dma_start3A_443 = tpu.memref_squeeze %dma_start3A_442 : memref<1x1x64xf32, #tpu.memory_space<vmem>> -> memref<64xf32, #tpu.memory_space<vmem>>
        %dma_start3A_444 = arith.constant 0 : i32
        %dma_start3A_445 = tpu.memref_slice %arg3[%squeeze3A_435, %dma_start3A_444] : memref<2600000x64xf32, #tpu.memory_space<hbm>> -> memref<1x64xf32, #tpu.memory_space<hbm>>
        %dma_start3A_446 = tpu.memref_squeeze %dma_start3A_445 : memref<1x64xf32, #tpu.memory_space<hbm>> -> memref<64xf32, #tpu.memory_space<hbm>>
        %dma_start3A_447 = arith.constant 0 : i32
        %dma_start3A_448 = tpu.memref_slice %arg6[%dma_start3A_440, %add3A_439, %dma_start3A_447] : memref<2x256x64xf32, #tpu.memory_space<vmem>> -> memref<1x1x64xf32, #tpu.memory_space<vmem>>
        %dma_start3A_449 = tpu.memref_squeeze %dma_start3A_448 : memref<1x1x64xf32, #tpu.memory_space<vmem>> -> memref<64xf32, #tpu.memory_space<vmem>>
        %dma_start3A_450 = arith.constant 0 : i32
        %dma_start3A_451 = tpu.memref_slice %arg3[%squeeze3A_435, %dma_start3A_450] : memref<2600000x64xf32, #tpu.memory_space<hbm>> -> memref<1x64xf32, #tpu.memory_space<hbm>>
        %dma_start3A_452 = tpu.memref_squeeze %dma_start3A_451 : memref<1x64xf32, #tpu.memory_space<hbm>> -> memref<64xf32, #tpu.memory_space<hbm>>
        tpu.enqueue_dma source(%dma_start3A_452 : memref<64xf32, #tpu.memory_space<hbm>>) target(%dma_start3A_449 : memref<64xf32, #tpu.memory_space<vmem>>) target_semaphore(%arg8 : memref<!tpu.dma_semaphore, #tpu.memory_space<semaphore_mem>>)
        %slice3A_453 = vector.extract_strided_slice %add3A_340 {offsets = [6], sizes = [1], strides = [1]} : vector<16xi32> to vector<1xi32>
        %squeeze3A_454 = vector.extract %slice3A_453[0] : i32 from vector<1xi32>
        %mul3A_455 = arith.constant 16 : i32
        %mul3A_456 = arith.muli %scan3A_327, %mul3A_455 : i32
        %add3A_457 = arith.constant 6 : i32
        %add3A_458 = arith.addi %mul3A_456, %add3A_457 : i32
        %dma_start3A_459 = arith.constant 0 : i32
        %dma_start3A_460 = arith.constant 0 : i32
        %dma_start3A_461 = tpu.memref_slice %arg6[%dma_start3A_459, %add3A_458, %dma_start3A_460] : memref<2x256x64xf32, #tpu.memory_space<vmem>> -> memref<1x1x64xf32, #tpu.memory_space<vmem>>
        %dma_start3A_462 = tpu.memref_squeeze %dma_start3A_461 : memref<1x1x64xf32, #tpu.memory_space<vmem>> -> memref<64xf32, #tpu.memory_space<vmem>>
        %dma_start3A_463 = arith.constant 0 : i32
        %dma_start3A_464 = tpu.memref_slice %arg3[%squeeze3A_454, %dma_start3A_463] : memref<2600000x64xf32, #tpu.memory_space<hbm>> -> memref<1x64xf32, #tpu.memory_space<hbm>>
        %dma_start3A_465 = tpu.memref_squeeze %dma_start3A_464 : memref<1x64xf32, #tpu.memory_space<hbm>> -> memref<64xf32, #tpu.memory_space<hbm>>
        %dma_start3A_466 = arith.constant 0 : i32
        %dma_start3A_467 = tpu.memref_slice %arg6[%dma_start3A_459, %add3A_458, %dma_start3A_466] : memref<2x256x64xf32, #tpu.memory_space<vmem>> -> memref<1x1x64xf32, #tpu.memory_space<vmem>>
        %dma_start3A_468 = tpu.memref_squeeze %dma_start3A_467 : memref<1x1x64xf32, #tpu.memory_space<vmem>> -> memref<64xf32, #tpu.memory_space<vmem>>
        %dma_start3A_469 = arith.constant 0 : i32
        %dma_start3A_470 = tpu.memref_slice %arg3[%squeeze3A_454, %dma_start3A_469] : memref<2600000x64xf32, #tpu.memory_space<hbm>> -> memref<1x64xf32, #tpu.memory_space<hbm>>
        %dma_start3A_471 = tpu.memref_squeeze %dma_start3A_470 : memref<1x64xf32, #tpu.memory_space<hbm>> -> memref<64xf32, #tpu.memory_space<hbm>>
        tpu.enqueue_dma source(%dma_start3A_471 : memref<64xf32, #tpu.memory_space<hbm>>) target(%dma_start3A_468 : memref<64xf32, #tpu.memory_space<vmem>>) target_semaphore(%arg8 : memref<!tpu.dma_semaphore, #tpu.memory_space<semaphore_mem>>)
        %slice3A_472 = vector.extract_strided_slice %add3A_340 {offsets = [7], sizes = [1], strides = [1]} : vector<16xi32> to vector<1xi32>
        %squeeze3A_473 = vector.extract %slice3A_472[0] : i32 from vector<1xi32>
        %mul3A_474 = arith.constant 16 : i32
        %mul3A_475 = arith.muli %scan3A_327, %mul3A_474 : i32
        %add3A_476 = arith.constant 7 : i32
        %add3A_477 = arith.addi %mul3A_475, %add3A_476 : i32
        %dma_start3A_478 = arith.constant 0 : i32
        %dma_start3A_479 = arith.constant 0 : i32
        %dma_start3A_480 = tpu.memref_slice %arg6[%dma_start3A_478, %add3A_477, %dma_start3A_479] : memref<2x256x64xf32, #tpu.memory_space<vmem>> -> memref<1x1x64xf32, #tpu.memory_space<vmem>>
        %dma_start3A_481 = tpu.memref_squeeze %dma_start3A_480 : memref<1x1x64xf32, #tpu.memory_space<vmem>> -> memref<64xf32, #tpu.memory_space<vmem>>
        %dma_start3A_482 = arith.constant 0 : i32
        %dma_start3A_483 = tpu.memref_slice %arg3[%squeeze3A_473, %dma_start3A_482] : memref<2600000x64xf32, #tpu.memory_space<hbm>> -> memref<1x64xf32, #tpu.memory_space<hbm>>
        %dma_start3A_484 = tpu.memref_squeeze %dma_start3A_483 : memref<1x64xf32, #tpu.memory_space<hbm>> -> memref<64xf32, #tpu.memory_space<hbm>>
        %dma_start3A_485 = arith.constant 0 : i32
        %dma_start3A_486 = tpu.memref_slice %arg6[%dma_start3A_478, %add3A_477, %dma_start3A_485] : memref<2x256x64xf32, #tpu.memory_space<vmem>> -> memref<1x1x64xf32, #tpu.memory_space<vmem>>
        %dma_start3A_487 = tpu.memref_squeeze %dma_start3A_486 : memref<1x1x64xf32, #tpu.memory_space<vmem>> -> memref<64xf32, #tpu.memory_space<vmem>>
        %dma_start3A_488 = arith.constant 0 : i32
        %dma_start3A_489 = tpu.memref_slice %arg3[%squeeze3A_473, %dma_start3A_488] : memref<2600000x64xf32, #tpu.memory_space<hbm>> -> memref<1x64xf32, #tpu.memory_space<hbm>>
        %dma_start3A_490 = tpu.memref_squeeze %dma_start3A_489 : memref<1x64xf32, #tpu.memory_space<hbm>> -> memref<64xf32, #tpu.memory_space<hbm>>
        tpu.enqueue_dma source(%dma_start3A_490 : memref<64xf32, #tpu.memory_space<hbm>>) target(%dma_start3A_487 : memref<64xf32, #tpu.memory_space<vmem>>) target_semaphore(%arg8 : memref<!tpu.dma_semaphore, #tpu.memory_space<semaphore_mem>>)
        %slice3A_491 = vector.extract_strided_slice %add3A_340 {offsets = [8], sizes = [1], strides = [1]} : vector<16xi32> to vector<1xi32>
        %squeeze3A_492 = vector.extract %slice3A_491[0] : i32 from vector<1xi32>
        %mul3A_493 = arith.constant 16 : i32
        %mul3A_494 = arith.muli %scan3A_327, %mul3A_493 : i32
        %add3A_495 = arith.constant 8 : i32
        %add3A_496 = arith.addi %mul3A_494, %add3A_495 : i32
        %dma_start3A_497 = arith.constant 0 : i32
        %dma_start3A_498 = arith.constant 0 : i32
        %dma_start3A_499 = tpu.memref_slice %arg6[%dma_start3A_497, %add3A_496, %dma_start3A_498] : memref<2x256x64xf32, #tpu.memory_space<vmem>> -> memref<1x1x64xf32, #tpu.memory_space<vmem>>
        %dma_start3A_500 = tpu.memref_squeeze %dma_start3A_499 : memref<1x1x64xf32, #tpu.memory_space<vmem>> -> memref<64xf32, #tpu.memory_space<vmem>>
        %dma_start3A_501 = arith.constant 0 : i32
        %dma_start3A_502 = tpu.memref_slice %arg3[%squeeze3A_492, %dma_start3A_501] : memref<2600000x64xf32, #tpu.memory_space<hbm>> -> memref<1x64xf32, #tpu.memory_space<hbm>>
        %dma_start3A_503 = tpu.memref_squeeze %dma_start3A_502 : memref<1x64xf32, #tpu.memory_space<hbm>> -> memref<64xf32, #tpu.memory_space<hbm>>
        %dma_start3A_504 = arith.constant 0 : i32
        %dma_start3A_505 = tpu.memref_slice %arg6[%dma_start3A_497, %add3A_496, %dma_start3A_504] : memref<2x256x64xf32, #tpu.memory_space<vmem>> -> memref<1x1x64xf32, #tpu.memory_space<vmem>>
        %dma_start3A_506 = tpu.memref_squeeze %dma_start3A_505 : memref<1x1x64xf32, #tpu.memory_space<vmem>> -> memref<64xf32, #tpu.memory_space<vmem>>
        %dma_start3A_507 = arith.constant 0 : i32
        %dma_start3A_508 = tpu.memref_slice %arg3[%squeeze3A_492, %dma_start3A_507] : memref<2600000x64xf32, #tpu.memory_space<hbm>> -> memref<1x64xf32, #tpu.memory_space<hbm>>
        %dma_start3A_509 = tpu.memref_squeeze %dma_start3A_508 : memref<1x64xf32, #tpu.memory_space<hbm>> -> memref<64xf32, #tpu.memory_space<hbm>>
        tpu.enqueue_dma source(%dma_start3A_509 : memref<64xf32, #tpu.memory_space<hbm>>) target(%dma_start3A_506 : memref<64xf32, #tpu.memory_space<vmem>>) target_semaphore(%arg8 : memref<!tpu.dma_semaphore, #tpu.memory_space<semaphore_mem>>)
        %slice3A_510 = vector.extract_strided_slice %add3A_340 {offsets = [9], sizes = [1], strides = [1]} : vector<16xi32> to vector<1xi32>
        %squeeze3A_511 = vector.extract %slice3A_510[0] : i32 from vector<1xi32>
        %mul3A_512 = arith.constant 16 : i32
        %mul3A_513 = arith.muli %scan3A_327, %mul3A_512 : i32
        %add3A_514 = arith.constant 9 : i32
        %add3A_515 = arith.addi %mul3A_513, %add3A_514 : i32
        %dma_start3A_516 = arith.constant 0 : i32
        %dma_start3A_517 = arith.constant 0 : i32
        %dma_start3A_518 = tpu.memref_slice %arg6[%dma_start3A_516, %add3A_515, %dma_start3A_517] : memref<2x256x64xf32, #tpu.memory_space<vmem>> -> memref<1x1x64xf32, #tpu.memory_space<vmem>>
        %dma_start3A_519 = tpu.memref_squeeze %dma_start3A_518 : memref<1x1x64xf32, #tpu.memory_space<vmem>> -> memref<64xf32, #tpu.memory_space<vmem>>
        %dma_start3A_520 = arith.constant 0 : i32
        %dma_start3A_521 = tpu.memref_slice %arg3[%squeeze3A_511, %dma_start3A_520] : memref<2600000x64xf32, #tpu.memory_space<hbm>> -> memref<1x64xf32, #tpu.memory_space<hbm>>
        %dma_start3A_522 = tpu.memref_squeeze %dma_start3A_521 : memref<1x64xf32, #tpu.memory_space<hbm>> -> memref<64xf32, #tpu.memory_space<hbm>>
        %dma_start3A_523 = arith.constant 0 : i32
        %dma_start3A_524 = tpu.memref_slice %arg6[%dma_start3A_516, %add3A_515, %dma_start3A_523] : memref<2x256x64xf32, #tpu.memory_space<vmem>> -> memref<1x1x64xf32, #tpu.memory_space<vmem>>
        %dma_start3A_525 = tpu.memref_squeeze %dma_start3A_524 : memref<1x1x64xf32, #tpu.memory_space<vmem>> -> memref<64xf32, #tpu.memory_space<vmem>>
        %dma_start3A_526 = arith.constant 0 : i32
        %dma_start3A_527 = tpu.memref_slice %arg3[%squeeze3A_511, %dma_start3A_526] : memref<2600000x64xf32, #tpu.memory_space<hbm>> -> memref<1x64xf32, #tpu.memory_space<hbm>>
        %dma_start3A_528 = tpu.memref_squeeze %dma_start3A_527 : memref<1x64xf32, #tpu.memory_space<hbm>> -> memref<64xf32, #tpu.memory_space<hbm>>
        tpu.enqueue_dma source(%dma_start3A_528 : memref<64xf32, #tpu.memory_space<hbm>>) target(%dma_start3A_525 : memref<64xf32, #tpu.memory_space<vmem>>) target_semaphore(%arg8 : memref<!tpu.dma_semaphore, #tpu.memory_space<semaphore_mem>>)
        %slice3A_529 = vector.extract_strided_slice %add3A_340 {offsets = [10], sizes = [1], strides = [1]} : vector<16xi32> to vector<1xi32>
        %squeeze3A_530 = vector.extract %slice3A_529[0] : i32 from vector<1xi32>
        %mul3A_531 = arith.constant 16 : i32
        %mul3A_532 = arith.muli %scan3A_327, %mul3A_531 : i32
        %add3A_533 = arith.constant 10 : i32
        %add3A_534 = arith.addi %mul3A_532, %add3A_533 : i32
        %dma_start3A_535 = arith.constant 0 : i32
        %dma_start3A_536 = arith.constant 0 : i32
        %dma_start3A_537 = tpu.memref_slice %arg6[%dma_start3A_535, %add3A_534, %dma_start3A_536] : memref<2x256x64xf32, #tpu.memory_space<vmem>> -> memref<1x1x64xf32, #tpu.memory_space<vmem>>
        %dma_start3A_538 = tpu.memref_squeeze %dma_start3A_537 : memref<1x1x64xf32, #tpu.memory_space<vmem>> -> memref<64xf32, #tpu.memory_space<vmem>>
        %dma_start3A_539 = arith.constant 0 : i32
        %dma_start3A_540 = tpu.memref_slice %arg3[%squeeze3A_530, %dma_start3A_539] : memref<2600000x64xf32, #tpu.memory_space<hbm>> -> memref<1x64xf32, #tpu.memory_space<hbm>>
        %dma_start3A_541 = tpu.memref_squeeze %dma_start3A_540 : memref<1x64xf32, #tpu.memory_space<hbm>> -> memref<64xf32, #tpu.memory_space<hbm>>
        %dma_start3A_542 = arith.constant 0 : i32
        %dma_start3A_543 = tpu.memref_slice %arg6[%dma_start3A_535, %add3A_534, %dma_start3A_542] : memref<2x256x64xf32, #tpu.memory_space<vmem>> -> memref<1x1x64xf32, #tpu.memory_space<vmem>>
        %dma_start3A_544 = tpu.memref_squeeze %dma_start3A_543 : memref<1x1x64xf32, #tpu.memory_space<vmem>> -> memref<64xf32, #tpu.memory_space<vmem>>
        %dma_start3A_545 = arith.constant 0 : i32
        %dma_start3A_546 = tpu.memref_slice %arg3[%squeeze3A_530, %dma_start3A_545] : memref<2600000x64xf32, #tpu.memory_space<hbm>> -> memref<1x64xf32, #tpu.memory_space<hbm>>
        %dma_start3A_547 = tpu.memref_squeeze %dma_start3A_546 : memref<1x64xf32, #tpu.memory_space<hbm>> -> memref<64xf32, #tpu.memory_space<hbm>>
        tpu.enqueue_dma source(%dma_start3A_547 : memref<64xf32, #tpu.memory_space<hbm>>) target(%dma_start3A_544 : memref<64xf32, #tpu.memory_space<vmem>>) target_semaphore(%arg8 : memref<!tpu.dma_semaphore, #tpu.memory_space<semaphore_mem>>)
        %slice3A_548 = vector.extract_strided_slice %add3A_340 {offsets = [11], sizes = [1], strides = [1]} : vector<16xi32> to vector<1xi32>
        %squeeze3A_549 = vector.extract %slice3A_548[0] : i32 from vector<1xi32>
        %mul3A_550 = arith.constant 16 : i32
        %mul3A_551 = arith.muli %scan3A_327, %mul3A_550 : i32
        %add3A_552 = arith.constant 11 : i32
        %add3A_553 = arith.addi %mul3A_551, %add3A_552 : i32
        %dma_start3A_554 = arith.constant 0 : i32
        %dma_start3A_555 = arith.constant 0 : i32
        %dma_start3A_556 = tpu.memref_slice %arg6[%dma_start3A_554, %add3A_553, %dma_start3A_555] : memref<2x256x64xf32, #tpu.memory_space<vmem>> -> memref<1x1x64xf32, #tpu.memory_space<vmem>>
        %dma_start3A_557 = tpu.memref_squeeze %dma_start3A_556 : memref<1x1x64xf32, #tpu.memory_space<vmem>> -> memref<64xf32, #tpu.memory_space<vmem>>
        %dma_start3A_558 = arith.constant 0 : i32
        %dma_start3A_559 = tpu.memref_slice %arg3[%squeeze3A_549, %dma_start3A_558] : memref<2600000x64xf32, #tpu.memory_space<hbm>> -> memref<1x64xf32, #tpu.memory_space<hbm>>
        %dma_start3A_560 = tpu.memref_squeeze %dma_start3A_559 : memref<1x64xf32, #tpu.memory_space<hbm>> -> memref<64xf32, #tpu.memory_space<hbm>>
        %dma_start3A_561 = arith.constant 0 : i32
        %dma_start3A_562 = tpu.memref_slice %arg6[%dma_start3A_554, %add3A_553, %dma_start3A_561] : memref<2x256x64xf32, #tpu.memory_space<vmem>> -> memref<1x1x64xf32, #tpu.memory_space<vmem>>
        %dma_start3A_563 = tpu.memref_squeeze %dma_start3A_562 : memref<1x1x64xf32, #tpu.memory_space<vmem>> -> memref<64xf32, #tpu.memory_space<vmem>>
        %dma_start3A_564 = arith.constant 0 : i32
        %dma_start3A_565 = tpu.memref_slice %arg3[%squeeze3A_549, %dma_start3A_564] : memref<2600000x64xf32, #tpu.memory_space<hbm>> -> memref<1x64xf32, #tpu.memory_space<hbm>>
        %dma_start3A_566 = tpu.memref_squeeze %dma_start3A_565 : memref<1x64xf32, #tpu.memory_space<hbm>> -> memref<64xf32, #tpu.memory_space<hbm>>
        tpu.enqueue_dma source(%dma_start3A_566 : memref<64xf32, #tpu.memory_space<hbm>>) target(%dma_start3A_563 : memref<64xf32, #tpu.memory_space<vmem>>) target_semaphore(%arg8 : memref<!tpu.dma_semaphore, #tpu.memory_space<semaphore_mem>>)
        %slice3A_567 = vector.extract_strided_slice %add3A_340 {offsets = [12], sizes = [1], strides = [1]} : vector<16xi32> to vector<1xi32>
        %squeeze3A_568 = vector.extract %slice3A_567[0] : i32 from vector<1xi32>
        %mul3A_569 = arith.constant 16 : i32
        %mul3A_570 = arith.muli %scan3A_327, %mul3A_569 : i32
        %add3A_571 = arith.constant 12 : i32
        %add3A_572 = arith.addi %mul3A_570, %add3A_571 : i32
        %dma_start3A_573 = arith.constant 0 : i32
        %dma_start3A_574 = arith.constant 0 : i32
        %dma_start3A_575 = tpu.memref_slice %arg6[%dma_start3A_573, %add3A_572, %dma_start3A_574] : memref<2x256x64xf32, #tpu.memory_space<vmem>> -> memref<1x1x64xf32, #tpu.memory_space<vmem>>
        %dma_start3A_576 = tpu.memref_squeeze %dma_start3A_575 : memref<1x1x64xf32, #tpu.memory_space<vmem>> -> memref<64xf32, #tpu.memory_space<vmem>>
        %dma_start3A_577 = arith.constant 0 : i32
        %dma_start3A_578 = tpu.memref_slice %arg3[%squeeze3A_568, %dma_start3A_577] : memref<2600000x64xf32, #tpu.memory_space<hbm>> -> memref<1x64xf32, #tpu.memory_space<hbm>>
        %dma_start3A_579 = tpu.memref_squeeze %dma_start3A_578 : memref<1x64xf32, #tpu.memory_space<hbm>> -> memref<64xf32, #tpu.memory_space<hbm>>
        %dma_start3A_580 = arith.constant 0 : i32
        %dma_start3A_581 = tpu.memref_slice %arg6[%dma_start3A_573, %add3A_572, %dma_start3A_580] : memref<2x256x64xf32, #tpu.memory_space<vmem>> -> memref<1x1x64xf32, #tpu.memory_space<vmem>>
        %dma_start3A_582 = tpu.memref_squeeze %dma_start3A_581 : memref<1x1x64xf32, #tpu.memory_space<vmem>> -> memref<64xf32, #tpu.memory_space<vmem>>
        %dma_start3A_583 = arith.constant 0 : i32
        %dma_start3A_584 = tpu.memref_slice %arg3[%squeeze3A_568, %dma_start3A_583] : memref<2600000x64xf32, #tpu.memory_space<hbm>> -> memref<1x64xf32, #tpu.memory_space<hbm>>
        %dma_start3A_585 = tpu.memref_squeeze %dma_start3A_584 : memref<1x64xf32, #tpu.memory_space<hbm>> -> memref<64xf32, #tpu.memory_space<hbm>>
        tpu.enqueue_dma source(%dma_start3A_585 : memref<64xf32, #tpu.memory_space<hbm>>) target(%dma_start3A_582 : memref<64xf32, #tpu.memory_space<vmem>>) target_semaphore(%arg8 : memref<!tpu.dma_semaphore, #tpu.memory_space<semaphore_mem>>)
        %slice3A_586 = vector.extract_strided_slice %add3A_340 {offsets = [13], sizes = [1], strides = [1]} : vector<16xi32> to vector<1xi32>
        %squeeze3A_587 = vector.extract %slice3A_586[0] : i32 from vector<1xi32>
        %mul3A_588 = arith.constant 16 : i32
        %mul3A_589 = arith.muli %scan3A_327, %mul3A_588 : i32
        %add3A_590 = arith.constant 13 : i32
        %add3A_591 = arith.addi %mul3A_589, %add3A_590 : i32
        %dma_start3A_592 = arith.constant 0 : i32
        %dma_start3A_593 = arith.constant 0 : i32
        %dma_start3A_594 = tpu.memref_slice %arg6[%dma_start3A_592, %add3A_591, %dma_start3A_593] : memref<2x256x64xf32, #tpu.memory_space<vmem>> -> memref<1x1x64xf32, #tpu.memory_space<vmem>>
        %dma_start3A_595 = tpu.memref_squeeze %dma_start3A_594 : memref<1x1x64xf32, #tpu.memory_space<vmem>> -> memref<64xf32, #tpu.memory_space<vmem>>
        %dma_start3A_596 = arith.constant 0 : i32
        %dma_start3A_597 = tpu.memref_slice %arg3[%squeeze3A_587, %dma_start3A_596] : memref<2600000x64xf32, #tpu.memory_space<hbm>> -> memref<1x64xf32, #tpu.memory_space<hbm>>
        %dma_start3A_598 = tpu.memref_squeeze %dma_start3A_597 : memref<1x64xf32, #tpu.memory_space<hbm>> -> memref<64xf32, #tpu.memory_space<hbm>>
        %dma_start3A_599 = arith.constant 0 : i32
        %dma_start3A_600 = tpu.memref_slice %arg6[%dma_start3A_592, %add3A_591, %dma_start3A_599] : memref<2x256x64xf32, #tpu.memory_space<vmem>> -> memref<1x1x64xf32, #tpu.memory_space<vmem>>
        %dma_start3A_601 = tpu.memref_squeeze %dma_start3A_600 : memref<1x1x64xf32, #tpu.memory_space<vmem>> -> memref<64xf32, #tpu.memory_space<vmem>>
        %dma_start3A_602 = arith.constant 0 : i32
        %dma_start3A_603 = tpu.memref_slice %arg3[%squeeze3A_587, %dma_start3A_602] : memref<2600000x64xf32, #tpu.memory_space<hbm>> -> memref<1x64xf32, #tpu.memory_space<hbm>>
        %dma_start3A_604 = tpu.memref_squeeze %dma_start3A_603 : memref<1x64xf32, #tpu.memory_space<hbm>> -> memref<64xf32, #tpu.memory_space<hbm>>
        tpu.enqueue_dma source(%dma_start3A_604 : memref<64xf32, #tpu.memory_space<hbm>>) target(%dma_start3A_601 : memref<64xf32, #tpu.memory_space<vmem>>) target_semaphore(%arg8 : memref<!tpu.dma_semaphore, #tpu.memory_space<semaphore_mem>>)
        %slice3A_605 = vector.extract_strided_slice %add3A_340 {offsets = [14], sizes = [1], strides = [1]} : vector<16xi32> to vector<1xi32>
        %squeeze3A_606 = vector.extract %slice3A_605[0] : i32 from vector<1xi32>
        %mul3A_607 = arith.constant 16 : i32
        %mul3A_608 = arith.muli %scan3A_327, %mul3A_607 : i32
        %add3A_609 = arith.constant 14 : i32
        %add3A_610 = arith.addi %mul3A_608, %add3A_609 : i32
        %dma_start3A_611 = arith.constant 0 : i32
        %dma_start3A_612 = arith.constant 0 : i32
        %dma_start3A_613 = tpu.memref_slice %arg6[%dma_start3A_611, %add3A_610, %dma_start3A_612] : memref<2x256x64xf32, #tpu.memory_space<vmem>> -> memref<1x1x64xf32, #tpu.memory_space<vmem>>
        %dma_start3A_614 = tpu.memref_squeeze %dma_start3A_613 : memref<1x1x64xf32, #tpu.memory_space<vmem>> -> memref<64xf32, #tpu.memory_space<vmem>>
        %dma_start3A_615 = arith.constant 0 : i32
        %dma_start3A_616 = tpu.memref_slice %arg3[%squeeze3A_606, %dma_start3A_615] : memref<2600000x64xf32, #tpu.memory_space<hbm>> -> memref<1x64xf32, #tpu.memory_space<hbm>>
        %dma_start3A_617 = tpu.memref_squeeze %dma_start3A_616 : memref<1x64xf32, #tpu.memory_space<hbm>> -> memref<64xf32, #tpu.memory_space<hbm>>
        %dma_start3A_618 = arith.constant 0 : i32
        %dma_start3A_619 = tpu.memref_slice %arg6[%dma_start3A_611, %add3A_610, %dma_start3A_618] : memref<2x256x64xf32, #tpu.memory_space<vmem>> -> memref<1x1x64xf32, #tpu.memory_space<vmem>>
        %dma_start3A_620 = tpu.memref_squeeze %dma_start3A_619 : memref<1x1x64xf32, #tpu.memory_space<vmem>> -> memref<64xf32, #tpu.memory_space<vmem>>
        %dma_start3A_621 = arith.constant 0 : i32
        %dma_start3A_622 = tpu.memref_slice %arg3[%squeeze3A_606, %dma_start3A_621] : memref<2600000x64xf32, #tpu.memory_space<hbm>> -> memref<1x64xf32, #tpu.memory_space<hbm>>
        %dma_start3A_623 = tpu.memref_squeeze %dma_start3A_622 : memref<1x64xf32, #tpu.memory_space<hbm>> -> memref<64xf32, #tpu.memory_space<hbm>>
        tpu.enqueue_dma source(%dma_start3A_623 : memref<64xf32, #tpu.memory_space<hbm>>) target(%dma_start3A_620 : memref<64xf32, #tpu.memory_space<vmem>>) target_semaphore(%arg8 : memref<!tpu.dma_semaphore, #tpu.memory_space<semaphore_mem>>)
        %slice3A_624 = vector.extract_strided_slice %add3A_340 {offsets = [15], sizes = [1], strides = [1]} : vector<16xi32> to vector<1xi32>
        %squeeze3A_625 = vector.extract %slice3A_624[0] : i32 from vector<1xi32>
        %mul3A_626 = arith.constant 16 : i32
        %mul3A_627 = arith.muli %scan3A_327, %mul3A_626 : i32
        %add3A_628 = arith.constant 15 : i32
        %add3A_629 = arith.addi %mul3A_627, %add3A_628 : i32
        %dma_start3A_630 = arith.constant 0 : i32
        %dma_start3A_631 = arith.constant 0 : i32
        %dma_start3A_632 = tpu.memref_slice %arg6[%dma_start3A_630, %add3A_629, %dma_start3A_631] : memref<2x256x64xf32, #tpu.memory_space<vmem>> -> memref<1x1x64xf32, #tpu.memory_space<vmem>>
        %dma_start3A_633 = tpu.memref_squeeze %dma_start3A_632 : memref<1x1x64xf32, #tpu.memory_space<vmem>> -> memref<64xf32, #tpu.memory_space<vmem>>
        %dma_start3A_634 = arith.constant 0 : i32
        %dma_start3A_635 = tpu.memref_slice %arg3[%squeeze3A_625, %dma_start3A_634] : memref<2600000x64xf32, #tpu.memory_space<hbm>> -> memref<1x64xf32, #tpu.memory_space<hbm>>
        %dma_start3A_636 = tpu.memref_squeeze %dma_start3A_635 : memref<1x64xf32, #tpu.memory_space<hbm>> -> memref<64xf32, #tpu.memory_space<hbm>>
        %dma_start3A_637 = arith.constant 0 : i32
        %dma_start3A_638 = tpu.memref_slice %arg6[%dma_start3A_630, %add3A_629, %dma_start3A_637] : memref<2x256x64xf32, #tpu.memory_space<vmem>> -> memref<1x1x64xf32, #tpu.memory_space<vmem>>
        %dma_start3A_639 = tpu.memref_squeeze %dma_start3A_638 : memref<1x1x64xf32, #tpu.memory_space<vmem>> -> memref<64xf32, #tpu.memory_space<vmem>>
        %dma_start3A_640 = arith.constant 0 : i32
        %dma_start3A_641 = tpu.memref_slice %arg3[%squeeze3A_625, %dma_start3A_640] : memref<2600000x64xf32, #tpu.memory_space<hbm>> -> memref<1x64xf32, #tpu.memory_space<hbm>>
        %dma_start3A_642 = tpu.memref_squeeze %dma_start3A_641 : memref<1x64xf32, #tpu.memory_space<hbm>> -> memref<64xf32, #tpu.memory_space<hbm>>
        tpu.enqueue_dma source(%dma_start3A_642 : memref<64xf32, #tpu.memory_space<hbm>>) target(%dma_start3A_639 : memref<64xf32, #tpu.memory_space<vmem>>) target_semaphore(%arg8 : memref<!tpu.dma_semaphore, #tpu.memory_space<semaphore_mem>>)
      }
      %scan3A_247 = arith.constant 16 : i32
      %dma_wait3A_248 = arith.constant 1 : i32
      %dma_wait3A_249 = arith.constant 0 : i32
      %dma_wait3A_250 = arith.constant 0 : i32
      %dma_wait3A_251 = tpu.memref_slice %arg6[%dma_wait3A_248, %dma_wait3A_249, %dma_wait3A_250] : memref<2x256x64xf32, #tpu.memory_space<vmem>> -> memref<1x256x64xf32, #tpu.memory_space<vmem>>
      %dma_wait3A_252 = tpu.memref_squeeze %dma_wait3A_251 : memref<1x256x64xf32, #tpu.memory_space<vmem>> -> memref<256x64xf32, #tpu.memory_space<vmem>>
      %dma_wait3A_253 = arith.constant 0 : i32
      %dma_wait3A_254 = arith.constant 0 : i32
      %dma_wait3A_255 = tpu.memref_slice %arg3[%dma_wait3A_253, %dma_wait3A_254] : memref<2600000x64xf32, #tpu.memory_space<hbm>> -> memref<256x64xf32, #tpu.memory_space<hbm>>
      %dma_wait3A_256 = arith.constant 0 : i32
      %dma_wait3A_257 = arith.constant 0 : i32
      %dma_wait3A_258 = tpu.memref_slice %arg6[%dma_wait3A_248, %dma_wait3A_256, %dma_wait3A_257] : memref<2x256x64xf32, #tpu.memory_space<vmem>> -> memref<1x256x64xf32, #tpu.memory_space<vmem>>
      %dma_wait3A_259 = tpu.memref_squeeze %dma_wait3A_258 : memref<1x256x64xf32, #tpu.memory_space<vmem>> -> memref<256x64xf32, #tpu.memory_space<vmem>>
      %dma_wait3A_260 = arith.constant 0 : i32
      %dma_wait3A_261 = arith.constant 0 : i32
      %dma_wait3A_262 = tpu.memref_slice %arg3[%dma_wait3A_260, %dma_wait3A_261] : memref<2600000x64xf32, #tpu.memory_space<hbm>> -> memref<256x64xf32, #tpu.memory_space<hbm>>
      tpu.wait_dma2 semaphore(%arg9 : memref<!tpu.dma_semaphore, #tpu.memory_space<semaphore_mem>>) src(%dma_wait3A_262 : memref<256x64xf32, #tpu.memory_space<hbm>>) dst(%dma_wait3A_259 : memref<256x64xf32, #tpu.memory_space<vmem>>)
      %add3A_263 = arith.constant 256 : i32
      %add3A_264 = arith.addi %mul3A_2, %add3A_263 : i32
      %dma_start3A_265 = arith.constant 1 : i32
      %dma_start3A_266 = arith.constant 0 : i32
      %dma_start3A_267 = arith.constant 0 : i32
      %dma_start3A_268 = tpu.memref_slice %arg6[%dma_start3A_265, %dma_start3A_266, %dma_start3A_267] : memref<2x256x64xf32, #tpu.memory_space<vmem>> -> memref<1x256x64xf32, #tpu.memory_space<vmem>>
      %dma_start3A_269 = tpu.memref_squeeze %dma_start3A_268 : memref<1x256x64xf32, #tpu.memory_space<vmem>> -> memref<256x64xf32, #tpu.memory_space<vmem>>
      %dma_start3A_270 = arith.constant 0 : i32
      %dma_start3A_271 = tpu.memref_slice %arg4[%add3A_264, %scan3A_168, %dma_start3A_270] : memref<16384x26x64xf32, #tpu.memory_space<hbm>> -> memref<256x1x64xf32, #tpu.memory_space<hbm>>
      %dma_start3A_272 = tpu.memref_squeeze %dma_start3A_271 : memref<256x1x64xf32, #tpu.memory_space<hbm>> -> memref<256x64xf32, #tpu.memory_space<hbm>>
      %dma_start3A_273 = arith.constant 0 : i32
      %dma_start3A_274 = tpu.memref_slice %arg4[%add3A_264, %scan3A_168, %dma_start3A_273] : memref<16384x26x64xf32, #tpu.memory_space<hbm>> -> memref<256x1x64xf32, #tpu.memory_space<hbm>>
      %dma_start3A_275 = tpu.memref_squeeze %dma_start3A_274 : memref<256x1x64xf32, #tpu.memory_space<hbm>> -> memref<256x64xf32, #tpu.memory_space<hbm>>
      %dma_start3A_276 = arith.constant 0 : i32
      %dma_start3A_277 = arith.constant 0 : i32
      %dma_start3A_278 = tpu.memref_slice %arg6[%dma_start3A_265, %dma_start3A_276, %dma_start3A_277] : memref<2x256x64xf32, #tpu.memory_space<vmem>> -> memref<1x256x64xf32, #tpu.memory_space<vmem>>
      %dma_start3A_279 = tpu.memref_squeeze %dma_start3A_278 : memref<1x256x64xf32, #tpu.memory_space<vmem>> -> memref<256x64xf32, #tpu.memory_space<vmem>>
      tpu.enqueue_dma source(%dma_start3A_279 : memref<256x64xf32, #tpu.memory_space<vmem>>) target(%dma_start3A_275 : memref<256x64xf32, #tpu.memory_space<hbm>>) target_semaphore(%arg10 : memref<!tpu.dma_semaphore, #tpu.memory_space<semaphore_mem>>)
      %dma_wait3A_280 = arith.constant 1 : i32
      %dma_wait3A_281 = arith.constant 0 : i32
      %dma_wait3A_282 = arith.constant 0 : i32
      %dma_wait3A_283 = tpu.memref_slice %arg6[%dma_wait3A_280, %dma_wait3A_281, %dma_wait3A_282] : memref<2x256x64xf32, #tpu.memory_space<vmem>> -> memref<1x256x64xf32, #tpu.memory_space<vmem>>
      %dma_wait3A_284 = tpu.memref_squeeze %dma_wait3A_283 : memref<1x256x64xf32, #tpu.memory_space<vmem>> -> memref<256x64xf32, #tpu.memory_space<vmem>>
      %dma_wait3A_285 = arith.constant 0 : i32
      %dma_wait3A_286 = tpu.memref_slice %arg4[%add3A_264, %scan3A_168, %dma_wait3A_285] : memref<16384x26x64xf32, #tpu.memory_space<hbm>> -> memref<256x1x64xf32, #tpu.memory_space<hbm>>
      %dma_wait3A_287 = tpu.memref_squeeze %dma_wait3A_286 : memref<256x1x64xf32, #tpu.memory_space<hbm>> -> memref<256x64xf32, #tpu.memory_space<hbm>>
      %dma_wait3A_288 = arith.constant 0 : i32
      %dma_wait3A_289 = tpu.memref_slice %arg4[%add3A_264, %scan3A_168, %dma_wait3A_288] : memref<16384x26x64xf32, #tpu.memory_space<hbm>> -> memref<256x1x64xf32, #tpu.memory_space<hbm>>
      %dma_wait3A_290 = tpu.memref_squeeze %dma_wait3A_289 : memref<256x1x64xf32, #tpu.memory_space<hbm>> -> memref<256x64xf32, #tpu.memory_space<hbm>>
      %dma_wait3A_291 = arith.constant 0 : i32
      %dma_wait3A_292 = arith.constant 0 : i32
      %dma_wait3A_293 = tpu.memref_slice %arg6[%dma_wait3A_280, %dma_wait3A_291, %dma_wait3A_292] : memref<2x256x64xf32, #tpu.memory_space<vmem>> -> memref<1x256x64xf32, #tpu.memory_space<vmem>>
      %dma_wait3A_294 = tpu.memref_squeeze %dma_wait3A_293 : memref<1x256x64xf32, #tpu.memory_space<vmem>> -> memref<256x64xf32, #tpu.memory_space<vmem>>
      tpu.wait_dma2 semaphore(%arg10 : memref<!tpu.dma_semaphore, #tpu.memory_space<semaphore_mem>>) src(%dma_wait3A_294 : memref<256x64xf32, #tpu.memory_space<vmem>>) dst(%dma_wait3A_290 : memref<256x64xf32, #tpu.memory_space<hbm>>)
      %add3A_295 = arith.constant 1 : i32
      %add3A_296 = arith.addi %scan3A_168, %add3A_295 : i32
      %add3A_297 = arith.constant 256 : i32
      %add3A_298 = arith.addi %mul3A_2, %add3A_297 : i32
      %dma_start3A_299 = arith.constant 1 : i32
      %dma_start3A_300 = arith.constant 0 : i32
      %dma_start3A_301 = tpu.memref_slice %arg5[%dma_start3A_299, %dma_start3A_300] : memref<2x256xi32, #tpu.memory_space<vmem>> -> memref<1x256xi32, #tpu.memory_space<vmem>>
      %dma_start3A_302 = tpu.memref_squeeze %dma_start3A_301 : memref<1x256xi32, #tpu.memory_space<vmem>> -> memref<256xi32, #tpu.memory_space<vmem>>
      %dma_start3A_303 = tpu.memref_slice %arg2[%add3A_296, %add3A_298] : memref<26x16384xi32, #tpu.memory_space<hbm>> -> memref<1x256xi32, #tpu.memory_space<hbm>>
      %dma_start3A_304 = tpu.memref_squeeze %dma_start3A_303 : memref<1x256xi32, #tpu.memory_space<hbm>> -> memref<256xi32, #tpu.memory_space<hbm>>
      %dma_start3A_305 = arith.constant 0 : i32
      %dma_start3A_306 = tpu.memref_slice %arg5[%dma_start3A_299, %dma_start3A_305] : memref<2x256xi32, #tpu.memory_space<vmem>> -> memref<1x256xi32, #tpu.memory_space<vmem>>
      %dma_start3A_307 = tpu.memref_squeeze %dma_start3A_306 : memref<1x256xi32, #tpu.memory_space<vmem>> -> memref<256xi32, #tpu.memory_space<vmem>>
      %dma_start3A_308 = tpu.memref_slice %arg2[%add3A_296, %add3A_298] : memref<26x16384xi32, #tpu.memory_space<hbm>> -> memref<1x256xi32, #tpu.memory_space<hbm>>
      %dma_start3A_309 = tpu.memref_squeeze %dma_start3A_308 : memref<1x256xi32, #tpu.memory_space<hbm>> -> memref<256xi32, #tpu.memory_space<hbm>>
      tpu.enqueue_dma source(%dma_start3A_309 : memref<256xi32, #tpu.memory_space<hbm>>) target(%dma_start3A_307 : memref<256xi32, #tpu.memory_space<vmem>>) target_semaphore(%arg7 : memref<!tpu.dma_semaphore, #tpu.memory_space<semaphore_mem>>)
      %dma_wait3A_310 = arith.constant 1 : i32
      %dma_wait3A_311 = arith.constant 0 : i32
      %dma_wait3A_312 = tpu.memref_slice %arg5[%dma_wait3A_310, %dma_wait3A_311] : memref<2x256xi32, #tpu.memory_space<vmem>> -> memref<1x256xi32, #tpu.memory_space<vmem>>
      %dma_wait3A_313 = tpu.memref_squeeze %dma_wait3A_312 : memref<1x256xi32, #tpu.memory_space<vmem>> -> memref<256xi32, #tpu.memory_space<vmem>>
      %dma_wait3A_314 = tpu.memref_slice %arg2[%add3A_296, %add3A_298] : memref<26x16384xi32, #tpu.memory_space<hbm>> -> memref<1x256xi32, #tpu.memory_space<hbm>>
      %dma_wait3A_315 = tpu.memref_squeeze %dma_wait3A_314 : memref<1x256xi32, #tpu.memory_space<hbm>> -> memref<256xi32, #tpu.memory_space<hbm>>
      %dma_wait3A_316 = arith.constant 0 : i32
      %dma_wait3A_317 = tpu.memref_slice %arg5[%dma_wait3A_310, %dma_wait3A_316] : memref<2x256xi32, #tpu.memory_space<vmem>> -> memref<1x256xi32, #tpu.memory_space<vmem>>
      %dma_wait3A_318 = tpu.memref_squeeze %dma_wait3A_317 : memref<1x256xi32, #tpu.memory_space<vmem>> -> memref<256xi32, #tpu.memory_space<vmem>>
      %dma_wait3A_319 = tpu.memref_slice %arg2[%add3A_296, %add3A_298] : memref<26x16384xi32, #tpu.memory_space<hbm>> -> memref<1x256xi32, #tpu.memory_space<hbm>>
      %dma_wait3A_320 = tpu.memref_squeeze %dma_wait3A_319 : memref<1x256xi32, #tpu.memory_space<hbm>> -> memref<256xi32, #tpu.memory_space<hbm>>
      tpu.wait_dma2 semaphore(%arg7 : memref<!tpu.dma_semaphore, #tpu.memory_space<semaphore_mem>>) src(%dma_wait3A_320 : memref<256xi32, #tpu.memory_space<hbm>>) dst(%dma_wait3A_318 : memref<256xi32, #tpu.memory_space<vmem>>)
      %scan3A_321 = arith.constant 0 : i32
      %scan3A_322 = arith.constant 0 : i32
      %scan3A_323 = arith.constant 16 : i32
      %scan3A_324 = arith.addi %scan3A_322, %scan3A_323 : i32
      %scan3A_325 = arith.constant 1 : i32
      scf.for %scan3A_327 = %scan3A_322 to %scan3A_324 step %scan3A_325  : i32 {
        %mul3A_328 = arith.constant 16 : i32
        %mul3A_329 = arith.muli %scan3A_327, %mul3A_328 : i32
        %get3A = arith.constant 1 : i32
        %get3A_330 = arith.index_cast %get3A : i32 to index
        %get3A_331 = arith.index_cast %mul3A_329 : i32 to index
        %get3A_332 = tpu.vector_load %arg5[%get3A_330, %get3A_331] {strides = array<i32>} : memref<2x256xi32, #tpu.memory_space<vmem>>, vector<16xi32>,
        %min3A = arith.constant 99999 : i32
        %min3A_333 = vector.broadcast %min3A : i32 to vector<16xi32>
        %min3A_334 = arith.minsi %get3A_332, %min3A_333 : vector<16xi32>
        %max3A = arith.constant 0 : i32
        %max3A_335 = vector.broadcast %max3A : i32 to vector<16xi32>
        %max3A_336 = arith.maxsi %min3A_334, %max3A_335 : vector<16xi32>
        %mul3A_337 = arith.constant 100000 : i32
        %mul3A_338 = arith.muli %add3A_296, %mul3A_337 : i32
        %add3A_339 = vector.broadcast %mul3A_338 : i32 to vector<16xi32>
        %add3A_340 = arith.addi %max3A_336, %add3A_339 : vector<16xi32>
        %slice3A = vector.extract_strided_slice %add3A_340 {offsets = [0], sizes = [1], strides = [1]} : vector<16xi32> to vector<1xi32>
        %squeeze3A = vector.extract %slice3A[0] : i32 from vector<1xi32>
        %mul3A_341 = arith.constant 16 : i32
        %mul3A_342 = arith.muli %scan3A_327, %mul3A_341 : i32
        %add3A_343 = arith.constant 0 : i32
        %add3A_344 = arith.addi %mul3A_342, %add3A_343 : i32
        %dma_start3A_345 = arith.constant 1 : i32
        %dma_start3A_346 = arith.constant 0 : i32
        %dma_start3A_347 = tpu.memref_slice %arg6[%dma_start3A_345, %add3A_344, %dma_start3A_346] : memref<2x256x64xf32, #tpu.memory_space<vmem>> -> memref<1x1x64xf32, #tpu.memory_space<vmem>>
        %dma_start3A_348 = tpu.memref_squeeze %dma_start3A_347 : memref<1x1x64xf32, #tpu.memory_space<vmem>> -> memref<64xf32, #tpu.memory_space<vmem>>
        %dma_start3A_349 = arith.constant 0 : i32
        %dma_start3A_350 = tpu.memref_slice %arg3[%squeeze3A, %dma_start3A_349] : memref<2600000x64xf32, #tpu.memory_space<hbm>> -> memref<1x64xf32, #tpu.memory_space<hbm>>
        %dma_start3A_351 = tpu.memref_squeeze %dma_start3A_350 : memref<1x64xf32, #tpu.memory_space<hbm>> -> memref<64xf32, #tpu.memory_space<hbm>>
        %dma_start3A_352 = arith.constant 0 : i32
        %dma_start3A_353 = tpu.memref_slice %arg6[%dma_start3A_345, %add3A_344, %dma_start3A_352] : memref<2x256x64xf32, #tpu.memory_space<vmem>> -> memref<1x1x64xf32, #tpu.memory_space<vmem>>
        %dma_start3A_354 = tpu.memref_squeeze %dma_start3A_353 : memref<1x1x64xf32, #tpu.memory_space<vmem>> -> memref<64xf32, #tpu.memory_space<vmem>>
        %dma_start3A_355 = arith.constant 0 : i32
        %dma_start3A_356 = tpu.memref_slice %arg3[%squeeze3A, %dma_start3A_355] : memref<2600000x64xf32, #tpu.memory_space<hbm>> -> memref<1x64xf32, #tpu.memory_space<hbm>>
        %dma_start3A_357 = tpu.memref_squeeze %dma_start3A_356 : memref<1x64xf32, #tpu.memory_space<hbm>> -> memref<64xf32, #tpu.memory_space<hbm>>
        tpu.enqueue_dma source(%dma_start3A_357 : memref<64xf32, #tpu.memory_space<hbm>>) target(%dma_start3A_354 : memref<64xf32, #tpu.memory_space<vmem>>) target_semaphore(%arg9 : memref<!tpu.dma_semaphore, #tpu.memory_space<semaphore_mem>>)
        %slice3A_358 = vector.extract_strided_slice %add3A_340 {offsets = [1], sizes = [1], strides = [1]} : vector<16xi32> to vector<1xi32>
        %squeeze3A_359 = vector.extract %slice3A_358[0] : i32 from vector<1xi32>
        %mul3A_360 = arith.constant 16 : i32
        %mul3A_361 = arith.muli %scan3A_327, %mul3A_360 : i32
        %add3A_362 = arith.constant 1 : i32
        %add3A_363 = arith.addi %mul3A_361, %add3A_362 : i32
        %dma_start3A_364 = arith.constant 1 : i32
        %dma_start3A_365 = arith.constant 0 : i32
        %dma_start3A_366 = tpu.memref_slice %arg6[%dma_start3A_364, %add3A_363, %dma_start3A_365] : memref<2x256x64xf32, #tpu.memory_space<vmem>> -> memref<1x1x64xf32, #tpu.memory_space<vmem>>
        %dma_start3A_367 = tpu.memref_squeeze %dma_start3A_366 : memref<1x1x64xf32, #tpu.memory_space<vmem>> -> memref<64xf32, #tpu.memory_space<vmem>>
        %dma_start3A_368 = arith.constant 0 : i32
        %dma_start3A_369 = tpu.memref_slice %arg3[%squeeze3A_359, %dma_start3A_368] : memref<2600000x64xf32, #tpu.memory_space<hbm>> -> memref<1x64xf32, #tpu.memory_space<hbm>>
        %dma_start3A_370 = tpu.memref_squeeze %dma_start3A_369 : memref<1x64xf32, #tpu.memory_space<hbm>> -> memref<64xf32, #tpu.memory_space<hbm>>
        %dma_start3A_371 = arith.constant 0 : i32
        %dma_start3A_372 = tpu.memref_slice %arg6[%dma_start3A_364, %add3A_363, %dma_start3A_371] : memref<2x256x64xf32, #tpu.memory_space<vmem>> -> memref<1x1x64xf32, #tpu.memory_space<vmem>>
        %dma_start3A_373 = tpu.memref_squeeze %dma_start3A_372 : memref<1x1x64xf32, #tpu.memory_space<vmem>> -> memref<64xf32, #tpu.memory_space<vmem>>
        %dma_start3A_374 = arith.constant 0 : i32
        %dma_start3A_375 = tpu.memref_slice %arg3[%squeeze3A_359, %dma_start3A_374] : memref<2600000x64xf32, #tpu.memory_space<hbm>> -> memref<1x64xf32, #tpu.memory_space<hbm>>
        %dma_start3A_376 = tpu.memref_squeeze %dma_start3A_375 : memref<1x64xf32, #tpu.memory_space<hbm>> -> memref<64xf32, #tpu.memory_space<hbm>>
        tpu.enqueue_dma source(%dma_start3A_376 : memref<64xf32, #tpu.memory_space<hbm>>) target(%dma_start3A_373 : memref<64xf32, #tpu.memory_space<vmem>>) target_semaphore(%arg9 : memref<!tpu.dma_semaphore, #tpu.memory_space<semaphore_mem>>)
        %slice3A_377 = vector.extract_strided_slice %add3A_340 {offsets = [2], sizes = [1], strides = [1]} : vector<16xi32> to vector<1xi32>
        %squeeze3A_378 = vector.extract %slice3A_377[0] : i32 from vector<1xi32>
        %mul3A_379 = arith.constant 16 : i32
        %mul3A_380 = arith.muli %scan3A_327, %mul3A_379 : i32
        %add3A_381 = arith.constant 2 : i32
        %add3A_382 = arith.addi %mul3A_380, %add3A_381 : i32
        %dma_start3A_383 = arith.constant 1 : i32
        %dma_start3A_384 = arith.constant 0 : i32
        %dma_start3A_385 = tpu.memref_slice %arg6[%dma_start3A_383, %add3A_382, %dma_start3A_384] : memref<2x256x64xf32, #tpu.memory_space<vmem>> -> memref<1x1x64xf32, #tpu.memory_space<vmem>>
        %dma_start3A_386 = tpu.memref_squeeze %dma_start3A_385 : memref<1x1x64xf32, #tpu.memory_space<vmem>> -> memref<64xf32, #tpu.memory_space<vmem>>
        %dma_start3A_387 = arith.constant 0 : i32
        %dma_start3A_388 = tpu.memref_slice %arg3[%squeeze3A_378, %dma_start3A_387] : memref<2600000x64xf32, #tpu.memory_space<hbm>> -> memref<1x64xf32, #tpu.memory_space<hbm>>
        %dma_start3A_389 = tpu.memref_squeeze %dma_start3A_388 : memref<1x64xf32, #tpu.memory_space<hbm>> -> memref<64xf32, #tpu.memory_space<hbm>>
        %dma_start3A_390 = arith.constant 0 : i32
        %dma_start3A_391 = tpu.memref_slice %arg6[%dma_start3A_383, %add3A_382, %dma_start3A_390] : memref<2x256x64xf32, #tpu.memory_space<vmem>> -> memref<1x1x64xf32, #tpu.memory_space<vmem>>
        %dma_start3A_392 = tpu.memref_squeeze %dma_start3A_391 : memref<1x1x64xf32, #tpu.memory_space<vmem>> -> memref<64xf32, #tpu.memory_space<vmem>>
        %dma_start3A_393 = arith.constant 0 : i32
        %dma_start3A_394 = tpu.memref_slice %arg3[%squeeze3A_378, %dma_start3A_393] : memref<2600000x64xf32, #tpu.memory_space<hbm>> -> memref<1x64xf32, #tpu.memory_space<hbm>>
        %dma_start3A_395 = tpu.memref_squeeze %dma_start3A_394 : memref<1x64xf32, #tpu.memory_space<hbm>> -> memref<64xf32, #tpu.memory_space<hbm>>
        tpu.enqueue_dma source(%dma_start3A_395 : memref<64xf32, #tpu.memory_space<hbm>>) target(%dma_start3A_392 : memref<64xf32, #tpu.memory_space<vmem>>) target_semaphore(%arg9 : memref<!tpu.dma_semaphore, #tpu.memory_space<semaphore_mem>>)
        %slice3A_396 = vector.extract_strided_slice %add3A_340 {offsets = [3], sizes = [1], strides = [1]} : vector<16xi32> to vector<1xi32>
        %squeeze3A_397 = vector.extract %slice3A_396[0] : i32 from vector<1xi32>
        %mul3A_398 = arith.constant 16 : i32
        %mul3A_399 = arith.muli %scan3A_327, %mul3A_398 : i32
        %add3A_400 = arith.constant 3 : i32
        %add3A_401 = arith.addi %mul3A_399, %add3A_400 : i32
        %dma_start3A_402 = arith.constant 1 : i32
        %dma_start3A_403 = arith.constant 0 : i32
        %dma_start3A_404 = tpu.memref_slice %arg6[%dma_start3A_402, %add3A_401, %dma_start3A_403] : memref<2x256x64xf32, #tpu.memory_space<vmem>> -> memref<1x1x64xf32, #tpu.memory_space<vmem>>
        %dma_start3A_405 = tpu.memref_squeeze %dma_start3A_404 : memref<1x1x64xf32, #tpu.memory_space<vmem>> -> memref<64xf32, #tpu.memory_space<vmem>>
        %dma_start3A_406 = arith.constant 0 : i32
        %dma_start3A_407 = tpu.memref_slice %arg3[%squeeze3A_397, %dma_start3A_406] : memref<2600000x64xf32, #tpu.memory_space<hbm>> -> memref<1x64xf32, #tpu.memory_space<hbm>>
        %dma_start3A_408 = tpu.memref_squeeze %dma_start3A_407 : memref<1x64xf32, #tpu.memory_space<hbm>> -> memref<64xf32, #tpu.memory_space<hbm>>
        %dma_start3A_409 = arith.constant 0 : i32
        %dma_start3A_410 = tpu.memref_slice %arg6[%dma_start3A_402, %add3A_401, %dma_start3A_409] : memref<2x256x64xf32, #tpu.memory_space<vmem>> -> memref<1x1x64xf32, #tpu.memory_space<vmem>>
        %dma_start3A_411 = tpu.memref_squeeze %dma_start3A_410 : memref<1x1x64xf32, #tpu.memory_space<vmem>> -> memref<64xf32, #tpu.memory_space<vmem>>
        %dma_start3A_412 = arith.constant 0 : i32
        %dma_start3A_413 = tpu.memref_slice %arg3[%squeeze3A_397, %dma_start3A_412] : memref<2600000x64xf32, #tpu.memory_space<hbm>> -> memref<1x64xf32, #tpu.memory_space<hbm>>
        %dma_start3A_414 = tpu.memref_squeeze %dma_start3A_413 : memref<1x64xf32, #tpu.memory_space<hbm>> -> memref<64xf32, #tpu.memory_space<hbm>>
        tpu.enqueue_dma source(%dma_start3A_414 : memref<64xf32, #tpu.memory_space<hbm>>) target(%dma_start3A_411 : memref<64xf32, #tpu.memory_space<vmem>>) target_semaphore(%arg9 : memref<!tpu.dma_semaphore, #tpu.memory_space<semaphore_mem>>)
        %slice3A_415 = vector.extract_strided_slice %add3A_340 {offsets = [4], sizes = [1], strides = [1]} : vector<16xi32> to vector<1xi32>
        %squeeze3A_416 = vector.extract %slice3A_415[0] : i32 from vector<1xi32>
        %mul3A_417 = arith.constant 16 : i32
        %mul3A_418 = arith.muli %scan3A_327, %mul3A_417 : i32
        %add3A_419 = arith.constant 4 : i32
        %add3A_420 = arith.addi %mul3A_418, %add3A_419 : i32
        %dma_start3A_421 = arith.constant 1 : i32
        %dma_start3A_422 = arith.constant 0 : i32
        %dma_start3A_423 = tpu.memref_slice %arg6[%dma_start3A_421, %add3A_420, %dma_start3A_422] : memref<2x256x64xf32, #tpu.memory_space<vmem>> -> memref<1x1x64xf32, #tpu.memory_space<vmem>>
        %dma_start3A_424 = tpu.memref_squeeze %dma_start3A_423 : memref<1x1x64xf32, #tpu.memory_space<vmem>> -> memref<64xf32, #tpu.memory_space<vmem>>
        %dma_start3A_425 = arith.constant 0 : i32
        %dma_start3A_426 = tpu.memref_slice %arg3[%squeeze3A_416, %dma_start3A_425] : memref<2600000x64xf32, #tpu.memory_space<hbm>> -> memref<1x64xf32, #tpu.memory_space<hbm>>
        %dma_start3A_427 = tpu.memref_squeeze %dma_start3A_426 : memref<1x64xf32, #tpu.memory_space<hbm>> -> memref<64xf32, #tpu.memory_space<hbm>>
        %dma_start3A_428 = arith.constant 0 : i32
        %dma_start3A_429 = tpu.memref_slice %arg6[%dma_start3A_421, %add3A_420, %dma_start3A_428] : memref<2x256x64xf32, #tpu.memory_space<vmem>> -> memref<1x1x64xf32, #tpu.memory_space<vmem>>
        %dma_start3A_430 = tpu.memref_squeeze %dma_start3A_429 : memref<1x1x64xf32, #tpu.memory_space<vmem>> -> memref<64xf32, #tpu.memory_space<vmem>>
        %dma_start3A_431 = arith.constant 0 : i32
        %dma_start3A_432 = tpu.memref_slice %arg3[%squeeze3A_416, %dma_start3A_431] : memref<2600000x64xf32, #tpu.memory_space<hbm>> -> memref<1x64xf32, #tpu.memory_space<hbm>>
        %dma_start3A_433 = tpu.memref_squeeze %dma_start3A_432 : memref<1x64xf32, #tpu.memory_space<hbm>> -> memref<64xf32, #tpu.memory_space<hbm>>
        tpu.enqueue_dma source(%dma_start3A_433 : memref<64xf32, #tpu.memory_space<hbm>>) target(%dma_start3A_430 : memref<64xf32, #tpu.memory_space<vmem>>) target_semaphore(%arg9 : memref<!tpu.dma_semaphore, #tpu.memory_space<semaphore_mem>>)
        %slice3A_434 = vector.extract_strided_slice %add3A_340 {offsets = [5], sizes = [1], strides = [1]} : vector<16xi32> to vector<1xi32>
        %squeeze3A_435 = vector.extract %slice3A_434[0] : i32 from vector<1xi32>
        %mul3A_436 = arith.constant 16 : i32
        %mul3A_437 = arith.muli %scan3A_327, %mul3A_436 : i32
        %add3A_438 = arith.constant 5 : i32
        %add3A_439 = arith.addi %mul3A_437, %add3A_438 : i32
        %dma_start3A_440 = arith.constant 1 : i32
        %dma_start3A_441 = arith.constant 0 : i32
        %dma_start3A_442 = tpu.memref_slice %arg6[%dma_start3A_440, %add3A_439, %dma_start3A_441] : memref<2x256x64xf32, #tpu.memory_space<vmem>> -> memref<1x1x64xf32, #tpu.memory_space<vmem>>
        %dma_start3A_443 = tpu.memref_squeeze %dma_start3A_442 : memref<1x1x64xf32, #tpu.memory_space<vmem>> -> memref<64xf32, #tpu.memory_space<vmem>>
        %dma_start3A_444 = arith.constant 0 : i32
        %dma_start3A_445 = tpu.memref_slice %arg3[%squeeze3A_435, %dma_start3A_444] : memref<2600000x64xf32, #tpu.memory_space<hbm>> -> memref<1x64xf32, #tpu.memory_space<hbm>>
        %dma_start3A_446 = tpu.memref_squeeze %dma_start3A_445 : memref<1x64xf32, #tpu.memory_space<hbm>> -> memref<64xf32, #tpu.memory_space<hbm>>
        %dma_start3A_447 = arith.constant 0 : i32
        %dma_start3A_448 = tpu.memref_slice %arg6[%dma_start3A_440, %add3A_439, %dma_start3A_447] : memref<2x256x64xf32, #tpu.memory_space<vmem>> -> memref<1x1x64xf32, #tpu.memory_space<vmem>>
        %dma_start3A_449 = tpu.memref_squeeze %dma_start3A_448 : memref<1x1x64xf32, #tpu.memory_space<vmem>> -> memref<64xf32, #tpu.memory_space<vmem>>
        %dma_start3A_450 = arith.constant 0 : i32
        %dma_start3A_451 = tpu.memref_slice %arg3[%squeeze3A_435, %dma_start3A_450] : memref<2600000x64xf32, #tpu.memory_space<hbm>> -> memref<1x64xf32, #tpu.memory_space<hbm>>
        %dma_start3A_452 = tpu.memref_squeeze %dma_start3A_451 : memref<1x64xf32, #tpu.memory_space<hbm>> -> memref<64xf32, #tpu.memory_space<hbm>>
        tpu.enqueue_dma source(%dma_start3A_452 : memref<64xf32, #tpu.memory_space<hbm>>) target(%dma_start3A_449 : memref<64xf32, #tpu.memory_space<vmem>>) target_semaphore(%arg9 : memref<!tpu.dma_semaphore, #tpu.memory_space<semaphore_mem>>)
        %slice3A_453 = vector.extract_strided_slice %add3A_340 {offsets = [6], sizes = [1], strides = [1]} : vector<16xi32> to vector<1xi32>
        %squeeze3A_454 = vector.extract %slice3A_453[0] : i32 from vector<1xi32>
        %mul3A_455 = arith.constant 16 : i32
        %mul3A_456 = arith.muli %scan3A_327, %mul3A_455 : i32
        %add3A_457 = arith.constant 6 : i32
        %add3A_458 = arith.addi %mul3A_456, %add3A_457 : i32
        %dma_start3A_459 = arith.constant 1 : i32
        %dma_start3A_460 = arith.constant 0 : i32
        %dma_start3A_461 = tpu.memref_slice %arg6[%dma_start3A_459, %add3A_458, %dma_start3A_460] : memref<2x256x64xf32, #tpu.memory_space<vmem>> -> memref<1x1x64xf32, #tpu.memory_space<vmem>>
        %dma_start3A_462 = tpu.memref_squeeze %dma_start3A_461 : memref<1x1x64xf32, #tpu.memory_space<vmem>> -> memref<64xf32, #tpu.memory_space<vmem>>
        %dma_start3A_463 = arith.constant 0 : i32
        %dma_start3A_464 = tpu.memref_slice %arg3[%squeeze3A_454, %dma_start3A_463] : memref<2600000x64xf32, #tpu.memory_space<hbm>> -> memref<1x64xf32, #tpu.memory_space<hbm>>
        %dma_start3A_465 = tpu.memref_squeeze %dma_start3A_464 : memref<1x64xf32, #tpu.memory_space<hbm>> -> memref<64xf32, #tpu.memory_space<hbm>>
        %dma_start3A_466 = arith.constant 0 : i32
        %dma_start3A_467 = tpu.memref_slice %arg6[%dma_start3A_459, %add3A_458, %dma_start3A_466] : memref<2x256x64xf32, #tpu.memory_space<vmem>> -> memref<1x1x64xf32, #tpu.memory_space<vmem>>
        %dma_start3A_468 = tpu.memref_squeeze %dma_start3A_467 : memref<1x1x64xf32, #tpu.memory_space<vmem>> -> memref<64xf32, #tpu.memory_space<vmem>>
        %dma_start3A_469 = arith.constant 0 : i32
        %dma_start3A_470 = tpu.memref_slice %arg3[%squeeze3A_454, %dma_start3A_469] : memref<2600000x64xf32, #tpu.memory_space<hbm>> -> memref<1x64xf32, #tpu.memory_space<hbm>>
        %dma_start3A_471 = tpu.memref_squeeze %dma_start3A_470 : memref<1x64xf32, #tpu.memory_space<hbm>> -> memref<64xf32, #tpu.memory_space<hbm>>
        tpu.enqueue_dma source(%dma_start3A_471 : memref<64xf32, #tpu.memory_space<hbm>>) target(%dma_start3A_468 : memref<64xf32, #tpu.memory_space<vmem>>) target_semaphore(%arg9 : memref<!tpu.dma_semaphore, #tpu.memory_space<semaphore_mem>>)
        %slice3A_472 = vector.extract_strided_slice %add3A_340 {offsets = [7], sizes = [1], strides = [1]} : vector<16xi32> to vector<1xi32>
        %squeeze3A_473 = vector.extract %slice3A_472[0] : i32 from vector<1xi32>
        %mul3A_474 = arith.constant 16 : i32
        %mul3A_475 = arith.muli %scan3A_327, %mul3A_474 : i32
        %add3A_476 = arith.constant 7 : i32
        %add3A_477 = arith.addi %mul3A_475, %add3A_476 : i32
        %dma_start3A_478 = arith.constant 1 : i32
        %dma_start3A_479 = arith.constant 0 : i32
        %dma_start3A_480 = tpu.memref_slice %arg6[%dma_start3A_478, %add3A_477, %dma_start3A_479] : memref<2x256x64xf32, #tpu.memory_space<vmem>> -> memref<1x1x64xf32, #tpu.memory_space<vmem>>
        %dma_start3A_481 = tpu.memref_squeeze %dma_start3A_480 : memref<1x1x64xf32, #tpu.memory_space<vmem>> -> memref<64xf32, #tpu.memory_space<vmem>>
        %dma_start3A_482 = arith.constant 0 : i32
        %dma_start3A_483 = tpu.memref_slice %arg3[%squeeze3A_473, %dma_start3A_482] : memref<2600000x64xf32, #tpu.memory_space<hbm>> -> memref<1x64xf32, #tpu.memory_space<hbm>>
        %dma_start3A_484 = tpu.memref_squeeze %dma_start3A_483 : memref<1x64xf32, #tpu.memory_space<hbm>> -> memref<64xf32, #tpu.memory_space<hbm>>
        %dma_start3A_485 = arith.constant 0 : i32
        %dma_start3A_486 = tpu.memref_slice %arg6[%dma_start3A_478, %add3A_477, %dma_start3A_485] : memref<2x256x64xf32, #tpu.memory_space<vmem>> -> memref<1x1x64xf32, #tpu.memory_space<vmem>>
        %dma_start3A_487 = tpu.memref_squeeze %dma_start3A_486 : memref<1x1x64xf32, #tpu.memory_space<vmem>> -> memref<64xf32, #tpu.memory_space<vmem>>
        %dma_start3A_488 = arith.constant 0 : i32
        %dma_start3A_489 = tpu.memref_slice %arg3[%squeeze3A_473, %dma_start3A_488] : memref<2600000x64xf32, #tpu.memory_space<hbm>> -> memref<1x64xf32, #tpu.memory_space<hbm>>
        %dma_start3A_490 = tpu.memref_squeeze %dma_start3A_489 : memref<1x64xf32, #tpu.memory_space<hbm>> -> memref<64xf32, #tpu.memory_space<hbm>>
        tpu.enqueue_dma source(%dma_start3A_490 : memref<64xf32, #tpu.memory_space<hbm>>) target(%dma_start3A_487 : memref<64xf32, #tpu.memory_space<vmem>>) target_semaphore(%arg9 : memref<!tpu.dma_semaphore, #tpu.memory_space<semaphore_mem>>)
        %slice3A_491 = vector.extract_strided_slice %add3A_340 {offsets = [8], sizes = [1], strides = [1]} : vector<16xi32> to vector<1xi32>
        %squeeze3A_492 = vector.extract %slice3A_491[0] : i32 from vector<1xi32>
        %mul3A_493 = arith.constant 16 : i32
        %mul3A_494 = arith.muli %scan3A_327, %mul3A_493 : i32
        %add3A_495 = arith.constant 8 : i32
        %add3A_496 = arith.addi %mul3A_494, %add3A_495 : i32
        %dma_start3A_497 = arith.constant 1 : i32
        %dma_start3A_498 = arith.constant 0 : i32
        %dma_start3A_499 = tpu.memref_slice %arg6[%dma_start3A_497, %add3A_496, %dma_start3A_498] : memref<2x256x64xf32, #tpu.memory_space<vmem>> -> memref<1x1x64xf32, #tpu.memory_space<vmem>>
        %dma_start3A_500 = tpu.memref_squeeze %dma_start3A_499 : memref<1x1x64xf32, #tpu.memory_space<vmem>> -> memref<64xf32, #tpu.memory_space<vmem>>
        %dma_start3A_501 = arith.constant 0 : i32
        %dma_start3A_502 = tpu.memref_slice %arg3[%squeeze3A_492, %dma_start3A_501] : memref<2600000x64xf32, #tpu.memory_space<hbm>> -> memref<1x64xf32, #tpu.memory_space<hbm>>
        %dma_start3A_503 = tpu.memref_squeeze %dma_start3A_502 : memref<1x64xf32, #tpu.memory_space<hbm>> -> memref<64xf32, #tpu.memory_space<hbm>>
        %dma_start3A_504 = arith.constant 0 : i32
        %dma_start3A_505 = tpu.memref_slice %arg6[%dma_start3A_497, %add3A_496, %dma_start3A_504] : memref<2x256x64xf32, #tpu.memory_space<vmem>> -> memref<1x1x64xf32, #tpu.memory_space<vmem>>
        %dma_start3A_506 = tpu.memref_squeeze %dma_start3A_505 : memref<1x1x64xf32, #tpu.memory_space<vmem>> -> memref<64xf32, #tpu.memory_space<vmem>>
        %dma_start3A_507 = arith.constant 0 : i32
        %dma_start3A_508 = tpu.memref_slice %arg3[%squeeze3A_492, %dma_start3A_507] : memref<2600000x64xf32, #tpu.memory_space<hbm>> -> memref<1x64xf32, #tpu.memory_space<hbm>>
        %dma_start3A_509 = tpu.memref_squeeze %dma_start3A_508 : memref<1x64xf32, #tpu.memory_space<hbm>> -> memref<64xf32, #tpu.memory_space<hbm>>
        tpu.enqueue_dma source(%dma_start3A_509 : memref<64xf32, #tpu.memory_space<hbm>>) target(%dma_start3A_506 : memref<64xf32, #tpu.memory_space<vmem>>) target_semaphore(%arg9 : memref<!tpu.dma_semaphore, #tpu.memory_space<semaphore_mem>>)
        %slice3A_510 = vector.extract_strided_slice %add3A_340 {offsets = [9], sizes = [1], strides = [1]} : vector<16xi32> to vector<1xi32>
        %squeeze3A_511 = vector.extract %slice3A_510[0] : i32 from vector<1xi32>
        %mul3A_512 = arith.constant 16 : i32
        %mul3A_513 = arith.muli %scan3A_327, %mul3A_512 : i32
        %add3A_514 = arith.constant 9 : i32
        %add3A_515 = arith.addi %mul3A_513, %add3A_514 : i32
        %dma_start3A_516 = arith.constant 1 : i32
        %dma_start3A_517 = arith.constant 0 : i32
        %dma_start3A_518 = tpu.memref_slice %arg6[%dma_start3A_516, %add3A_515, %dma_start3A_517] : memref<2x256x64xf32, #tpu.memory_space<vmem>> -> memref<1x1x64xf32, #tpu.memory_space<vmem>>
        %dma_start3A_519 = tpu.memref_squeeze %dma_start3A_518 : memref<1x1x64xf32, #tpu.memory_space<vmem>> -> memref<64xf32, #tpu.memory_space<vmem>>
        %dma_start3A_520 = arith.constant 0 : i32
        %dma_start3A_521 = tpu.memref_slice %arg3[%squeeze3A_511, %dma_start3A_520] : memref<2600000x64xf32, #tpu.memory_space<hbm>> -> memref<1x64xf32, #tpu.memory_space<hbm>>
        %dma_start3A_522 = tpu.memref_squeeze %dma_start3A_521 : memref<1x64xf32, #tpu.memory_space<hbm>> -> memref<64xf32, #tpu.memory_space<hbm>>
        %dma_start3A_523 = arith.constant 0 : i32
        %dma_start3A_524 = tpu.memref_slice %arg6[%dma_start3A_516, %add3A_515, %dma_start3A_523] : memref<2x256x64xf32, #tpu.memory_space<vmem>> -> memref<1x1x64xf32, #tpu.memory_space<vmem>>
        %dma_start3A_525 = tpu.memref_squeeze %dma_start3A_524 : memref<1x1x64xf32, #tpu.memory_space<vmem>> -> memref<64xf32, #tpu.memory_space<vmem>>
        %dma_start3A_526 = arith.constant 0 : i32
        %dma_start3A_527 = tpu.memref_slice %arg3[%squeeze3A_511, %dma_start3A_526] : memref<2600000x64xf32, #tpu.memory_space<hbm>> -> memref<1x64xf32, #tpu.memory_space<hbm>>
        %dma_start3A_528 = tpu.memref_squeeze %dma_start3A_527 : memref<1x64xf32, #tpu.memory_space<hbm>> -> memref<64xf32, #tpu.memory_space<hbm>>
        tpu.enqueue_dma source(%dma_start3A_528 : memref<64xf32, #tpu.memory_space<hbm>>) target(%dma_start3A_525 : memref<64xf32, #tpu.memory_space<vmem>>) target_semaphore(%arg9 : memref<!tpu.dma_semaphore, #tpu.memory_space<semaphore_mem>>)
        %slice3A_529 = vector.extract_strided_slice %add3A_340 {offsets = [10], sizes = [1], strides = [1]} : vector<16xi32> to vector<1xi32>
        %squeeze3A_530 = vector.extract %slice3A_529[0] : i32 from vector<1xi32>
        %mul3A_531 = arith.constant 16 : i32
        %mul3A_532 = arith.muli %scan3A_327, %mul3A_531 : i32
        %add3A_533 = arith.constant 10 : i32
        %add3A_534 = arith.addi %mul3A_532, %add3A_533 : i32
        %dma_start3A_535 = arith.constant 1 : i32
        %dma_start3A_536 = arith.constant 0 : i32
        %dma_start3A_537 = tpu.memref_slice %arg6[%dma_start3A_535, %add3A_534, %dma_start3A_536] : memref<2x256x64xf32, #tpu.memory_space<vmem>> -> memref<1x1x64xf32, #tpu.memory_space<vmem>>
        %dma_start3A_538 = tpu.memref_squeeze %dma_start3A_537 : memref<1x1x64xf32, #tpu.memory_space<vmem>> -> memref<64xf32, #tpu.memory_space<vmem>>
        %dma_start3A_539 = arith.constant 0 : i32
        %dma_start3A_540 = tpu.memref_slice %arg3[%squeeze3A_530, %dma_start3A_539] : memref<2600000x64xf32, #tpu.memory_space<hbm>> -> memref<1x64xf32, #tpu.memory_space<hbm>>
        %dma_start3A_541 = tpu.memref_squeeze %dma_start3A_540 : memref<1x64xf32, #tpu.memory_space<hbm>> -> memref<64xf32, #tpu.memory_space<hbm>>
        %dma_start3A_542 = arith.constant 0 : i32
        %dma_start3A_543 = tpu.memref_slice %arg6[%dma_start3A_535, %add3A_534, %dma_start3A_542] : memref<2x256x64xf32, #tpu.memory_space<vmem>> -> memref<1x1x64xf32, #tpu.memory_space<vmem>>
        %dma_start3A_544 = tpu.memref_squeeze %dma_start3A_543 : memref<1x1x64xf32, #tpu.memory_space<vmem>> -> memref<64xf32, #tpu.memory_space<vmem>>
        %dma_start3A_545 = arith.constant 0 : i32
        %dma_start3A_546 = tpu.memref_slice %arg3[%squeeze3A_530, %dma_start3A_545] : memref<2600000x64xf32, #tpu.memory_space<hbm>> -> memref<1x64xf32, #tpu.memory_space<hbm>>
        %dma_start3A_547 = tpu.memref_squeeze %dma_start3A_546 : memref<1x64xf32, #tpu.memory_space<hbm>> -> memref<64xf32, #tpu.memory_space<hbm>>
        tpu.enqueue_dma source(%dma_start3A_547 : memref<64xf32, #tpu.memory_space<hbm>>) target(%dma_start3A_544 : memref<64xf32, #tpu.memory_space<vmem>>) target_semaphore(%arg9 : memref<!tpu.dma_semaphore, #tpu.memory_space<semaphore_mem>>)
        %slice3A_548 = vector.extract_strided_slice %add3A_340 {offsets = [11], sizes = [1], strides = [1]} : vector<16xi32> to vector<1xi32>
        %squeeze3A_549 = vector.extract %slice3A_548[0] : i32 from vector<1xi32>
        %mul3A_550 = arith.constant 16 : i32
        %mul3A_551 = arith.muli %scan3A_327, %mul3A_550 : i32
        %add3A_552 = arith.constant 11 : i32
        %add3A_553 = arith.addi %mul3A_551, %add3A_552 : i32
        %dma_start3A_554 = arith.constant 1 : i32
        %dma_start3A_555 = arith.constant 0 : i32
        %dma_start3A_556 = tpu.memref_slice %arg6[%dma_start3A_554, %add3A_553, %dma_start3A_555] : memref<2x256x64xf32, #tpu.memory_space<vmem>> -> memref<1x1x64xf32, #tpu.memory_space<vmem>>
        %dma_start3A_557 = tpu.memref_squeeze %dma_start3A_556 : memref<1x1x64xf32, #tpu.memory_space<vmem>> -> memref<64xf32, #tpu.memory_space<vmem>>
        %dma_start3A_558 = arith.constant 0 : i32
        %dma_start3A_559 = tpu.memref_slice %arg3[%squeeze3A_549, %dma_start3A_558] : memref<2600000x64xf32, #tpu.memory_space<hbm>> -> memref<1x64xf32, #tpu.memory_space<hbm>>
        %dma_start3A_560 = tpu.memref_squeeze %dma_start3A_559 : memref<1x64xf32, #tpu.memory_space<hbm>> -> memref<64xf32, #tpu.memory_space<hbm>>
        %dma_start3A_561 = arith.constant 0 : i32
        %dma_start3A_562 = tpu.memref_slice %arg6[%dma_start3A_554, %add3A_553, %dma_start3A_561] : memref<2x256x64xf32, #tpu.memory_space<vmem>> -> memref<1x1x64xf32, #tpu.memory_space<vmem>>
        %dma_start3A_563 = tpu.memref_squeeze %dma_start3A_562 : memref<1x1x64xf32, #tpu.memory_space<vmem>> -> memref<64xf32, #tpu.memory_space<vmem>>
        %dma_start3A_564 = arith.constant 0 : i32
        %dma_start3A_565 = tpu.memref_slice %arg3[%squeeze3A_549, %dma_start3A_564] : memref<2600000x64xf32, #tpu.memory_space<hbm>> -> memref<1x64xf32, #tpu.memory_space<hbm>>
        %dma_start3A_566 = tpu.memref_squeeze %dma_start3A_565 : memref<1x64xf32, #tpu.memory_space<hbm>> -> memref<64xf32, #tpu.memory_space<hbm>>
        tpu.enqueue_dma source(%dma_start3A_566 : memref<64xf32, #tpu.memory_space<hbm>>) target(%dma_start3A_563 : memref<64xf32, #tpu.memory_space<vmem>>) target_semaphore(%arg9 : memref<!tpu.dma_semaphore, #tpu.memory_space<semaphore_mem>>)
        %slice3A_567 = vector.extract_strided_slice %add3A_340 {offsets = [12], sizes = [1], strides = [1]} : vector<16xi32> to vector<1xi32>
        %squeeze3A_568 = vector.extract %slice3A_567[0] : i32 from vector<1xi32>
        %mul3A_569 = arith.constant 16 : i32
        %mul3A_570 = arith.muli %scan3A_327, %mul3A_569 : i32
        %add3A_571 = arith.constant 12 : i32
        %add3A_572 = arith.addi %mul3A_570, %add3A_571 : i32
        %dma_start3A_573 = arith.constant 1 : i32
        %dma_start3A_574 = arith.constant 0 : i32
        %dma_start3A_575 = tpu.memref_slice %arg6[%dma_start3A_573, %add3A_572, %dma_start3A_574] : memref<2x256x64xf32, #tpu.memory_space<vmem>> -> memref<1x1x64xf32, #tpu.memory_space<vmem>>
        %dma_start3A_576 = tpu.memref_squeeze %dma_start3A_575 : memref<1x1x64xf32, #tpu.memory_space<vmem>> -> memref<64xf32, #tpu.memory_space<vmem>>
        %dma_start3A_577 = arith.constant 0 : i32
        %dma_start3A_578 = tpu.memref_slice %arg3[%squeeze3A_568, %dma_start3A_577] : memref<2600000x64xf32, #tpu.memory_space<hbm>> -> memref<1x64xf32, #tpu.memory_space<hbm>>
        %dma_start3A_579 = tpu.memref_squeeze %dma_start3A_578 : memref<1x64xf32, #tpu.memory_space<hbm>> -> memref<64xf32, #tpu.memory_space<hbm>>
        %dma_start3A_580 = arith.constant 0 : i32
        %dma_start3A_581 = tpu.memref_slice %arg6[%dma_start3A_573, %add3A_572, %dma_start3A_580] : memref<2x256x64xf32, #tpu.memory_space<vmem>> -> memref<1x1x64xf32, #tpu.memory_space<vmem>>
        %dma_start3A_582 = tpu.memref_squeeze %dma_start3A_581 : memref<1x1x64xf32, #tpu.memory_space<vmem>> -> memref<64xf32, #tpu.memory_space<vmem>>
        %dma_start3A_583 = arith.constant 0 : i32
        %dma_start3A_584 = tpu.memref_slice %arg3[%squeeze3A_568, %dma_start3A_583] : memref<2600000x64xf32, #tpu.memory_space<hbm>> -> memref<1x64xf32, #tpu.memory_space<hbm>>
        %dma_start3A_585 = tpu.memref_squeeze %dma_start3A_584 : memref<1x64xf32, #tpu.memory_space<hbm>> -> memref<64xf32, #tpu.memory_space<hbm>>
        tpu.enqueue_dma source(%dma_start3A_585 : memref<64xf32, #tpu.memory_space<hbm>>) target(%dma_start3A_582 : memref<64xf32, #tpu.memory_space<vmem>>) target_semaphore(%arg9 : memref<!tpu.dma_semaphore, #tpu.memory_space<semaphore_mem>>)
        %slice3A_586 = vector.extract_strided_slice %add3A_340 {offsets = [13], sizes = [1], strides = [1]} : vector<16xi32> to vector<1xi32>
        %squeeze3A_587 = vector.extract %slice3A_586[0] : i32 from vector<1xi32>
        %mul3A_588 = arith.constant 16 : i32
        %mul3A_589 = arith.muli %scan3A_327, %mul3A_588 : i32
        %add3A_590 = arith.constant 13 : i32
        %add3A_591 = arith.addi %mul3A_589, %add3A_590 : i32
        %dma_start3A_592 = arith.constant 1 : i32
        %dma_start3A_593 = arith.constant 0 : i32
        %dma_start3A_594 = tpu.memref_slice %arg6[%dma_start3A_592, %add3A_591, %dma_start3A_593] : memref<2x256x64xf32, #tpu.memory_space<vmem>> -> memref<1x1x64xf32, #tpu.memory_space<vmem>>
        %dma_start3A_595 = tpu.memref_squeeze %dma_start3A_594 : memref<1x1x64xf32, #tpu.memory_space<vmem>> -> memref<64xf32, #tpu.memory_space<vmem>>
        %dma_start3A_596 = arith.constant 0 : i32
        %dma_start3A_597 = tpu.memref_slice %arg3[%squeeze3A_587, %dma_start3A_596] : memref<2600000x64xf32, #tpu.memory_space<hbm>> -> memref<1x64xf32, #tpu.memory_space<hbm>>
        %dma_start3A_598 = tpu.memref_squeeze %dma_start3A_597 : memref<1x64xf32, #tpu.memory_space<hbm>> -> memref<64xf32, #tpu.memory_space<hbm>>
        %dma_start3A_599 = arith.constant 0 : i32
        %dma_start3A_600 = tpu.memref_slice %arg6[%dma_start3A_592, %add3A_591, %dma_start3A_599] : memref<2x256x64xf32, #tpu.memory_space<vmem>> -> memref<1x1x64xf32, #tpu.memory_space<vmem>>
        %dma_start3A_601 = tpu.memref_squeeze %dma_start3A_600 : memref<1x1x64xf32, #tpu.memory_space<vmem>> -> memref<64xf32, #tpu.memory_space<vmem>>
        %dma_start3A_602 = arith.constant 0 : i32
        %dma_start3A_603 = tpu.memref_slice %arg3[%squeeze3A_587, %dma_start3A_602] : memref<2600000x64xf32, #tpu.memory_space<hbm>> -> memref<1x64xf32, #tpu.memory_space<hbm>>
        %dma_start3A_604 = tpu.memref_squeeze %dma_start3A_603 : memref<1x64xf32, #tpu.memory_space<hbm>> -> memref<64xf32, #tpu.memory_space<hbm>>
        tpu.enqueue_dma source(%dma_start3A_604 : memref<64xf32, #tpu.memory_space<hbm>>) target(%dma_start3A_601 : memref<64xf32, #tpu.memory_space<vmem>>) target_semaphore(%arg9 : memref<!tpu.dma_semaphore, #tpu.memory_space<semaphore_mem>>)
        %slice3A_605 = vector.extract_strided_slice %add3A_340 {offsets = [14], sizes = [1], strides = [1]} : vector<16xi32> to vector<1xi32>
        %squeeze3A_606 = vector.extract %slice3A_605[0] : i32 from vector<1xi32>
        %mul3A_607 = arith.constant 16 : i32
        %mul3A_608 = arith.muli %scan3A_327, %mul3A_607 : i32
        %add3A_609 = arith.constant 14 : i32
        %add3A_610 = arith.addi %mul3A_608, %add3A_609 : i32
        %dma_start3A_611 = arith.constant 1 : i32
        %dma_start3A_612 = arith.constant 0 : i32
        %dma_start3A_613 = tpu.memref_slice %arg6[%dma_start3A_611, %add3A_610, %dma_start3A_612] : memref<2x256x64xf32, #tpu.memory_space<vmem>> -> memref<1x1x64xf32, #tpu.memory_space<vmem>>
        %dma_start3A_614 = tpu.memref_squeeze %dma_start3A_613 : memref<1x1x64xf32, #tpu.memory_space<vmem>> -> memref<64xf32, #tpu.memory_space<vmem>>
        %dma_start3A_615 = arith.constant 0 : i32
        %dma_start3A_616 = tpu.memref_slice %arg3[%squeeze3A_606, %dma_start3A_615] : memref<2600000x64xf32, #tpu.memory_space<hbm>> -> memref<1x64xf32, #tpu.memory_space<hbm>>
        %dma_start3A_617 = tpu.memref_squeeze %dma_start3A_616 : memref<1x64xf32, #tpu.memory_space<hbm>> -> memref<64xf32, #tpu.memory_space<hbm>>
        %dma_start3A_618 = arith.constant 0 : i32
        %dma_start3A_619 = tpu.memref_slice %arg6[%dma_start3A_611, %add3A_610, %dma_start3A_618] : memref<2x256x64xf32, #tpu.memory_space<vmem>> -> memref<1x1x64xf32, #tpu.memory_space<vmem>>
        %dma_start3A_620 = tpu.memref_squeeze %dma_start3A_619 : memref<1x1x64xf32, #tpu.memory_space<vmem>> -> memref<64xf32, #tpu.memory_space<vmem>>
        %dma_start3A_621 = arith.constant 0 : i32
        %dma_start3A_622 = tpu.memref_slice %arg3[%squeeze3A_606, %dma_start3A_621] : memref<2600000x64xf32, #tpu.memory_space<hbm>> -> memref<1x64xf32, #tpu.memory_space<hbm>>
        %dma_start3A_623 = tpu.memref_squeeze %dma_start3A_622 : memref<1x64xf32, #tpu.memory_space<hbm>> -> memref<64xf32, #tpu.memory_space<hbm>>
        tpu.enqueue_dma source(%dma_start3A_623 : memref<64xf32, #tpu.memory_space<hbm>>) target(%dma_start3A_620 : memref<64xf32, #tpu.memory_space<vmem>>) target_semaphore(%arg9 : memref<!tpu.dma_semaphore, #tpu.memory_space<semaphore_mem>>)
        %slice3A_624 = vector.extract_strided_slice %add3A_340 {offsets = [15], sizes = [1], strides = [1]} : vector<16xi32> to vector<1xi32>
        %squeeze3A_625 = vector.extract %slice3A_624[0] : i32 from vector<1xi32>
        %mul3A_626 = arith.constant 16 : i32
        %mul3A_627 = arith.muli %scan3A_327, %mul3A_626 : i32
        %add3A_628 = arith.constant 15 : i32
        %add3A_629 = arith.addi %mul3A_627, %add3A_628 : i32
        %dma_start3A_630 = arith.constant 1 : i32
        %dma_start3A_631 = arith.constant 0 : i32
        %dma_start3A_632 = tpu.memref_slice %arg6[%dma_start3A_630, %add3A_629, %dma_start3A_631] : memref<2x256x64xf32, #tpu.memory_space<vmem>> -> memref<1x1x64xf32, #tpu.memory_space<vmem>>
        %dma_start3A_633 = tpu.memref_squeeze %dma_start3A_632 : memref<1x1x64xf32, #tpu.memory_space<vmem>> -> memref<64xf32, #tpu.memory_space<vmem>>
        %dma_start3A_634 = arith.constant 0 : i32
        %dma_start3A_635 = tpu.memref_slice %arg3[%squeeze3A_625, %dma_start3A_634] : memref<2600000x64xf32, #tpu.memory_space<hbm>> -> memref<1x64xf32, #tpu.memory_space<hbm>>
        %dma_start3A_636 = tpu.memref_squeeze %dma_start3A_635 : memref<1x64xf32, #tpu.memory_space<hbm>> -> memref<64xf32, #tpu.memory_space<hbm>>
        %dma_start3A_637 = arith.constant 0 : i32
        %dma_start3A_638 = tpu.memref_slice %arg6[%dma_start3A_630, %add3A_629, %dma_start3A_637] : memref<2x256x64xf32, #tpu.memory_space<vmem>> -> memref<1x1x64xf32, #tpu.memory_space<vmem>>
        %dma_start3A_639 = tpu.memref_squeeze %dma_start3A_638 : memref<1x1x64xf32, #tpu.memory_space<vmem>> -> memref<64xf32, #tpu.memory_space<vmem>>
        %dma_start3A_640 = arith.constant 0 : i32
        %dma_start3A_641 = tpu.memref_slice %arg3[%squeeze3A_625, %dma_start3A_640] : memref<2600000x64xf32, #tpu.memory_space<hbm>> -> memref<1x64xf32, #tpu.memory_space<hbm>>
        %dma_start3A_642 = tpu.memref_squeeze %dma_start3A_641 : memref<1x64xf32, #tpu.memory_space<hbm>> -> memref<64xf32, #tpu.memory_space<hbm>>
        tpu.enqueue_dma source(%dma_start3A_642 : memref<64xf32, #tpu.memory_space<hbm>>) target(%dma_start3A_639 : memref<64xf32, #tpu.memory_space<vmem>>) target_semaphore(%arg9 : memref<!tpu.dma_semaphore, #tpu.memory_space<semaphore_mem>>)
      }
      %scan3A_326 = arith.constant 16 : i32
    }
    %scan3A_69 = arith.constant 25 : i32
    %dma_wait3A_70 = arith.constant 0 : i32
    %dma_wait3A_71 = arith.constant 0 : i32
    %dma_wait3A_72 = arith.constant 0 : i32
    %dma_wait3A_73 = tpu.memref_slice %arg6[%dma_wait3A_70, %dma_wait3A_71, %dma_wait3A_72] : memref<2x256x64xf32, #tpu.memory_space<vmem>> -> memref<1x256x64xf32, #tpu.memory_space<vmem>>
    %dma_wait3A_74 = tpu.memref_squeeze %dma_wait3A_73 : memref<1x256x64xf32, #tpu.memory_space<vmem>> -> memref<256x64xf32, #tpu.memory_space<vmem>>
    %dma_wait3A_75 = arith.constant 0 : i32
    %dma_wait3A_76 = arith.constant 0 : i32
    %dma_wait3A_77 = tpu.memref_slice %arg3[%dma_wait3A_75, %dma_wait3A_76] : memref<2600000x64xf32, #tpu.memory_space<hbm>> -> memref<256x64xf32, #tpu.memory_space<hbm>>
    %dma_wait3A_78 = arith.constant 0 : i32
    %dma_wait3A_79 = arith.constant 0 : i32
    %dma_wait3A_80 = tpu.memref_slice %arg6[%dma_wait3A_70, %dma_wait3A_78, %dma_wait3A_79] : memref<2x256x64xf32, #tpu.memory_space<vmem>> -> memref<1x256x64xf32, #tpu.memory_space<vmem>>
    %dma_wait3A_81 = tpu.memref_squeeze %dma_wait3A_80 : memref<1x256x64xf32, #tpu.memory_space<vmem>> -> memref<256x64xf32, #tpu.memory_space<vmem>>
    %dma_wait3A_82 = arith.constant 0 : i32
    %dma_wait3A_83 = arith.constant 0 : i32
    %dma_wait3A_84 = tpu.memref_slice %arg3[%dma_wait3A_82, %dma_wait3A_83] : memref<2600000x64xf32, #tpu.memory_space<hbm>> -> memref<256x64xf32, #tpu.memory_space<hbm>>
    tpu.wait_dma2 semaphore(%arg8 : memref<!tpu.dma_semaphore, #tpu.memory_space<semaphore_mem>>) src(%dma_wait3A_84 : memref<256x64xf32, #tpu.memory_space<hbm>>) dst(%dma_wait3A_81 : memref<256x64xf32, #tpu.memory_space<vmem>>)
    %add3A_85 = arith.constant 0 : i32
    %add3A_86 = arith.addi %mul3A_2, %add3A_85 : i32
    %dma_start3A_87 = arith.constant 0 : i32
    %dma_start3A_88 = arith.constant 25 : i32
    %dma_start3A_89 = arith.constant 0 : i32
    %dma_start3A_90 = arith.constant 0 : i32
    %dma_start3A_91 = tpu.memref_slice %arg6[%dma_start3A_87, %dma_start3A_89, %dma_start3A_90] : memref<2x256x64xf32, #tpu.memory_space<vmem>> -> memref<1x256x64xf32, #tpu.memory_space<vmem>>
    %dma_start3A_92 = tpu.memref_squeeze %dma_start3A_91 : memref<1x256x64xf32, #tpu.memory_space<vmem>> -> memref<256x64xf32, #tpu.memory_space<vmem>>
    %dma_start3A_93 = arith.constant 0 : i32
    %dma_start3A_94 = tpu.memref_slice %arg4[%add3A_86, %dma_start3A_88, %dma_start3A_93] : memref<16384x26x64xf32, #tpu.memory_space<hbm>> -> memref<256x1x64xf32, #tpu.memory_space<hbm>>
    %dma_start3A_95 = tpu.memref_squeeze %dma_start3A_94 : memref<256x1x64xf32, #tpu.memory_space<hbm>> -> memref<256x64xf32, #tpu.memory_space<hbm>>
    %dma_start3A_96 = arith.constant 0 : i32
    %dma_start3A_97 = tpu.memref_slice %arg4[%add3A_86, %dma_start3A_88, %dma_start3A_96] : memref<16384x26x64xf32, #tpu.memory_space<hbm>> -> memref<256x1x64xf32, #tpu.memory_space<hbm>>
    %dma_start3A_98 = tpu.memref_squeeze %dma_start3A_97 : memref<256x1x64xf32, #tpu.memory_space<hbm>> -> memref<256x64xf32, #tpu.memory_space<hbm>>
    %dma_start3A_99 = arith.constant 0 : i32
    %dma_start3A_100 = arith.constant 0 : i32
    %dma_start3A_101 = tpu.memref_slice %arg6[%dma_start3A_87, %dma_start3A_99, %dma_start3A_100] : memref<2x256x64xf32, #tpu.memory_space<vmem>> -> memref<1x256x64xf32, #tpu.memory_space<vmem>>
    %dma_start3A_102 = tpu.memref_squeeze %dma_start3A_101 : memref<1x256x64xf32, #tpu.memory_space<vmem>> -> memref<256x64xf32, #tpu.memory_space<vmem>>
    tpu.enqueue_dma source(%dma_start3A_102 : memref<256x64xf32, #tpu.memory_space<vmem>>) target(%dma_start3A_98 : memref<256x64xf32, #tpu.memory_space<hbm>>) target_semaphore(%arg10 : memref<!tpu.dma_semaphore, #tpu.memory_space<semaphore_mem>>)
    %dma_wait3A_103 = arith.constant 0 : i32
    %dma_wait3A_104 = arith.constant 25 : i32
    %dma_wait3A_105 = arith.constant 0 : i32
    %dma_wait3A_106 = arith.constant 0 : i32
    %dma_wait3A_107 = tpu.memref_slice %arg6[%dma_wait3A_103, %dma_wait3A_105, %dma_wait3A_106] : memref<2x256x64xf32, #tpu.memory_space<vmem>> -> memref<1x256x64xf32, #tpu.memory_space<vmem>>
    %dma_wait3A_108 = tpu.memref_squeeze %dma_wait3A_107 : memref<1x256x64xf32, #tpu.memory_space<vmem>> -> memref<256x64xf32, #tpu.memory_space<vmem>>
    %dma_wait3A_109 = arith.constant 0 : i32
    %dma_wait3A_110 = tpu.memref_slice %arg4[%add3A_86, %dma_wait3A_104, %dma_wait3A_109] : memref<16384x26x64xf32, #tpu.memory_space<hbm>> -> memref<256x1x64xf32, #tpu.memory_space<hbm>>
    %dma_wait3A_111 = tpu.memref_squeeze %dma_wait3A_110 : memref<256x1x64xf32, #tpu.memory_space<hbm>> -> memref<256x64xf32, #tpu.memory_space<hbm>>
    %dma_wait3A_112 = arith.constant 0 : i32
    %dma_wait3A_113 = tpu.memref_slice %arg4[%add3A_86, %dma_wait3A_104, %dma_wait3A_112] : memref<16384x26x64xf32, #tpu.memory_space<hbm>> -> memref<256x1x64xf32, #tpu.memory_space<hbm>>
    %dma_wait3A_114 = tpu.memref_squeeze %dma_wait3A_113 : memref<256x1x64xf32, #tpu.memory_space<hbm>> -> memref<256x64xf32, #tpu.memory_space<hbm>>
    %dma_wait3A_115 = arith.constant 0 : i32
    %dma_wait3A_116 = arith.constant 0 : i32
    %dma_wait3A_117 = tpu.memref_slice %arg6[%dma_wait3A_103, %dma_wait3A_115, %dma_wait3A_116] : memref<2x256x64xf32, #tpu.memory_space<vmem>> -> memref<1x256x64xf32, #tpu.memory_space<vmem>>
    %dma_wait3A_118 = tpu.memref_squeeze %dma_wait3A_117 : memref<1x256x64xf32, #tpu.memory_space<vmem>> -> memref<256x64xf32, #tpu.memory_space<vmem>>
    tpu.wait_dma2 semaphore(%arg10 : memref<!tpu.dma_semaphore, #tpu.memory_space<semaphore_mem>>) src(%dma_wait3A_118 : memref<256x64xf32, #tpu.memory_space<vmem>>) dst(%dma_wait3A_114 : memref<256x64xf32, #tpu.memory_space<hbm>>)
    %dma_wait3A_119 = arith.constant 1 : i32
    %dma_wait3A_120 = arith.constant 0 : i32
    %dma_wait3A_121 = arith.constant 0 : i32
    %dma_wait3A_122 = tpu.memref_slice %arg6[%dma_wait3A_119, %dma_wait3A_120, %dma_wait3A_121] : memref<2x256x64xf32, #tpu.memory_space<vmem>> -> memref<1x256x64xf32, #tpu.memory_space<vmem>>
    %dma_wait3A_123 = tpu.memref_squeeze %dma_wait3A_122 : memref<1x256x64xf32, #tpu.memory_space<vmem>> -> memref<256x64xf32, #tpu.memory_space<vmem>>
    %dma_wait3A_124 = arith.constant 0 : i32
    %dma_wait3A_125 = arith.constant 0 : i32
    %dma_wait3A_126 = tpu.memref_slice %arg3[%dma_wait3A_124, %dma_wait3A_125] : memref<2600000x64xf32, #tpu.memory_space<hbm>> -> memref<256x64xf32, #tpu.memory_space<hbm>>
    %dma_wait3A_127 = arith.constant 0 : i32
    %dma_wait3A_128 = arith.constant 0 : i32
    %dma_wait3A_129 = tpu.memref_slice %arg6[%dma_wait3A_119, %dma_wait3A_127, %dma_wait3A_128] : memref<2x256x64xf32, #tpu.memory_space<vmem>> -> memref<1x256x64xf32, #tpu.memory_space<vmem>>
    %dma_wait3A_130 = tpu.memref_squeeze %dma_wait3A_129 : memref<1x256x64xf32, #tpu.memory_space<vmem>> -> memref<256x64xf32, #tpu.memory_space<vmem>>
    %dma_wait3A_131 = arith.constant 0 : i32
    %dma_wait3A_132 = arith.constant 0 : i32
    %dma_wait3A_133 = tpu.memref_slice %arg3[%dma_wait3A_131, %dma_wait3A_132] : memref<2600000x64xf32, #tpu.memory_space<hbm>> -> memref<256x64xf32, #tpu.memory_space<hbm>>
    tpu.wait_dma2 semaphore(%arg9 : memref<!tpu.dma_semaphore, #tpu.memory_space<semaphore_mem>>) src(%dma_wait3A_133 : memref<256x64xf32, #tpu.memory_space<hbm>>) dst(%dma_wait3A_130 : memref<256x64xf32, #tpu.memory_space<vmem>>)
    %add3A_134 = arith.constant 256 : i32
    %add3A_135 = arith.addi %mul3A_2, %add3A_134 : i32
    %dma_start3A_136 = arith.constant 1 : i32
    %dma_start3A_137 = arith.constant 25 : i32
    %dma_start3A_138 = arith.constant 0 : i32
    %dma_start3A_139 = arith.constant 0 : i32
    %dma_start3A_140 = tpu.memref_slice %arg6[%dma_start3A_136, %dma_start3A_138, %dma_start3A_139] : memref<2x256x64xf32, #tpu.memory_space<vmem>> -> memref<1x256x64xf32, #tpu.memory_space<vmem>>
    %dma_start3A_141 = tpu.memref_squeeze %dma_start3A_140 : memref<1x256x64xf32, #tpu.memory_space<vmem>> -> memref<256x64xf32, #tpu.memory_space<vmem>>
    %dma_start3A_142 = arith.constant 0 : i32
    %dma_start3A_143 = tpu.memref_slice %arg4[%add3A_135, %dma_start3A_137, %dma_start3A_142] : memref<16384x26x64xf32, #tpu.memory_space<hbm>> -> memref<256x1x64xf32, #tpu.memory_space<hbm>>
    %dma_start3A_144 = tpu.memref_squeeze %dma_start3A_143 : memref<256x1x64xf32, #tpu.memory_space<hbm>> -> memref<256x64xf32, #tpu.memory_space<hbm>>
    %dma_start3A_145 = arith.constant 0 : i32
    %dma_start3A_146 = tpu.memref_slice %arg4[%add3A_135, %dma_start3A_137, %dma_start3A_145] : memref<16384x26x64xf32, #tpu.memory_space<hbm>> -> memref<256x1x64xf32, #tpu.memory_space<hbm>>
    %dma_start3A_147 = tpu.memref_squeeze %dma_start3A_146 : memref<256x1x64xf32, #tpu.memory_space<hbm>> -> memref<256x64xf32, #tpu.memory_space<hbm>>
    %dma_start3A_148 = arith.constant 0 : i32
    %dma_start3A_149 = arith.constant 0 : i32
    %dma_start3A_150 = tpu.memref_slice %arg6[%dma_start3A_136, %dma_start3A_148, %dma_start3A_149] : memref<2x256x64xf32, #tpu.memory_space<vmem>> -> memref<1x256x64xf32, #tpu.memory_space<vmem>>
    %dma_start3A_151 = tpu.memref_squeeze %dma_start3A_150 : memref<1x256x64xf32, #tpu.memory_space<vmem>> -> memref<256x64xf32, #tpu.memory_space<vmem>>
    tpu.enqueue_dma source(%dma_start3A_151 : memref<256x64xf32, #tpu.memory_space<vmem>>) target(%dma_start3A_147 : memref<256x64xf32, #tpu.memory_space<hbm>>) target_semaphore(%arg10 : memref<!tpu.dma_semaphore, #tpu.memory_space<semaphore_mem>>)
    %dma_wait3A_152 = arith.constant 1 : i32
    %dma_wait3A_153 = arith.constant 25 : i32
    %dma_wait3A_154 = arith.constant 0 : i32
    %dma_wait3A_155 = arith.constant 0 : i32
    %dma_wait3A_156 = tpu.memref_slice %arg6[%dma_wait3A_152, %dma_wait3A_154, %dma_wait3A_155] : memref<2x256x64xf32, #tpu.memory_space<vmem>> -> memref<1x256x64xf32, #tpu.memory_space<vmem>>
    %dma_wait3A_157 = tpu.memref_squeeze %dma_wait3A_156 : memref<1x256x64xf32, #tpu.memory_space<vmem>> -> memref<256x64xf32, #tpu.memory_space<vmem>>
    %dma_wait3A_158 = arith.constant 0 : i32
    %dma_wait3A_159 = tpu.memref_slice %arg4[%add3A_135, %dma_wait3A_153, %dma_wait3A_158] : memref<16384x26x64xf32, #tpu.memory_space<hbm>> -> memref<256x1x64xf32, #tpu.memory_space<hbm>>
    %dma_wait3A_160 = tpu.memref_squeeze %dma_wait3A_159 : memref<256x1x64xf32, #tpu.memory_space<hbm>> -> memref<256x64xf32, #tpu.memory_space<hbm>>
    %dma_wait3A_161 = arith.constant 0 : i32
    %dma_wait3A_162 = tpu.memref_slice %arg4[%add3A_135, %dma_wait3A_153, %dma_wait3A_161] : memref<16384x26x64xf32, #tpu.memory_space<hbm>> -> memref<256x1x64xf32, #tpu.memory_space<hbm>>
    %dma_wait3A_163 = tpu.memref_squeeze %dma_wait3A_162 : memref<256x1x64xf32, #tpu.memory_space<hbm>> -> memref<256x64xf32, #tpu.memory_space<hbm>>
    %dma_wait3A_164 = arith.constant 0 : i32
    %dma_wait3A_165 = arith.constant 0 : i32
    %dma_wait3A_166 = tpu.memref_slice %arg6[%dma_wait3A_152, %dma_wait3A_164, %dma_wait3A_165] : memref<2x256x64xf32, #tpu.memory_space<vmem>> -> memref<1x256x64xf32, #tpu.memory_space<vmem>>
    %dma_wait3A_167 = tpu.memref_squeeze %dma_wait3A_166 : memref<1x256x64xf32, #tpu.memory_space<vmem>> -> memref<256x64xf32, #tpu.memory_space<vmem>>
    tpu.wait_dma2 semaphore(%arg10 : memref<!tpu.dma_semaphore, #tpu.memory_space<semaphore_mem>>) src(%dma_wait3A_167 : memref<256x64xf32, #tpu.memory_space<vmem>>) dst(%dma_wait3A_163 : memref<256x64xf32, #tpu.memory_space<hbm>>)
    return
  }
}

</mosaic_0001>

<sc_bundles>
// kernel: kernel.3.cloned.1.call-start
scs
__scs_entry_jumppad:
0x0: {  	(pc) =	sbr.rel $0x88, $3  }
0x1: {  	(tag) =	ssettag $0x0;
	lr =	simm.s32 $0x1  }
0x2: {  	[smem:$0x3F9F] =	sst lr;
	_ =	strace $0xD0000000  }
0x3: {  	_ = 	snop  }
0x4: {  	_ = 	snop  }
0x5: {  	_ = 	snop  }
0x6: {  	_ = 	snop  }
0x7: {  	_ = 	snop  }
__scs_overlays_trampoline_lowered:
0x8: {  	[smem:$0x3FAE] =	sst s0  }
0x9: {  	[smem:$0x3FAF] =	sst s1  }
0xa: {  	[smem:$0x3FB0] =	sst s2  }
0xb: {  	[smem:$0x3FB1] =	sst s3  }
0xc: {  	[smem:$0x3FB2] =	sst s4  }
0xd: {  	[smem:$0x3FB3] =	sst s5  }
0xe: {  	[smem:$0x3FB4] =	sst s6  }
0xf: {  	[smem:$0x3FB5] =	sst s7  }
0x10: {  	[smem:$0x3FB6] =	sst s8  }
0x11: {  	[smem:$0x3FB7] =	sst s9;
	s0 =	simm.s32 @!p0 $0x0  }
0x12: {  	s1 =	sld [smem:$0x3F9D];
	s0 =	simm.s32 @p0 $0x1  }
0x13: {  	[smem:$0x3FB8] =	sst s0;
	s0 =	simm.s32 @!p1 $0x0  }
0x14: {  	s2 =	sld [smem:$0x3F9C];
	s0 =	simm.s32 @p1 $0x1  }
0x15: {  	[smem:$0x3FB9] =	sst s0;
	s0 =	simm.s32 @!p2 $0x0  }
0x16: {  	s3 =	sld [smem:$0x3FDB];
	s0 =	simm.s32 @p2 $0x1  }
0x17: {  	s4 =	simm.s32 $0x1BF5;
	[smem:$0x3FBB] =	sst s0  }
0x18: {  	s0 =	sld [smem:$0x3F9E];
	_ =	swait.ge [sflag:s4], $0x0  }
0x19: {  	s7 =	sld [smem:$0x3F9F]  }
0x1a: {  	s8 =	sadd.s32 $0xFFFFE003, lr  }
0x1b: {  	s9 =	sadd.s32 $0xFFFFFEF7, lr;
	s5 =	simm.s32 $0xFFFFFFFF;
	p2 =	slt.u32 s8, $0xFFFFF086  }
0x1c: {  	p1 =	slt.u32 s9, $0xF7A;
	s5 =	simm.s32 @!p2 $0x0  }
0x1d: {  	s5 =	simm.s32 @p1 $0x1;
	p0 =	seq.s32 s7, s2  }
0x1e: {  	s7 =	smul.u32 @!p0 $0xF7A, s2;
	p2 =	seq.s32 @!p0 s5, $0x0  }
0x1f: {  	s9 =	smul.u32 $0xF7A, s1;
	s8 =	simm.s32 @!p0 $0x1BF5;
	p2 =	por !p2, p0  }
0x20: {  	[sflag:s8] =	ssyncset.s32 @!p0 $0xFFFFF086;
	s6 =	sadd.s32 @!p0 s3, s7;
	s7 =	simm.s32 @!p0 $0x108  }
0x21: {  	s3 =	sadd.s32 s3, s9;
	s6 =	sadd.s32 @!p0 $0x88, s6;
	s7 =	simm.s32 @p2 $0x1082  }
0x22: {  	[simem:s7], [sflag:s8] =	dma.local @!p0 [hbm:s6], $0xF7A  }
0x23: {  	s9 =	sor.u32 $0xD0000000, s2;
	s6 =	simm.s32 $0x108;
	_ =	swait.ge @!p0 [sflag:s8], $0x0  }
0x24: {  	s3 =	sadd.s32 $0x88, s3;
	s6 =	simm.s32 @!p1 $0x1082;
	[sflag:s4] =	ssyncset.s32 $0xFFFFF086  }
0x25: {  	[simem:s6], [sflag:s4] =	dma.local [hbm:s3], $0xF7A  }
0x26: {  	[smem:$0x3F9F] =	sst s1;
	(tag) =	ssettag s2;
	_ =	strace s9  }
0x27: {  	s1 =	sld [smem:$0x3FAF]  }
0x28: {  	s2 =	sld [smem:$0x3FB0]  }
0x29: {  	s4 =	sld [smem:$0x3FB2]  }
0x2a: {  	p0 =	seq.s32 s5, $0x0;
	s5 =	sld [smem:$0x3FB3]  }
0x2b: {  	s6 =	sld [smem:$0x3FB4]  }
0x2c: {  	s7 =	sld [smem:$0x3FB5]  }
0x2d: {  	s3 =	simm.s32 $0x108;
	s8 =	sld [smem:$0x3FB6]  }
0x2e: {  	s3 =	simm.s32 @!p0 $0x1082;
	s9 =	sld [smem:$0x3FB7]  }
0x2f: {  	lr =	sadd.s32 s0, s3;
	s0 =	sld [smem:$0x3FAE]  }
0x30: {  	s3 =	sld [smem:$0x3FB1]  }
0x31: {  	[smem:$0x3FBA] =	sst s10  }
0x32: {  	s10 =	sld [smem:$0x3FB8];
	_ =	sdelay $0x3  }
0x33: {  	p0 =	seq.s32 s10, $0x1;
	s10 =	sld [smem:$0x3FBA];
	_ =	sdelay $0x3  }
0x34: {  	[smem:$0x3FBA] =	sst s10  }
0x35: {  	s10 =	sld [smem:$0x3FB9];
	_ =	sdelay $0x3  }
0x36: {  	p1 =	seq.s32 s10, $0x1;
	s10 =	sld [smem:$0x3FBA];
	_ =	sdelay $0x3  }
0x37: {  	[smem:$0x3FBA] =	sst s10  }
0x38: {  	s10 =	sld [smem:$0x3FBB]  }
0x39: {  	_ = 	snop;
	(pc) =	sbr.ind lr, $3  }
0x3a: {  	_ = 	snop  }
0x3b: {  	_ = 	snop  }
0x3c: {  	p2 =	seq.s32 s10, $0x1;
	s10 =	sld [smem:$0x3FBA]  }
0x3d: {  	_ =	shalt  }
0x3e: {  	_ =	shalt  }
0x3f: {  	_ =	shalt  }
0x40: {  	_ =	shalt  }
0x41: {  	_ =	shalt  }
0x42: {  	_ =	shalt  }
0x43: {  	_ =	shalt  }
0x44: {  	_ =	shalt  }
0x45: {  	_ =	shalt  }
0x46: {  	_ =	shalt  }
0x47: {  	_ =	shalt  }
0x48: {  	_ =	shalt  }
0x49: {  	_ =	shalt  }
0x4a: {  	_ =	shalt  }
0x4b: {  	_ =	shalt  }
0x4c: {  	_ =	shalt  }
0x4d: {  	_ =	shalt  }
0x4e: {  	_ =	shalt  }
0x4f: {  	_ =	shalt  }
0x50: {  	_ =	shalt  }
0x51: {  	_ =	shalt  }
0x52: {  	_ =	shalt  }
0x53: {  	_ =	shalt  }
0x54: {  	_ =	shalt  }
0x55: {  	_ =	shalt  }
0x56: {  	_ =	shalt  }
0x57: {  	_ =	shalt  }
0x58: {  	_ =	shalt  }
0x59: {  	_ =	shalt  }
0x5a: {  	_ =	shalt  }
0x5b: {  	_ =	shalt  }
0x5c: {  	_ =	shalt  }
0x5d: {  	_ =	shalt  }
0x5e: {  	_ =	shalt  }
0x5f: {  	_ =	shalt  }
0x60: {  	_ =	shalt  }
0x61: {  	_ =	shalt  }
0x62: {  	_ =	shalt  }
0x63: {  	_ =	shalt  }
0x64: {  	_ =	shalt  }
0x65: {  	_ =	shalt  }
0x66: {  	_ =	shalt  }
0x67: {  	_ =	shalt  }
0x68: {  	_ =	shalt  }
0x69: {  	_ =	shalt  }
0x6a: {  	_ =	shalt  }
0x6b: {  	_ =	shalt  }
0x6c: {  	_ =	shalt  }
0x6d: {  	_ =	shalt  }
0x6e: {  	_ =	shalt  }
0x6f: {  	_ =	shalt  }
0x70: {  	_ =	shalt  }
0x71: {  	_ =	shalt  }
0x72: {  	_ =	shalt  }
0x73: {  	_ =	shalt  }
0x74: {  	_ =	shalt  }
0x75: {  	_ =	shalt  }
0x76: {  	_ =	shalt  }
0x77: {  	_ =	shalt  }
0x78: {  	_ =	shalt  }
0x79: {  	_ =	shalt  }
0x7a: {  	_ =	shalt  }
0x7b: {  	_ =	shalt  }
0x7c: {  	_ =	shalt  }
0x7d: {  	_ =	shalt  }
0x7e: {  	_ =	shalt  }
0x7f: {  	_ =	shalt  }
0x80: {  	_ =	shalt  }
0x81: {  	_ =	shalt  }
0x82: {  	_ =	shalt  }
0x83: {  	_ =	shalt  }
0x84: {  	_ =	shalt  }
0x85: {  	_ =	shalt  }
0x86: {  	_ =	shalt  }
0x87: {  	_ =	shalt  }
.Lfunc_end0:
.L_simem_size_0:
called_computation_lowered:
.L_overlay_start_0:
0x88: {  	s2 =	sld [smem:$0x3FD9]  }
0x89: {  	s3 =	sld [smem:$0x3FFE];
	_ =	sdelay $0x1  }
0x8a: {  	s1 =	srdreg.scid  }
0x8b: {  	s0 =	sand.u32 $0x1, s1  }
0x8c: {  	s17 =	sshll.u32 s0, $0xA;
	s2 =	sadd.s32 s3, s2  }
0x8d: {  	s2 =	sadd.s32 s2, s17  }
0x8e: {  	[smem:$0x3FC6] =	sst s2  }
0x8f: {  	_ = 	snop  }
0x90: {  	s2 =	sld [smem:$0x3FC9];
	(tm) =	ssettm $0x1  }
0x91: {  	s18 =	sld [smem:$0x3FFB];
	_ =	sdelay $0x3  }
0x92: {  	_ =	strace s18  }
0x93: {  	s3 =	sld [smem:$0x3FFC];
	_ =	sdelay $0x3  }
0x94: {  	_ =	strace s3  }
0x95: {  	s3 =	sld [smem:$0x3FFD];
	_ =	sdelay $0x3  }
0x96: {  	_ =	strace s3  }
0x97: {  	_ =	strace $0x8FFFFFFF  }
0x98: {  	s19 =	sld [smem:$0x3FDB];
	_ =	sdelay $0x1  }
0x99: {  	s4 =	simm.s32 $_scs_section_size  }
0x9a: {  	s5 =	simm.s32 $_size__tile_overlayer_lowered;
	s6 =	simm.s32 $_tile_overlayer_lowered  }
0x9b: {  	s22 =	simm.s32 $0x1BFF;
	s21 =	sshll.u32 s6, $0x1;
	s3 =	sadd.s32 s4, s19  }
0x9c: {  	s7 =	simm.s32 $0x0;
	s20 =	sshll.u32 s5, $0x1;
	s5 =	sadd.s32 s21, s3  }
0x9d: {  	[timem:s7], [sflag:s22] =	dma.local [hbm:s5], s20  }
0x9e: {  	_ =	swait.ge [sflag:s22], s20  }
0x9f: {  	s4 =	ssub.s32 $0x0, s20;
	[sflag:s22] =	ssyncset.done $0x0  }
0xa0: {  	[sflag:s22] =	ssyncadd.s32 s4;
	_ =	sdelay $0x1  }
0xa1: {  	s23 =	simm.s32 $0x1B8B  }
0xa2: {  	_ =	swait.ge [sflag:s23], $0x1  }
0xa3: {  	[sflag:s23] =	ssyncset.done $0x0  }
0xa4: {  	s25 =	simm.s32 $0x1B8E;
	s24 =	sld [smem:$0x3FFE];
	[sflag:s23] =	ssyncadd.s32 $0xFFFFFFFF  }
0xa5: {  	s26 =	simm.s32 $execute0_lowered;
	[smem:$0x3FD2] =	sst s25  }
0xa6: {  	s5 =	sshll.u32 s26, $0x1;
	_ =	strace $0x80000046;
	[dreg:$0x1] =	wrdreg $0xFFFFFFFF  }
0xa7: {  	s28 =	simm.s32 $_size_execute0_lowered;
	s3 =	sadd.s32 s3, s5;
	[dreg:$0x0] =	wrdreg $0x0  }
0xa8: {  	s5 =	sshll.u32 s28, $0x1;
	[dreg:$0x2] =	wrdreg s3  }
0xa9: {  	[dreg:$0x3] =	wrdreg s5  }
0xaa: {  	[dreg:$0x4] =	wrdreg $0xC0  }
0xab: {  	_ =	task [dreg:s7], $0x5FFFF  }
0xac: {  	[dreg:$0x1] =	wrdreg $0xFFFFFFFF  }
0xad: {  	[dreg:$0x0] =	wrdreg $0x60  }
0xae: {  	[dreg:$0x2] =	wrdreg s2  }
0xaf: {  	[dreg:$0x3] =	wrdreg s24  }
0xb0: {  	[dreg:$0x4] =	wrdreg $0x9  }
0xb1: {  	_ =	task.clear_ibuf [dreg:s7], $0x5FFFF;
	_ =	strace $0x90000046  }
0xb2: {  	s29 =	simm.s32 $0x9;
	_ =	strace $0x80000048  }
0xb3: {  	_ =	swait.ge [sflag:s29], $0x1  }
0xb4: {  	[sflag:s29] =	ssyncadd.s32 $0xFFFFFFFF  }
0xb5: {  	_ =	strace $0x90000048  }
0xb6: {  	_ =	sfence  }
0xb7: {  	s30 =	sld [smem:$0x0];
	_ =	sdelay $0x2  }
0xb8: {  	s31 =	sshll.u32 s1, $0xD;
	s1 =	sshrl.u32 s1, $0x2  }
0xb9: {  	s3 =	sand.u32 $0x4000, s31;
	s1 =	sadd.s32 s1, s30  }
0xba: {  	s0 =	sor.u32 s3, s0;
	s1 =	sshll.u32 s1, $0x11  }
0xbb: {  	s0 =	sor.u32 s1, s0  }
0xbc: {  	s0 =	sadd.s32 $0x8F2B, s0  }
0xbd: {  	[sflag:s0] =	ssyncadd.remote.s32 $0x1  }
0xbe: {  	_ =	sfence.sel $0xFFFF  }
0xbf: {  	[dreg:$0x0] =	wrdreg $0xFFFFFFFF;
	(pc) =	sbr.abs _section_cstart, $3  }
0xc0: {  	[dreg:$0x1] =	wrdreg $0xFFFFFFFF  }
0xc1: {  	_ =	task.clear_ibuf [dreg:s7], $0x2FFFF;
	_ =	strace $0x9FFFFFFF  }
0xc2: {  	(tm) =	ssettm $0x7FFFFFFF  }
0xc3: {  	_ =	shalt  }
tec
execute0_lowered:
.L_overlay_start_1:
0x0: {  	(tag) =	ssettag $0x1  }
0x1: {  	s29 =	rddreg [dreg:$0x0]  }
0x2: {  	s0 =	rddreg [dreg:$0x1]  }
0x3: {  	s3 =	simm.s32 $0x0;
	s1 =	srdreg.scid;
	s2 =	stileid.u32  }
0x4: {  	[smem:$0x7FF] =	sst s3;
	s1 =	sand.u32 $0x1, s1;
	s4 =	sadd.s32 $0x400, s0  }
0x5: {  	s2 =	sshll.u32 s2, $0x1;
	s5 =	sadd.s32 $0x27AC800, s0;
	s0 =	sadd.s32 $0x27AC990, s0  }
0x6: {  	_ =	strace $0x80000047;
	s6 =	ssub.s32 $0x2, s1;
	s1 =	sor.u32 s1, s2  }
0x7: {  	[dreg:$0x3] =	wrdreg s5;
	s7 =	sshll.u32 s1, $0x9;
	s21 =	sshll.u32 s1, $0xC  }
0x8: {  	s25 =	sshll.u32 s1, $0x15;
	s1 =	sshll.u32 s1, $0x12;
	[dreg:$0x4] =	wrdreg s21  }
0x9: {  	[dreg:$0x8] =	wrdreg s25;
	s1 =	sadd.s32 s1, s0  }
0xa: {  	s20 =	sor.u32 $0x100, s7;
	s22 =	sadd.s32 s29, s7;
	[dreg:$0xa] =	wrdreg s1  }
0xb: {  	s23 =	sshll.u32 s20, $0x3;
	[dreg:$0x5] =	wrdreg s22  }
0xc: {  	s19 =	sshrl.u32 s6, $0x1;
	s24 =	sadd.s32 s29, s20;
	[dreg:$0x6] =	wrdreg s23  }
0xd: {  	s2 =	ssub.s32 s6, s19;
	s26 =	sshll.u32 s20, $0xC;
	[dreg:$0x7] =	wrdreg s24  }
0xe: {  	s28 =	smax.u32 s2, $0x1;
	[dreg:$0x9] =	wrdreg s26  }
0xf: {  	s6 =	sshll.u32 s20, $0x9;
	s30 =	sadd.s32 $0x80, s22;
	[dreg:$0xc] =	wrdreg s28  }
0x10: {  	s0 =	sadd.s32 s6, s0;
	[dreg:$0xd] =	wrdreg s30  }
0x11: {  	s31 =	simm.s32 $0x80;
	s1 =	simm.s32 $0x0;
	[dreg:$0xb] =	wrdreg s0  }
.LBB2_1:
0x12: {  	[dreg:$0xe] =	wrdreg s1  }
0x13: {  	s0 =	rddreg [dreg:$0x5]  }
0x14: {  	[tilespmem:s3], [sflag:$0x1] =	stream.linear.gather [hbm4b:s0+s3], $0x80, $0x38;
	[tilespmem:$0x10200] =	vst v63  }
0x15: {  	s21 =	rddreg [dreg:$0xd];
	s22 =	simm.s32 $0x100;
	s2 =	simm.s32 $0x1  }
0x16: {  	[tilespmem:s22], [sflag:$0x1] =	stream.linear.gather [hbm4b:s21+s3], $0x80, $0x38;
	[tilespmem:$0x10200] =	vst v63  }
0x17: {  	_ =	swait.ge [sflag:s2], $0x100  }
0x18: {  	s23 =	sand.u32 $0x70, s3;
	s24 =	sand.u32 $0x100, s3;
	[sflag:s2] =	ssyncset.done $0x0  }
0x19: {  	s0 =	sor.u32 s23, s24;
	[sflag:s2] =	ssyncadd.s32 $0xFFFFFF00  }
0x1a: {  	v0 =	vld [tilespmem:s0+$0x0];
	_ =	sdelay $0x4  }
0x1b: {  	vm0 =	vgt.s32 v0, $0x0  }
0x1c: {  	v0 =	vnsel vm0, $0x0, v0  }
0x1d: {  	v0 =	vmin.u32 v0, $0x1869F  }
0x1e: {  	v0 =	vshll.u32 v0, $0x4  }
0x1f: {  	v0 =	vadd.s32 s4, v0  }
0x20: {  	(v2sf) =	vpush v0, $0x0;
	_ =	sdelay $0x1  }
0x21: {  	(v2sf) =	vpush v0, $0x1;
	_ =	sdelay $0x1  }
0x22: {  	(v2sf) =	vpush v0, $0x2;
	_ =	sdelay $0x1  }
0x23: {  	(v2sf) =	vpush v0, $0x3;
	_ =	sdelay $0x1  }
0x24: {  	(v2sf) =	vpush v0, $0x4;
	_ =	sdelay $0x1  }
0x25: {  	(v2sf) =	vpush v0, $0x5;
	_ =	sdelay $0x1  }
0x26: {  	(v2sf) =	vpush v0, $0x6;
	_ =	sdelay $0x1  }
0x27: {  	(v2sf) =	vpush v0, $0x7  }
0x28: {  	s25 =	simm.s32 $0x200;
	s26 =	spop (v2sf)  }
0x29: {  	(v2sf) =	vpush v0, $0x8;
	[tilespmem:s25], [sflag:$0x2] =	stream.linear.gather [hbm4b:s26+s3], $0x80, $0x38;
	[tilespmem:$0x10200] =	vst v63  }
0x2a: {  	s28 =	simm.s32 $0x280;
	s30 =	spop (v2sf);
	(v2sf) =	vpush v0, $0x9  }
0x2b: {  	[tilespmem:s28], [sflag:$0x2] =	stream.linear.gather [hbm4b:s30+s3], $0x80, $0x38;
	[tilespmem:$0x10200] =	vst v63  }
0x2c: {  	s1 =	simm.s32 $0x300;
	s2 =	spop (v2sf);
	(v2sf) =	vpush v0, $0xA  }
0x2d: {  	[tilespmem:s1], [sflag:$0x2] =	stream.linear.gather [hbm4b:s2+s3], $0x80, $0x38;
	[tilespmem:$0x10200] =	vst v63  }
0x2e: {  	s5 =	simm.s32 $0x380;
	s6 =	spop (v2sf);
	(v2sf) =	vpush v0, $0xB  }
0x2f: {  	[tilespmem:s5], [sflag:$0x2] =	stream.linear.gather [hbm4b:s6+s3], $0x80, $0x38;
	[tilespmem:$0x10200] =	vst v63  }
0x30: {  	s7 =	simm.s32 $0x400;
	s8 =	spop (v2sf);
	(v2sf) =	vpush v0, $0xC  }
0x31: {  	[tilespmem:s7], [sflag:$0x2] =	stream.linear.gather [hbm4b:s8+s3], $0x80, $0x38;
	[tilespmem:$0x10200] =	vst v63  }
0x32: {  	s9 =	simm.s32 $0x480;
	s10 =	spop (v2sf);
	(v2sf) =	vpush v0, $0xD  }
0x33: {  	[tilespmem:s9], [sflag:$0x2] =	stream.linear.gather [hbm4b:s10+s3], $0x80, $0x38;
	[tilespmem:$0x10200] =	vst v63  }
0x34: {  	s11 =	simm.s32 $0x500;
	s12 =	spop (v2sf);
	(v2sf) =	vpush v0, $0xE  }
0x35: {  	[tilespmem:s11], [sflag:$0x2] =	stream.linear.gather [hbm4b:s12+s3], $0x80, $0x38;
	[tilespmem:$0x10200] =	vst v63  }
0x36: {  	s13 =	simm.s32 $0x580;
	s14 =	spop (v2sf);
	(v2sf) =	vpush v0, $0xF  }
0x37: {  	[tilespmem:s13], [sflag:$0x2] =	stream.linear.gather [hbm4b:s14+s3], $0x80, $0x38;
	[tilespmem:$0x10200] =	vst v63  }
0x38: {  	s15 =	simm.s32 $0x600;
	s17 =	simm.s32 $0x680;
	s16 =	spop (v2sf)  }
0x39: {  	s19 =	simm.s32 $0x700;
	s23 =	simm.s32 $0x10;
	s18 =	spop (v2sf)  }
0x3a: {  	[tilespmem:s15], [sflag:$0x2] =	stream.linear.gather [hbm4b:s16+s3], $0x80, $0x38;
	[tilespmem:$0x10200] =	vst v63  }
0x3b: {  	s24 =	simm.s32 $0x800;
	s21 =	simm.s32 $0x780;
	s20 =	spop (v2sf)  }
0x3c: {  	[tilespmem:s17], [sflag:$0x2] =	stream.linear.gather [hbm4b:s18+s3], $0x80, $0x38;
	[tilespmem:$0x10200] =	vst v63  }
0x3d: {  	s0 =	simm.s32 $0x2000;
	s25 =	simm.s32 $0x20;
	s22 =	spop (v2sf)  }
0x3e: {  	[tilespmem:s19], [sflag:$0x2] =	stream.linear.gather [hbm4b:s20+s3], $0x80, $0x38;
	[tilespmem:$0x10200] =	vst v63  }
0x3f: {  	s26 =	simm.s32 $0x880;
	s28 =	simm.s32 $0x900;
	s6 =	spop (v2sf)  }
0x40: {  	[tilespmem:s21], [sflag:$0x2] =	stream.linear.gather [hbm4b:s22+s3], $0x80, $0x38;
	[tilespmem:$0x10200] =	vst v63  }
0x41: {  	s1 =	sand.u32 $0x70, s23;
	s2 =	sand.u32 $0x100, s25;
	s7 =	spop (v2sf)  }
0x42: {  	[tilespmem:s24], [sflag:$0x2] =	stream.linear.gather [hbm4b:s6+s3], $0x80, $0x38;
	[tilespmem:$0x10200] =	vst v63  }
0x43: {  	s9 =	simm.s32 $0x20;
	s12 =	simm.s32 $0x40;
	s30 =	spop (v2sf)  }
0x44: {  	[tilespmem:s26], [sflag:$0x2] =	stream.linear.gather [hbm4b:s7+s3], $0x80, $0x38;
	[tilespmem:$0x10200] =	vst v63  }
0x45: {  	s8 =	spop (v2sf);
	s6 =	simm.s32 $0x980;
	s7 =	simm.s32 $0x4000  }
0x46: {  	[tilespmem:s28], [sflag:$0x2] =	stream.linear.gather [hbm4b:s30+s3], $0x80, $0x38;
	[tilespmem:$0x10200] =	vst v63  }
.LBB2_2:
0x47: {  	[tilespmem:s6], [sflag:$0x2] =	stream.linear.gather [hbm4b:s8+s3], $0x80, $0x38;
	[tilespmem:$0x10200] =	vst v63  }
0x48: {  	s6 =	sor.u32 s1, s2;
	s2 =	sand.u32 $0x100, s12;
	s1 =	sand.u32 $0x70, s9  }
0x49: {  	p0 =	sne.s32 s7, $0x1E000;
	s8 =	smov.u32 s7;
	s7 =	sadd.s32 $0x2000, s7;
	v0 =	vld [tilespmem:s6+$0x0]  }
0x4a: {  	_ =	sdelay $0x3  }
0x4b: {  	vm0 =	vgt.s32 v0, $0x0  }
0x4c: {  	v0 =	vnsel vm0, $0x0, v0  }
0x4d: {  	v0 =	vmin.u32 v0, $0x1869F  }
0x4e: {  	v0 =	vshll.u32 v0, $0x4  }
0x4f: {  	v0 =	vadd.s32 s4, v0  }
0x50: {  	(v2sf) =	vpush v0, $0x0;
	_ =	sdelay $0x1  }
0x51: {  	(v2sf) =	vpush v0, $0x1;
	_ =	sdelay $0x1  }
0x52: {  	(v2sf) =	vpush v0, $0x2;
	_ =	sdelay $0x1  }
0x53: {  	(v2sf) =	vpush v0, $0x3;
	_ =	sdelay $0x1  }
0x54: {  	(v2sf) =	vpush v0, $0x4;
	_ =	sdelay $0x1  }
0x55: {  	(v2sf) =	vpush v0, $0x5;
	_ =	sdelay $0x1  }
0x56: {  	(v2sf) =	vpush v0, $0x6;
	_ =	sdelay $0x1  }
0x57: {  	s6 =	sshra.s32 s0, $0x2;
	s0 =	smov.u32 s8;
	(v2sf) =	vpush v0, $0x7  }
0x58: {  	s8 =	sadd.s32 $0x200, s6;
	s10 =	spop (v2sf)  }
0x59: {  	[tilespmem:s8], [sflag:$0x2] =	stream.linear.gather [hbm4b:s10+s3], $0x80, $0x38;
	(v2sf) =	vpush v0, $0x8;
	[tilespmem:$0x10200] =	vst v63  }
0x5a: {  	s8 =	sadd.s32 $0x280, s6;
	s10 =	spop (v2sf)  }
0x5b: {  	[tilespmem:s8], [sflag:$0x2] =	stream.linear.gather [hbm4b:s10+s3], $0x80, $0x38;
	(v2sf) =	vpush v0, $0x9;
	[tilespmem:$0x10200] =	vst v63  }
0x5c: {  	s8 =	sadd.s32 $0x300, s6;
	s10 =	spop (v2sf)  }
0x5d: {  	[tilespmem:s8], [sflag:$0x2] =	stream.linear.gather [hbm4b:s10+s3], $0x80, $0x38;
	(v2sf) =	vpush v0, $0xA;
	[tilespmem:$0x10200] =	vst v63  }
0x5e: {  	s8 =	sadd.s32 $0x380, s6;
	s10 =	spop (v2sf)  }
0x5f: {  	[tilespmem:s8], [sflag:$0x2] =	stream.linear.gather [hbm4b:s10+s3], $0x80, $0x38;
	(v2sf) =	vpush v0, $0xB;
	[tilespmem:$0x10200] =	vst v63  }
0x60: {  	s8 =	sadd.s32 $0x400, s6;
	s10 =	spop (v2sf)  }
0x61: {  	[tilespmem:s8], [sflag:$0x2] =	stream.linear.gather [hbm4b:s10+s3], $0x80, $0x38;
	(v2sf) =	vpush v0, $0xC;
	[tilespmem:$0x10200] =	vst v63  }
0x62: {  	s8 =	sadd.s32 $0x480, s6;
	s10 =	spop (v2sf)  }
0x63: {  	[tilespmem:s8], [sflag:$0x2] =	stream.linear.gather [hbm4b:s10+s3], $0x80, $0x38;
	(v2sf) =	vpush v0, $0xD;
	[tilespmem:$0x10200] =	vst v63  }
0x64: {  	s8 =	sadd.s32 $0x500, s6;
	s10 =	spop (v2sf)  }
0x65: {  	[tilespmem:s8], [sflag:$0x2] =	stream.linear.gather [hbm4b:s10+s3], $0x80, $0x38;
	(v2sf) =	vpush v0, $0xE;
	[tilespmem:$0x10200] =	vst v63  }
0x66: {  	s8 =	sadd.s32 $0x580, s6;
	s10 =	spop (v2sf)  }
0x67: {  	[tilespmem:s8], [sflag:$0x2] =	stream.linear.gather [hbm4b:s10+s3], $0x80, $0x38;
	(v2sf) =	vpush v0, $0xF;
	[tilespmem:$0x10200] =	vst v63  }
0x68: {  	s8 =	sadd.s32 $0x600, s6;
	s10 =	spop (v2sf)  }
0x69: {  	[tilespmem:s8], [sflag:$0x2] =	stream.linear.gather [hbm4b:s10+s3], $0x80, $0x38;
	[tilespmem:$0x10200] =	vst v63  }
0x6a: {  	s8 =	sadd.s32 $0x680, s6;
	s10 =	spop (v2sf)  }
0x6b: {  	[tilespmem:s8], [sflag:$0x2] =	stream.linear.gather [hbm4b:s10+s3], $0x80, $0x38;
	[tilespmem:$0x10200] =	vst v63  }
0x6c: {  	s8 =	sadd.s32 $0x700, s6;
	s10 =	spop (v2sf)  }
0x6d: {  	[tilespmem:s8], [sflag:$0x2] =	stream.linear.gather [hbm4b:s10+s3], $0x80, $0x38;
	[tilespmem:$0x10200] =	vst v63  }
0x6e: {  	s8 =	sadd.s32 $0x780, s6;
	s10 =	spop (v2sf)  }
0x6f: {  	[tilespmem:s8], [sflag:$0x2] =	stream.linear.gather [hbm4b:s10+s3], $0x80, $0x38;
	[tilespmem:$0x10200] =	vst v63  }
0x70: {  	s8 =	sadd.s32 $0x800, s6;
	s10 =	spop (v2sf)  }
0x71: {  	[tilespmem:s8], [sflag:$0x2] =	stream.linear.gather [hbm4b:s10+s3], $0x80, $0x38;
	[tilespmem:$0x10200] =	vst v63  }
.Ltmp0:
0x72: {  	s8 =	sadd.s32 $0x880, s6;
	s10 =	spop (v2sf);
	(pc) =	sbr.rel @p0 .LBB2_2-.Ltmp0, $4  }
0x73: {  	[tilespmem:s8], [sflag:$0x2] =	stream.linear.gather [hbm4b:s10+s3], $0x80, $0x38;
	[tilespmem:$0x10200] =	vst v63  }
0x74: {  	s9 =	sadd.s32 $0x10, s9;
	s8 =	sadd.s32 $0x900, s6;
	s10 =	spop (v2sf)  }
0x75: {  	[tilespmem:s8], [sflag:$0x2] =	stream.linear.gather [hbm4b:s10+s3], $0x80, $0x38;
	[tilespmem:$0x10200] =	vst v63  }
0x76: {  	s12 =	sadd.s32 $0x20, s12;
	s6 =	sadd.s32 $0x980, s6;
	s8 =	spop (v2sf)  }
0x77: {  	[tilespmem:s6], [sflag:$0x2] =	stream.linear.gather [hbm4b:s8+s3], $0x80, $0x38;
	[tilespmem:$0x10200] =	vst v63  }
0x78: {  	s1 =	sor.u32 s1, s2  }
0x79: {  	v0 =	vld [tilespmem:s1+$0x0];
	_ =	sdelay $0x4  }
0x7a: {  	vm0 =	vgt.s32 v0, $0x0  }
0x7b: {  	v0 =	vnsel vm0, $0x0, v0  }
0x7c: {  	v0 =	vmin.u32 v0, $0x1869F  }
0x7d: {  	v0 =	vshll.u32 v0, $0x4  }
0x7e: {  	v0 =	vadd.s32 s4, v0  }
0x7f: {  	(v2sf) =	vpush v0, $0x0;
	_ =	sdelay $0x1  }
0x80: {  	(v2sf) =	vpush v0, $0x1;
	_ =	sdelay $0x1  }
0x81: {  	(v2sf) =	vpush v0, $0x2;
	_ =	sdelay $0x1  }
0x82: {  	(v2sf) =	vpush v0, $0x3;
	_ =	sdelay $0x1  }
0x83: {  	(v2sf) =	vpush v0, $0x4;
	_ =	sdelay $0x1  }
0x84: {  	(v2sf) =	vpush v0, $0x5;
	_ =	sdelay $0x1  }
0x85: {  	(v2sf) =	vpush v0, $0x6;
	_ =	sdelay $0x1  }
0x86: {  	s0 =	sshra.s32 s0, $0x2;
	(v2sf) =	vpush v0, $0x7  }
0x87: {  	s10 =	sadd.s32 $0x200, s0;
	s11 =	spop (v2sf)  }
0x88: {  	(v2sf) =	vpush v0, $0x8;
	[tilespmem:s10], [sflag:$0x2] =	stream.linear.gather [hbm4b:s11+s3], $0x80, $0x38;
	[tilespmem:$0x10200] =	vst v63  }
0x89: {  	s12 =	sadd.s32 $0x280, s0;
	s13 =	spop (v2sf)  }
0x8a: {  	(v2sf) =	vpush v0, $0x9;
	[tilespmem:s12], [sflag:$0x2] =	stream.linear.gather [hbm4b:s13+s3], $0x80, $0x38;
	[tilespmem:$0x10200] =	vst v63  }
0x8b: {  	s14 =	sadd.s32 $0x300, s0;
	s15 =	spop (v2sf)  }
0x8c: {  	(v2sf) =	vpush v0, $0xA;
	[tilespmem:s14], [sflag:$0x2] =	stream.linear.gather [hbm4b:s15+s3], $0x80, $0x38;
	[tilespmem:$0x10200] =	vst v63  }
0x8d: {  	s16 =	sadd.s32 $0x380, s0;
	s17 =	spop (v2sf)  }
0x8e: {  	(v2sf) =	vpush v0, $0xB;
	[tilespmem:s16], [sflag:$0x2] =	stream.linear.gather [hbm4b:s17+s3], $0x80, $0x38;
	[tilespmem:$0x10200] =	vst v63  }
0x8f: {  	s18 =	sadd.s32 $0x400, s0;
	s19 =	spop (v2sf)  }
0x90: {  	(v2sf) =	vpush v0, $0xC;
	[tilespmem:s18], [sflag:$0x2] =	stream.linear.gather [hbm4b:s19+s3], $0x80, $0x38;
	[tilespmem:$0x10200] =	vst v63  }
0x91: {  	s20 =	sadd.s32 $0x480, s0;
	s21 =	spop (v2sf)  }
0x92: {  	(v2sf) =	vpush v0, $0xD;
	[tilespmem:s20], [sflag:$0x2] =	stream.linear.gather [hbm4b:s21+s3], $0x80, $0x38;
	[tilespmem:$0x10200] =	vst v63  }
0x93: {  	s22 =	sadd.s32 $0x500, s0;
	s23 =	spop (v2sf)  }
0x94: {  	(v2sf) =	vpush v0, $0xE;
	[tilespmem:s22], [sflag:$0x2] =	stream.linear.gather [hbm4b:s23+s3], $0x80, $0x38;
	[tilespmem:$0x10200] =	vst v63  }
0x95: {  	s24 =	sadd.s32 $0x580, s0;
	s25 =	spop (v2sf)  }
0x96: {  	(v2sf) =	vpush v0, $0xF;
	[tilespmem:s24], [sflag:$0x2] =	stream.linear.gather [hbm4b:s25+s3], $0x80, $0x38;
	[tilespmem:$0x10200] =	vst v63  }
0x97: {  	s26 =	sadd.s32 $0x600, s0;
	s30 =	spop (v2sf)  }
0x98: {  	[tilespmem:s26], [sflag:$0x2] =	stream.linear.gather [hbm4b:s30+s3], $0x80, $0x38;
	[tilespmem:$0x10200] =	vst v63  }
0x99: {  	s2 =	sadd.s32 $0x680, s0;
	s5 =	spop (v2sf)  }
0x9a: {  	[tilespmem:s2], [sflag:$0x2] =	stream.linear.gather [hbm4b:s5+s3], $0x80, $0x38;
	[tilespmem:$0x10200] =	vst v63  }
0x9b: {  	s6 =	sadd.s32 $0x700, s0;
	s7 =	spop (v2sf)  }
0x9c: {  	[tilespmem:s6], [sflag:$0x2] =	stream.linear.gather [hbm4b:s7+s3], $0x80, $0x38;
	[tilespmem:$0x10200] =	vst v63  }
0x9d: {  	s8 =	sadd.s32 $0x780, s0;
	s9 =	spop (v2sf)  }
0x9e: {  	[tilespmem:s8], [sflag:$0x2] =	stream.linear.gather [hbm4b:s9+s3], $0x80, $0x38;
	[tilespmem:$0x10200] =	vst v63  }
0x9f: {  	s10 =	sadd.s32 $0x800, s0;
	s11 =	spop (v2sf)  }
0xa0: {  	[tilespmem:s10], [sflag:$0x2] =	stream.linear.gather [hbm4b:s11+s3], $0x80, $0x38;
	[tilespmem:$0x10200] =	vst v63  }
0xa1: {  	s12 =	sadd.s32 $0x880, s0;
	s13 =	spop (v2sf)  }
0xa2: {  	[tilespmem:s12], [sflag:$0x2] =	stream.linear.gather [hbm4b:s13+s3], $0x80, $0x38;
	[tilespmem:$0x10200] =	vst v63  }
0xa3: {  	s14 =	sadd.s32 $0x900, s0;
	s15 =	spop (v2sf)  }
0xa4: {  	[tilespmem:s14], [sflag:$0x2] =	stream.linear.gather [hbm4b:s15+s3], $0x80, $0x38;
	[tilespmem:$0x10200] =	vst v63  }
0xa5: {  	s0 =	sadd.s32 $0x980, s0;
	s16 =	spop (v2sf)  }
0xa6: {  	[tilespmem:s0], [sflag:$0x2] =	stream.linear.gather [hbm4b:s16+s3], $0x80, $0x38;
	[tilespmem:$0x10200] =	vst v63  }
0xa7: {  	s28 =	simm.s32 $0x0;
	s17 =	rddreg [dreg:$0x7]  }
0xa8: {  	[tilespmem:s31], [sflag:$0x1] =	stream.linear.gather [hbm4b:s17+s28], $0x80, $0x38;
	[tilespmem:$0x10200] =	vst v63  }
0xa9: {  	s18 =	simm.s32 $0x180;
	s19 =	simm.s32 $0x1;
	s0 =	sadd.s32 $0x80, s17  }
0xaa: {  	[tilespmem:s18], [sflag:$0x1] =	stream.linear.gather [hbm4b:s0+s28], $0x80, $0x38;
	[tilespmem:$0x10200] =	vst v63  }
0xab: {  	_ =	swait.ge [sflag:s19], $0x100  }
0xac: {  	s20 =	sand.u32 $0x70, s28;
	s21 =	sand.u32 $0x100, s28;
	[sflag:s19] =	ssyncset.done $0x0  }
0xad: {  	s0 =	sor.u32 s20, s21;
	[sflag:s19] =	ssyncadd.s32 $0xFFFFFF00  }
0xae: {  	v63 =	vld [tilespmem:s0+$0x80];
	_ =	sdelay $0x4  }
0xaf: {  	vm15 =	vgt.s32 v63, $0x0  }
0xb0: {  	v0 =	vnsel vm15, $0x0, v63  }
0xb1: {  	v0 =	vmin.u32 v0, $0x1869F  }
0xb2: {  	v0 =	vshll.u32 v0, $0x4  }
0xb3: {  	v0 =	vadd.s32 s4, v0  }
0xb4: {  	(v2sf) =	vpush v0, $0x0;
	_ =	sdelay $0x1  }
0xb5: {  	(v2sf) =	vpush v0, $0x1;
	_ =	sdelay $0x1  }
0xb6: {  	(v2sf) =	vpush v0, $0x2;
	_ =	sdelay $0x1  }
0xb7: {  	(v2sf) =	vpush v0, $0x3;
	_ =	sdelay $0x1  }
0xb8: {  	(v2sf) =	vpush v0, $0x4;
	_ =	sdelay $0x1  }
0xb9: {  	(v2sf) =	vpush v0, $0x5;
	_ =	sdelay $0x1  }
0xba: {  	(v2sf) =	vpush v0, $0x6;
	_ =	sdelay $0x1  }
0xbb: {  	(v2sf) =	vpush v0, $0x7  }
0xbc: {  	s22 =	simm.s32 $0x8200;
	s23 =	spop (v2sf)  }
0xbd: {  	(v2sf) =	vpush v0, $0x8;
	[tilespmem:s22], [sflag:$0x3] =	stream.linear.gather [hbm4b:s23+s28], $0x80, $0x38;
	[tilespmem:$0x10200] =	vst v63  }
0xbe: {  	s24 =	simm.s32 $0x8280;
	s25 =	spop (v2sf);
	(v2sf) =	vpush v0, $0x9  }
0xbf: {  	[tilespmem:s24], [sflag:$0x3] =	stream.linear.gather [hbm4b:s25+s28], $0x80, $0x38;
	[tilespmem:$0x10200] =	vst v63  }
0xc0: {  	s26 =	simm.s32 $0x8300;
	s30 =	spop (v2sf);
	(v2sf) =	vpush v0, $0xA  }
0xc1: {  	[tilespmem:s26], [sflag:$0x3] =	stream.linear.gather [hbm4b:s30+s28], $0x80, $0x38;
	[tilespmem:$0x10200] =	vst v63  }
0xc2: {  	s1 =	simm.s32 $0x8380;
	s2 =	spop (v2sf);
	(v2sf) =	vpush v0, $0xB  }
0xc3: {  	[tilespmem:s1], [sflag:$0x3] =	stream.linear.gather [hbm4b:s2+s28], $0x80, $0x38;
	[tilespmem:$0x10200] =	vst v63  }
0xc4: {  	s5 =	simm.s32 $0x8400;
	s6 =	spop (v2sf);
	(v2sf) =	vpush v0, $0xC  }
0xc5: {  	[tilespmem:s5], [sflag:$0x3] =	stream.linear.gather [hbm4b:s6+s28], $0x80, $0x38;
	[tilespmem:$0x10200] =	vst v63  }
0xc6: {  	s7 =	simm.s32 $0x8480;
	s8 =	spop (v2sf);
	(v2sf) =	vpush v0, $0xD  }
0xc7: {  	[tilespmem:s7], [sflag:$0x3] =	stream.linear.gather [hbm4b:s8+s28], $0x80, $0x38;
	[tilespmem:$0x10200] =	vst v63  }
0xc8: {  	s9 =	simm.s32 $0x8500;
	s10 =	spop (v2sf);
	(v2sf) =	vpush v0, $0xE  }
0xc9: {  	[tilespmem:s9], [sflag:$0x3] =	stream.linear.gather [hbm4b:s10+s28], $0x80, $0x38;
	[tilespmem:$0x10200] =	vst v63  }
0xca: {  	s11 =	simm.s32 $0x8580;
	s12 =	spop (v2sf);
	(v2sf) =	vpush v0, $0xF  }
0xcb: {  	[tilespmem:s11], [sflag:$0x3] =	stream.linear.gather [hbm4b:s12+s28], $0x80, $0x38;
	[tilespmem:$0x10200] =	vst v63  }
0xcc: {  	s13 =	simm.s32 $0x8600;
	s15 =	simm.s32 $0x8680;
	s14 =	spop (v2sf)  }
0xcd: {  	s17 =	simm.s32 $0x8700;
	s21 =	simm.s32 $0x10;
	s16 =	spop (v2sf)  }
0xce: {  	[tilespmem:s13], [sflag:$0x3] =	stream.linear.gather [hbm4b:s14+s28], $0x80, $0x38;
	[tilespmem:$0x10200] =	vst v63  }
0xcf: {  	s19 =	simm.s32 $0x8780;
	s0 =	simm.s32 $0x2000;
	s18 =	spop (v2sf)  }
0xd0: {  	[tilespmem:s15], [sflag:$0x3] =	stream.linear.gather [hbm4b:s16+s28], $0x80, $0x38;
	[tilespmem:$0x10200] =	vst v63  }
0xd1: {  	s22 =	simm.s32 $0x8800;
	s24 =	simm.s32 $0x20;
	s20 =	spop (v2sf)  }
0xd2: {  	[tilespmem:s17], [sflag:$0x3] =	stream.linear.gather [hbm4b:s18+s28], $0x80, $0x38;
	[tilespmem:$0x10200] =	vst v63  }
0xd3: {  	s25 =	simm.s32 $0x8880;
	s26 =	simm.s32 $0x8900;
	s23 =	spop (v2sf)  }
0xd4: {  	[tilespmem:s19], [sflag:$0x3] =	stream.linear.gather [hbm4b:s20+s28], $0x80, $0x38;
	[tilespmem:$0x10200] =	vst v63  }
0xd5: {  	s1 =	sand.u32 $0x70, s21;
	s2 =	sand.u32 $0x100, s24;
	s7 =	spop (v2sf)  }
0xd6: {  	[tilespmem:s22], [sflag:$0x3] =	stream.linear.gather [hbm4b:s23+s28], $0x80, $0x38;
	[tilespmem:$0x10200] =	vst v63  }
0xd7: {  	s6 =	simm.s32 $0x8980;
	s9 =	simm.s32 $0x20;
	s30 =	spop (v2sf)  }
0xd8: {  	[tilespmem:s25], [sflag:$0x3] =	stream.linear.gather [hbm4b:s7+s28], $0x80, $0x38;
	[tilespmem:$0x10200] =	vst v63  }
0xd9: {  	s12 =	simm.s32 $0x40;
	s8 =	spop (v2sf);
	s7 =	simm.s32 $0x4000  }
0xda: {  	[tilespmem:s26], [sflag:$0x3] =	stream.linear.gather [hbm4b:s30+s28], $0x80, $0x38;
	[tilespmem:$0x10200] =	vst v63  }
.LBB2_4:
0xdb: {  	[tilespmem:s6], [sflag:$0x3] =	stream.linear.gather [hbm4b:s8+s28], $0x80, $0x38;
	[tilespmem:$0x10200] =	vst v63  }
0xdc: {  	s6 =	sor.u32 s1, s2;
	s2 =	sand.u32 $0x100, s12;
	s1 =	sand.u32 $0x70, s9  }
0xdd: {  	p0 =	seq.s32 s7, $0x1E000;
	s8 =	smov.u32 s7;
	s7 =	sadd.s32 $0x2000, s7;
	v0 =	vld [tilespmem:s6+$0x80]  }
0xde: {  	_ =	sdelay $0x3  }
0xdf: {  	vm0 =	vgt.s32 v0, $0x0  }
0xe0: {  	v0 =	vnsel vm0, $0x0, v0  }
0xe1: {  	v0 =	vmin.u32 v0, $0x1869F  }
0xe2: {  	v0 =	vshll.u32 v0, $0x4  }
0xe3: {  	v0 =	vadd.s32 s4, v0  }
0xe4: {  	(v2sf) =	vpush v0, $0x0;
	_ =	sdelay $0x1  }
0xe5: {  	(v2sf) =	vpush v0, $0x1;
	_ =	sdelay $0x1  }
0xe6: {  	(v2sf) =	vpush v0, $0x2;
	_ =	sdelay $0x1  }
0xe7: {  	(v2sf) =	vpush v0, $0x3;
	_ =	sdelay $0x1  }
0xe8: {  	(v2sf) =	vpush v0, $0x4;
	_ =	sdelay $0x1  }
0xe9: {  	(v2sf) =	vpush v0, $0x5;
	_ =	sdelay $0x1  }
0xea: {  	(v2sf) =	vpush v0, $0x6;
	_ =	sdelay $0x1  }
0xeb: {  	s6 =	sshra.s32 s0, $0x2;
	s0 =	smov.u32 s8;
	(v2sf) =	vpush v0, $0x7  }
0xec: {  	s8 =	sadd.s32 $0x8200, s6;
	s10 =	spop (v2sf)  }
0xed: {  	[tilespmem:s8], [sflag:$0x3] =	stream.linear.gather [hbm4b:s10+s28], $0x80, $0x38;
	(v2sf) =	vpush v0, $0x8;
	[tilespmem:$0x10200] =	vst v63  }
0xee: {  	s8 =	sadd.s32 $0x8280, s6;
	s10 =	spop (v2sf)  }
0xef: {  	[tilespmem:s8], [sflag:$0x3] =	stream.linear.gather [hbm4b:s10+s28], $0x80, $0x38;
	(v2sf) =	vpush v0, $0x9;
	[tilespmem:$0x10200] =	vst v63  }
0xf0: {  	s8 =	sadd.s32 $0x8300, s6;
	s10 =	spop (v2sf)  }
0xf1: {  	[tilespmem:s8], [sflag:$0x3] =	stream.linear.gather [hbm4b:s10+s28], $0x80, $0x38;
	(v2sf) =	vpush v0, $0xA;
	[tilespmem:$0x10200] =	vst v63  }
0xf2: {  	s8 =	sadd.s32 $0x8380, s6;
	s10 =	spop (v2sf)  }
0xf3: {  	[tilespmem:s8], [sflag:$0x3] =	stream.linear.gather [hbm4b:s10+s28], $0x80, $0x38;
	(v2sf) =	vpush v0, $0xB;
	[tilespmem:$0x10200] =	vst v63  }
0xf4: {  	s8 =	sadd.s32 $0x8400, s6;
	s10 =	spop (v2sf)  }
0xf5: {  	[tilespmem:s8], [sflag:$0x3] =	stream.linear.gather [hbm4b:s10+s28], $0x80, $0x38;
	(v2sf) =	vpush v0, $0xC;
	[tilespmem:$0x10200] =	vst v63  }
0xf6: {  	s8 =	sadd.s32 $0x8480, s6;
	s10 =	spop (v2sf)  }
0xf7: {  	[tilespmem:s8], [sflag:$0x3] =	stream.linear.gather [hbm4b:s10+s28], $0x80, $0x38;
	(v2sf) =	vpush v0, $0xD;
	[tilespmem:$0x10200] =	vst v63  }
0xf8: {  	s8 =	sadd.s32 $0x8500, s6;
	s10 =	spop (v2sf)  }
0xf9: {  	[tilespmem:s8], [sflag:$0x3] =	stream.linear.gather [hbm4b:s10+s28], $0x80, $0x38;
	(v2sf) =	vpush v0, $0xE;
	[tilespmem:$0x10200] =	vst v63  }
0xfa: {  	s8 =	sadd.s32 $0x8580, s6;
	s10 =	spop (v2sf)  }
0xfb: {  	[tilespmem:s8], [sflag:$0x3] =	stream.linear.gather [hbm4b:s10+s28], $0x80, $0x38;
	(v2sf) =	vpush v0, $0xF;
	[tilespmem:$0x10200] =	vst v63  }
0xfc: {  	s8 =	sadd.s32 $0x8600, s6;
	s10 =	spop (v2sf)  }
0xfd: {  	[tilespmem:s8], [sflag:$0x3] =	stream.linear.gather [hbm4b:s10+s28], $0x80, $0x38;
	[tilespmem:$0x10200] =	vst v63  }
0xfe: {  	s8 =	sadd.s32 $0x8680, s6;
	s10 =	spop (v2sf)  }
0xff: {  	[tilespmem:s8], [sflag:$0x3] =	stream.linear.gather [hbm4b:s10+s28], $0x80, $0x38;
	[tilespmem:$0x10200] =	vst v63  }
0x100: {  	s8 =	sadd.s32 $0x8700, s6;
	s10 =	spop (v2sf)  }
0x101: {  	[tilespmem:s8], [sflag:$0x3] =	stream.linear.gather [hbm4b:s10+s28], $0x80, $0x38;
	[tilespmem:$0x10200] =	vst v63  }
0x102: {  	s8 =	sadd.s32 $0x8780, s6;
	s10 =	spop (v2sf)  }
0x103: {  	[tilespmem:s8], [sflag:$0x3] =	stream.linear.gather [hbm4b:s10+s28], $0x80, $0x38;
	[tilespmem:$0x10200] =	vst v63  }
0x104: {  	s8 =	sadd.s32 $0x8800, s6;
	s10 =	spop (v2sf)  }
0x105: {  	[tilespmem:s8], [sflag:$0x3] =	stream.linear.gather [hbm4b:s10+s28], $0x80, $0x38;
	[tilespmem:$0x10200] =	vst v63  }
.Ltmp1:
0x106: {  	s8 =	sadd.s32 $0x8880, s6;
	s10 =	spop (v2sf);
	(pc) =	sbr.rel @!p0 .LBB2_4-.Ltmp1, $4  }
0x107: {  	[tilespmem:s8], [sflag:$0x3] =	stream.linear.gather [hbm4b:s10+s28], $0x80, $0x38;
	[tilespmem:$0x10200] =	vst v63  }
0x108: {  	s9 =	sadd.s32 $0x10, s9;
	s8 =	sadd.s32 $0x8900, s6;
	s10 =	spop (v2sf)  }
0x109: {  	[tilespmem:s8], [sflag:$0x3] =	stream.linear.gather [hbm4b:s10+s28], $0x80, $0x38;
	[tilespmem:$0x10200] =	vst v63  }
0x10a: {  	s12 =	sadd.s32 $0x20, s12;
	s6 =	sadd.s32 $0x8980, s6;
	s8 =	spop (v2sf)  }
0x10b: {  	[tilespmem:s6], [sflag:$0x3] =	stream.linear.gather [hbm4b:s8+s28], $0x80, $0x38;
	[tilespmem:$0x10200] =	vst v63  }
0x10c: {  	s1 =	sor.u32 s1, s2  }
0x10d: {  	v0 =	vld [tilespmem:s1+$0x80];
	_ =	sdelay $0x4  }
0x10e: {  	vm0 =	vgt.s32 v0, $0x0  }
0x10f: {  	v0 =	vnsel vm0, $0x0, v0  }
0x110: {  	v0 =	vmin.u32 v0, $0x1869F  }
0x111: {  	v0 =	vshll.u32 v0, $0x4  }
0x112: {  	v0 =	vadd.s32 s4, v0  }
0x113: {  	(v2sf) =	vpush v0, $0x0;
	_ =	sdelay $0x1  }
0x114: {  	(v2sf) =	vpush v0, $0x1;
	_ =	sdelay $0x1  }
0x115: {  	(v2sf) =	vpush v0, $0x2;
	_ =	sdelay $0x1  }
0x116: {  	(v2sf) =	vpush v0, $0x3;
	_ =	sdelay $0x1  }
0x117: {  	(v2sf) =	vpush v0, $0x4;
	_ =	sdelay $0x1  }
0x118: {  	(v2sf) =	vpush v0, $0x5;
	_ =	sdelay $0x1  }
0x119: {  	(v2sf) =	vpush v0, $0x6;
	_ =	sdelay $0x1  }
0x11a: {  	s0 =	sshra.s32 s0, $0x2;
	(v2sf) =	vpush v0, $0x7  }
0x11b: {  	s20 =	sadd.s32 $0x8200, s0;
	s21 =	spop (v2sf)  }
0x11c: {  	(v2sf) =	vpush v0, $0x8;
	[tilespmem:s20], [sflag:$0x3] =	stream.linear.gather [hbm4b:s21+s28], $0x80, $0x38;
	[tilespmem:$0x10200] =	vst v63  }
0x11d: {  	s22 =	sadd.s32 $0x8280, s0;
	s23 =	spop (v2sf)  }
0x11e: {  	(v2sf) =	vpush v0, $0x9;
	[tilespmem:s22], [sflag:$0x3] =	stream.linear.gather [hbm4b:s23+s28], $0x80, $0x38;
	[tilespmem:$0x10200] =	vst v63  }
0x11f: {  	s24 =	sadd.s32 $0x8300, s0;
	s25 =	spop (v2sf)  }
0x120: {  	(v2sf) =	vpush v0, $0xA;
	[tilespmem:s24], [sflag:$0x3] =	stream.linear.gather [hbm4b:s25+s28], $0x80, $0x38;
	[tilespmem:$0x10200] =	vst v63  }
0x121: {  	s26 =	sadd.s32 $0x8380, s0;
	s30 =	spop (v2sf)  }
0x122: {  	(v2sf) =	vpush v0, $0xB;
	[tilespmem:s26], [sflag:$0x3] =	stream.linear.gather [hbm4b:s30+s28], $0x80, $0x38;
	[tilespmem:$0x10200] =	vst v63  }
0x123: {  	s5 =	sadd.s32 $0x8400, s0;
	s6 =	spop (v2sf)  }
0x124: {  	(v2sf) =	vpush v0, $0xC;
	[tilespmem:s5], [sflag:$0x3] =	stream.linear.gather [hbm4b:s6+s28], $0x80, $0x38;
	[tilespmem:$0x10200] =	vst v63  }
0x125: {  	s7 =	sadd.s32 $0x8480, s0;
	s8 =	spop (v2sf)  }
0x126: {  	(v2sf) =	vpush v0, $0xD;
	[tilespmem:s7], [sflag:$0x3] =	stream.linear.gather [hbm4b:s8+s28], $0x80, $0x38;
	[tilespmem:$0x10200] =	vst v63  }
0x127: {  	s9 =	sadd.s32 $0x8500, s0;
	s10 =	spop (v2sf)  }
0x128: {  	(v2sf) =	vpush v0, $0xE;
	[tilespmem:s9], [sflag:$0x3] =	stream.linear.gather [hbm4b:s10+s28], $0x80, $0x38;
	[tilespmem:$0x10200] =	vst v63  }
0x129: {  	s11 =	sadd.s32 $0x8580, s0;
	s12 =	spop (v2sf)  }
0x12a: {  	(v2sf) =	vpush v0, $0xF;
	[tilespmem:s11], [sflag:$0x3] =	stream.linear.gather [hbm4b:s12+s28], $0x80, $0x38;
	[tilespmem:$0x10200] =	vst v63  }
0x12b: {  	s13 =	sadd.s32 $0x8600, s0;
	s14 =	spop (v2sf)  }
0x12c: {  	[tilespmem:s13], [sflag:$0x3] =	stream.linear.gather [hbm4b:s14+s28], $0x80, $0x38;
	[tilespmem:$0x10200] =	vst v63  }
0x12d: {  	s15 =	sadd.s32 $0x8680, s0;
	s16 =	spop (v2sf)  }
0x12e: {  	[tilespmem:s15], [sflag:$0x3] =	stream.linear.gather [hbm4b:s16+s28], $0x80, $0x38;
	[tilespmem:$0x10200] =	vst v63  }
0x12f: {  	s17 =	sadd.s32 $0x8700, s0;
	s18 =	spop (v2sf)  }
0x130: {  	[tilespmem:s17], [sflag:$0x3] =	stream.linear.gather [hbm4b:s18+s28], $0x80, $0x38;
	[tilespmem:$0x10200] =	vst v63  }
0x131: {  	s19 =	sadd.s32 $0x8780, s0;
	s20 =	spop (v2sf)  }
0x132: {  	[tilespmem:s19], [sflag:$0x3] =	stream.linear.gather [hbm4b:s20+s28], $0x80, $0x38;
	[tilespmem:$0x10200] =	vst v63  }
0x133: {  	s21 =	sadd.s32 $0x8800, s0;
	s22 =	spop (v2sf)  }
0x134: {  	[tilespmem:s21], [sflag:$0x3] =	stream.linear.gather [hbm4b:s22+s28], $0x80, $0x38;
	[tilespmem:$0x10200] =	vst v63  }
0x135: {  	s23 =	sadd.s32 $0x8880, s0;
	s24 =	spop (v2sf)  }
0x136: {  	[tilespmem:s23], [sflag:$0x3] =	stream.linear.gather [hbm4b:s24+s28], $0x80, $0x38;
	[tilespmem:$0x10200] =	vst v63  }
0x137: {  	s25 =	sadd.s32 $0x8900, s0;
	s26 =	spop (v2sf)  }
0x138: {  	[tilespmem:s25], [sflag:$0x3] =	stream.linear.gather [hbm4b:s26+s28], $0x80, $0x38;
	[tilespmem:$0x10200] =	vst v63  }
0x139: {  	s0 =	sadd.s32 $0x8980, s0;
	s30 =	spop (v2sf)  }
0x13a: {  	[tilespmem:s0], [sflag:$0x3] =	stream.linear.gather [hbm4b:s30+s28], $0x80, $0x38;
	[tilespmem:$0x10200] =	vst v63  }
.LBB2_7:
0x13b: {  	s0 =	sshll.u32 s28, $0x7;
	s10 =	rddreg [dreg:$0x8];
	s1 =	simm.s32 $0x2  }
0x13c: {  	s12 =	simm.s32 $0x1000;
	s13 =	simm.s32 $0x200;
	s30 =	sand.u32 $0xC00, s0  }
0x13d: {  	s28 =	sadd.s32 $0x1, s28;
	s2 =	sand.u32 $0x380, s0;
	s0 =	sor.u32 s10, s30  }
0x13e: {  	s17 =	simm.s32 $0x4;
	_ =	swait.ge [sflag:s1], $0x8000;
	s0 =	sor.u32 s2, s0  }
0x13f: {  	[sflag:s1] =	ssyncset.done $0x0;
	s11 =	rddreg [dreg:$0x3];
	s0 =	sshrl.u32 s0, $0x3  }
0x140: {  	s14 =	sshll.u32 s28, $0xE;
	[sflag:s1] =	ssyncadd.s32 $0xFFFF8000;
	s0 =	sadd.s32 s11, s0  }
0x141: {  	[hbm4b:s0+s31] =	stream.strided.scatter [tilespmem:s13], [sflag:$0x4], $0x8000, s12, s31, $0x38;
	[tilespmem:$0x10200] =	vst v63  }
0x142: {  	s15 =	sshll.u32 s28, $0x7;
	s16 =	rddreg [dreg:$0x4];
	s31 =	sand.u32 $0xE0000, s14  }
0x143: {  	[dreg:$0xf] =	wrdreg s2;
	s0 =	sand.u32 $0x380, s15;
	s1 =	sor.u32 s16, s31  }
0x144: {  	_ =	swait.ge [sflag:s17], $0x8000;
	s1 =	sor.u32 s0, s1  }
0x145: {  	[sflag:s17] =	ssyncset.done $0x0;
	s1 =	sshrl.u32 s1, $0x3  }
0x146: {  	s18 =	simm.s32 $0x0;
	[sflag:s17] =	ssyncadd.s32 $0xFFFF8000;
	s1 =	sadd.s32 s29, s1  }
0x147: {  	[tilespmem:s18], [sflag:$0x1] =	stream.linear.gather [hbm4b:s1+s18], $0x80, $0x38;
	[tilespmem:$0x10200] =	vst v63  }
0x148: {  	s5 =	simm.s32 $0x100;
	s19 =	simm.s32 $0x1;
	s1 =	sadd.s32 $0x80, s1  }
0x149: {  	[tilespmem:s5], [sflag:$0x1] =	stream.linear.gather [hbm4b:s1+s18], $0x80, $0x38;
	[tilespmem:$0x10200] =	vst v63  }
0x14a: {  	_ =	swait.ge [sflag:s19], $0x100  }
0x14b: {  	s20 =	sand.u32 $0x70, s18;
	s2 =	sand.u32 $0x100, s18;
	[sflag:s19] =	ssyncset.done $0x0  }
0x14c: {  	s1 =	sor.u32 s20, s2;
	[sflag:s19] =	ssyncadd.s32 $0xFFFFFF00  }
0x14d: {  	v0 =	vld [tilespmem:s1+$0x0];
	_ =	sdelay $0x4  }
0x14e: {  	s21 =	smul.u32 $0x186A0, s28;
	vm0 =	vgt.s32 v0, $0x0  }
0x14f: {  	v1 =	vnsel vm0, $0x0, v0  }
0x150: {  	v0 =	vmov s21;
	v1 =	vmin.u32 v1, $0x1869F  }
0x151: {  	v1 =	vadd.s32 v0, v1  }
0x152: {  	v1 =	vshll.u32 v1, $0x4  }
0x153: {  	(v2sf) =	vpush v1, $0x0;
	_ =	sdelay $0x1  }
0x154: {  	(v2sf) =	vpush v1, $0x1;
	_ =	sdelay $0x1  }
0x155: {  	(v2sf) =	vpush v1, $0x2  }
0x156: {  	(v2sf) =	vpush v1, $0x3  }
0x157: {  	(v2sf) =	vpush v1, $0x4;
	_ =	sdelay $0x3  }
0x158: {  	(v2sf) =	vpush v1, $0x5  }
0x159: {  	s7 =	simm.s32 $0x0  }
0x15a: {  	s9 =	simm.s32 $0x40;
	s6 =	simm.s32 $0x280;
	s26 =	simm.s32 $0x880;
	(v2sf) =	vpush v1, $0x6  }
0x15b: {  	s8 =	simm.s32 $0x200;
	s25 =	simm.s32 $0x680;
	s11 =	simm.s32 $0x300  }
0x15c: {  	s12 =	simm.s32 $0x10;
	s13 =	simm.s32 $0x20;
	s14 =	simm.s32 $0x4000  }
0x15d: {  	s15 =	simm.s32 $0x20;
	s16 =	simm.s32 $0x800;
	s10 =	spop (v2sf)  }
0x15e: {  	s2 =	simm.s32 $0x2000;
	s19 =	simm.s32 $0x780;
	(v2sf) =	vpush v1, $0x7;
	s10 =	sand.u32 $0xFFFFFF0, s10  }
0x15f: {  	s1 =	simm.s32 $0x600;
	s18 =	spop (v2sf);
	s10 =	sadd.s32 s4, s10  }
0x160: {  	(v2sf) =	vpush v1, $0x8;
	[tilespmem:s8], [sflag:$0x2] =	stream.linear.gather [hbm4b:s10+s3], $0x80, $0x38;
	[tilespmem:$0x10200] =	vst v63  }
0x161: {  	s22 =	sand.u32 $0xFFFFFF0, s18;
	s23 =	spop (v2sf);
	s8 =	simm.s32 $0x380  }
0x162: {  	(v2sf) =	vpush v1, $0x9;
	s10 =	sadd.s32 s4, s22;
	s18 =	sand.u32 $0xFFFFFF0, s23;
	s21 =	spop (v2sf)  }
0x163: {  	s24 =	sadd.s32 s4, s18;
	s29 =	sand.u32 $0xFFFFFF0, s21;
	s5 =	spop (v2sf)  }
0x164: {  	(v2sf) =	vpush v1, $0xA;
	[tilespmem:s6], [sflag:$0x2] =	stream.linear.gather [hbm4b:s10+s3], $0x80, $0x38;
	[tilespmem:$0x10200] =	vst v63  }
0x165: {  	s21 =	simm.s32 $0x400;
	s17 =	sadd.s32 s4, s29;
	s18 =	sand.u32 $0xFFFFFF0, s5  }
0x166: {  	(v2sf) =	vpush v1, $0xB;
	[tilespmem:s11], [sflag:$0x2] =	stream.linear.gather [hbm4b:s24+s3], $0x80, $0x38;
	[tilespmem:$0x10200] =	vst v63  }
0x167: {  	s20 =	spop (v2sf);
	s6 =	simm.s32 $0x700;
	s22 =	sadd.s32 s4, s18  }
0x168: {  	(v2sf) =	vpush v1, $0xC;
	[tilespmem:s8], [sflag:$0x2] =	stream.linear.gather [hbm4b:s17+s3], $0x80, $0x38;
	[tilespmem:$0x10200] =	vst v63  }
0x169: {  	s23 =	sand.u32 $0xFFFFFF0, s20;
	s29 =	spop (v2sf);
	s24 =	simm.s32 $0x480  }
0x16a: {  	(v2sf) =	vpush v1, $0xD;
	[tilespmem:s21], [sflag:$0x2] =	stream.linear.gather [hbm4b:s22+s3], $0x80, $0x38;
	[tilespmem:$0x10200] =	vst v63  }
0x16b: {  	s10 =	sadd.s32 s4, s23;
	s18 =	sand.u32 $0xFFFFFF0, s29;
	s8 =	simm.s32 $0x580  }
0x16c: {  	(v2sf) =	vpush v1, $0xE;
	[tilespmem:s24], [sflag:$0x2] =	stream.linear.gather [hbm4b:s10+s3], $0x80, $0x38;
	[tilespmem:$0x10200] =	vst v63  }
0x16d: {  	s22 =	simm.s32 $0x980;
	s21 =	spop (v2sf);
	(v2sf) =	vpush v1, $0xF;
	s10 =	simm.s32 $0x500  }
.LBB2_8:
0x16e: {  	s18 =	sadd.s32 s4, s18  }
0x16f: {  	s21 =	sand.u32 $0xFFFFFF0, s21;
	s20 =	spop (v2sf);
	s11 =	smov.u32 s14  }
0x170: {  	[tilespmem:s10], [sflag:$0x2] =	stream.linear.gather [hbm4b:s18+s3], $0x80, $0x38;
	[tilespmem:$0x10200] =	vst v63  }
0x171: {  	s10 =	sadd.s32 s4, s21;
	s18 =	sand.u32 $0xFFFFFF0, s20;
	s20 =	spop (v2sf)  }
0x172: {  	[tilespmem:s8], [sflag:$0x2] =	stream.linear.gather [hbm4b:s10+s3], $0x80, $0x38;
	[tilespmem:$0x10200] =	vst v63  }
0x173: {  	s8 =	sadd.s32 s4, s18;
	s10 =	sand.u32 $0xFFFFFF0, s20;
	s18 =	spop (v2sf)  }
0x174: {  	[tilespmem:s1], [sflag:$0x2] =	stream.linear.gather [hbm4b:s8+s3], $0x80, $0x38;
	[tilespmem:$0x10200] =	vst v63  }
0x175: {  	s1 =	sadd.s32 s4, s10;
	s8 =	sand.u32 $0xFFFFFF0, s18;
	s10 =	spop (v2sf)  }
0x176: {  	[tilespmem:s25], [sflag:$0x2] =	stream.linear.gather [hbm4b:s1+s3], $0x80, $0x38;
	[tilespmem:$0x10200] =	vst v63  }
0x177: {  	s1 =	sadd.s32 s4, s8;
	s8 =	sand.u32 $0xFFFFFF0, s10;
	s10 =	spop (v2sf)  }
0x178: {  	[tilespmem:s6], [sflag:$0x2] =	stream.linear.gather [hbm4b:s1+s3], $0x80, $0x38;
	[tilespmem:$0x10200] =	vst v63  }
0x179: {  	s1 =	sadd.s32 s4, s8;
	s6 =	sand.u32 $0xFFFFFF0, s10;
	s8 =	spop (v2sf)  }
0x17a: {  	[tilespmem:s19], [sflag:$0x2] =	stream.linear.gather [hbm4b:s1+s3], $0x80, $0x38;
	[tilespmem:$0x10200] =	vst v63  }
0x17b: {  	s1 =	sadd.s32 s4, s6;
	s6 =	sand.u32 $0xFFFFFF0, s8;
	s8 =	spop (v2sf)  }
0x17c: {  	[tilespmem:s16], [sflag:$0x2] =	stream.linear.gather [hbm4b:s1+s3], $0x80, $0x38;
	[tilespmem:$0x10200] =	vst v63  }
0x17d: {  	s1 =	sadd.s32 s4, s6;
	s6 =	sand.u32 $0xFFFFFF0, s8;
	s8 =	spop (v2sf)  }
0x17e: {  	[tilespmem:s26], [sflag:$0x2] =	stream.linear.gather [hbm4b:s1+s3], $0x80, $0x38;
	[tilespmem:$0x10200] =	vst v63  }
0x17f: {  	s6 =	sadd.s32 s4, s6;
	s1 =	sadd.s32 $0x900, s7;
	s7 =	sand.u32 $0xFFFFFF0, s8  }
0x180: {  	[tilespmem:s1], [sflag:$0x2] =	stream.linear.gather [hbm4b:s6+s3], $0x80, $0x38;
	[tilespmem:$0x10200] =	vst v63  }
0x181: {  	s7 =	sadd.s32 s4, s7;
	s1 =	sand.u32 $0x70, s12;
	s6 =	sand.u32 $0x100, s13  }
0x182: {  	[tilespmem:s22], [sflag:$0x2] =	stream.linear.gather [hbm4b:s7+s3], $0x80, $0x38;
	[tilespmem:$0x10200] =	vst v63  }
0x183: {  	p0 =	sne.s32 s14, $0x1E000;
	s14 =	sadd.s32 $0x2000, s14;
	s1 =	sor.u32 s1, s6  }
0x184: {  	s12 =	smov.u32 s15;
	s13 =	smov.u32 s9;
	v1 =	vld [tilespmem:s1+$0x0];
	_ =	sdelay $0x4  }
0x185: {  	vm0 =	vgt.s32 v1, $0x0  }
0x186: {  	v1 =	vnsel vm0, $0x0, v1  }
0x187: {  	v1 =	vmin.u32 v1, $0x1869F  }
0x188: {  	v1 =	vadd.s32 v0, v1  }
0x189: {  	s15 =	sadd.s32 $0x10, s15;
	s7 =	sshra.s32 s2, $0x2;
	s2 =	smov.u32 s11;
	v1 =	vshll.u32 v1, $0x4  }
0x18a: {  	s9 =	sadd.s32 $0x20, s9;
	s18 =	sadd.s32 $0x280, s7;
	s26 =	sadd.s32 $0x880, s7;
	(v2sf) =	vpush v1, $0x0  }
0x18b: {  	s20 =	sadd.s32 $0x200, s7;
	s19 =	sadd.s32 $0x780, s7;
	s16 =	sadd.s32 $0x800, s7;
	(v2sf) =	vpush v1, $0x1  }
0x18c: {  	s25 =	sadd.s32 $0x680, s7;
	s6 =	sadd.s32 $0x700, s7;
	s1 =	sadd.s32 $0x600, s7;
	(v2sf) =	vpush v1, $0x2  }
0x18d: {  	s10 =	sadd.s32 $0x500, s7;
	s8 =	sadd.s32 $0x580, s7  }
0x18e: {  	s11 =	sadd.s32 $0x480, s7;
	(v2sf) =	vpush v1, $0x3  }
0x18f: {  	s21 =	sadd.s32 $0x400, s7  }
0x190: {  	(v2sf) =	vpush v1, $0x4  }
0x191: {  	s22 =	sadd.s32 $0x980, s7  }
0x192: {  	(v2sf) =	vpush v1, $0x5;
	_ =	sdelay $0x1  }
0x193: {  	s24 =	sadd.s32 $0x300, s7;
	(v2sf) =	vpush v1, $0x6;
	_ =	sdelay $0x1  }
0x194: {  	s5 =	sadd.s32 $0x380, s7;
	(v2sf) =	vpush v1, $0x7;
	_ =	sdelay $0x1  }
0x195: {  	(v2sf) =	vpush v1, $0x8  }
0x196: {  	s17 =	spop (v2sf)  }
0x197: {  	s17 =	sand.u32 $0xFFFFFF0, s17;
	s23 =	spop (v2sf);
	(v2sf) =	vpush v1, $0x9  }
0x198: {  	s17 =	sadd.s32 s4, s17;
	s23 =	sand.u32 $0xFFFFFF0, s23;
	s29 =	spop (v2sf)  }
0x199: {  	[tilespmem:s20], [sflag:$0x2] =	stream.linear.gather [hbm4b:s17+s3], $0x80, $0x38;
	(v2sf) =	vpush v1, $0xA;
	[tilespmem:$0x10200] =	vst v63  }
0x19a: {  	s17 =	sadd.s32 s4, s23;
	s20 =	sand.u32 $0xFFFFFF0, s29;
	s23 =	spop (v2sf)  }
0x19b: {  	[tilespmem:s18], [sflag:$0x2] =	stream.linear.gather [hbm4b:s17+s3], $0x80, $0x38;
	(v2sf) =	vpush v1, $0xB;
	[tilespmem:$0x10200] =	vst v63  }
0x19c: {  	s17 =	sadd.s32 s4, s20;
	s18 =	sand.u32 $0xFFFFFF0, s23;
	s20 =	spop (v2sf)  }
0x19d: {  	[tilespmem:s24], [sflag:$0x2] =	stream.linear.gather [hbm4b:s17+s3], $0x80, $0x38;
	(v2sf) =	vpush v1, $0xC;
	[tilespmem:$0x10200] =	vst v63  }
0x19e: {  	s17 =	sadd.s32 s4, s18;
	s18 =	sand.u32 $0xFFFFFF0, s20;
	s20 =	spop (v2sf)  }
0x19f: {  	[tilespmem:s5], [sflag:$0x2] =	stream.linear.gather [hbm4b:s17+s3], $0x80, $0x38;
	[tilespmem:$0x10200] =	vst v63  }
.Ltmp2:
0x1a0: {  	(v2sf) =	vpush v1, $0xD;
	(pc) =	sbr.rel @p0 .LBB2_8-.Ltmp2, $4  }
0x1a1: {  	s5 =	sadd.s32 s4, s18;
	s17 =	sand.u32 $0xFFFFFF0, s20;
	s18 =	spop (v2sf)  }
0x1a2: {  	[tilespmem:s21], [sflag:$0x2] =	stream.linear.gather [hbm4b:s5+s3], $0x80, $0x38;
	(v2sf) =	vpush v1, $0xE;
	[tilespmem:$0x10200] =	vst v63  }
0x1a3: {  	s5 =	sadd.s32 s4, s17;
	s18 =	sand.u32 $0xFFFFFF0, s18;
	s21 =	spop (v2sf)  }
0x1a4: {  	[tilespmem:s11], [sflag:$0x2] =	stream.linear.gather [hbm4b:s5+s3], $0x80, $0x38;
	(v2sf) =	vpush v1, $0xF;
	[tilespmem:$0x10200] =	vst v63  }
0x1a5: {  	s5 =	sadd.s32 s4, s18;
	s11 =	sand.u32 $0xFFFFFF0, s21;
	s9 =	spop (v2sf)  }
0x1a6: {  	[tilespmem:s10], [sflag:$0x2] =	stream.linear.gather [hbm4b:s5+s3], $0x80, $0x38;
	[tilespmem:$0x10200] =	vst v63  }
0x1a7: {  	s5 =	sadd.s32 s4, s11;
	s15 =	spop (v2sf)  }
0x1a8: {  	[tilespmem:s8], [sflag:$0x2] =	stream.linear.gather [hbm4b:s5+s3], $0x80, $0x38;
	[tilespmem:$0x10200] =	vst v63  }
0x1a9: {  	s14 =	sand.u32 $0xFFFFFF0, s9;
	s8 =	sand.u32 $0xFFFFFF0, s15;
	s17 =	spop (v2sf)  }
0x1aa: {  	s5 =	sadd.s32 s4, s14;
	s18 =	sadd.s32 s4, s8;
	s20 =	sand.u32 $0xFFFFFF0, s17  }
0x1ab: {  	[tilespmem:s1], [sflag:$0x2] =	stream.linear.gather [hbm4b:s5+s3], $0x80, $0x38;
	[tilespmem:$0x10200] =	vst v63  }
0x1ac: {  	s21 =	spop (v2sf);
	s23 =	sadd.s32 s4, s20;
	s20 =	sand.u32 $0x70, s12  }
0x1ad: {  	[tilespmem:s25], [sflag:$0x2] =	stream.linear.gather [hbm4b:s18+s3], $0x80, $0x38;
	[tilespmem:$0x10200] =	vst v63  }
0x1ae: {  	s24 =	sand.u32 $0xFFFFFF0, s21;
	s21 =	sand.u32 $0x100, s13;
	s25 =	spop (v2sf)  }
0x1af: {  	[tilespmem:s6], [sflag:$0x2] =	stream.linear.gather [hbm4b:s23+s3], $0x80, $0x38;
	[tilespmem:$0x10200] =	vst v63  }
0x1b0: {  	s9 =	sand.u32 $0xFFFFFF0, s25;
	s6 =	sadd.s32 s4, s24;
	s10 =	spop (v2sf)  }
0x1b1: {  	[tilespmem:s19], [sflag:$0x2] =	stream.linear.gather [hbm4b:s6+s3], $0x80, $0x38;
	[tilespmem:$0x10200] =	vst v63  }
0x1b2: {  	s11 =	sadd.s32 s4, s9;
	s14 =	sand.u32 $0xFFFFFF0, s10;
	s15 =	spop (v2sf)  }
0x1b3: {  	[tilespmem:s16], [sflag:$0x2] =	stream.linear.gather [hbm4b:s11+s3], $0x80, $0x38;
	[tilespmem:$0x10200] =	vst v63  }
0x1b4: {  	s16 =	sadd.s32 s4, s14;
	s17 =	sand.u32 $0xFFFFFF0, s15;
	s18 =	spop (v2sf)  }
0x1b5: {  	[tilespmem:s26], [sflag:$0x2] =	stream.linear.gather [hbm4b:s16+s3], $0x80, $0x38;
	[tilespmem:$0x10200] =	vst v63  }
0x1b6: {  	s19 =	sadd.s32 $0x900, s7;
	s5 =	sadd.s32 s4, s17;
	s6 =	sand.u32 $0xFFFFFF0, s18  }
0x1b7: {  	[tilespmem:s19], [sflag:$0x2] =	stream.linear.gather [hbm4b:s5+s3], $0x80, $0x38;
	[tilespmem:$0x10200] =	vst v63  }
0x1b8: {  	s1 =	sor.u32 s20, s21;
	s6 =	sadd.s32 s4, s6  }
0x1b9: {  	[tilespmem:s22], [sflag:$0x2] =	stream.linear.gather [hbm4b:s6+s3], $0x80, $0x38;
	[tilespmem:$0x10200] =	vst v63  }
0x1ba: {  	v1 =	vld [tilespmem:s1+$0x0];
	_ =	sdelay $0x4  }
0x1bb: {  	vm0 =	vgt.s32 v1, $0x0  }
0x1bc: {  	v1 =	vnsel vm0, $0x0, v1  }
0x1bd: {  	v1 =	vmin.u32 v1, $0x1869F  }
0x1be: {  	v1 =	vadd.s32 v0, v1  }
0x1bf: {  	v1 =	vshll.u32 v1, $0x4  }
0x1c0: {  	(v2sf) =	vpush v1, $0x0  }
0x1c1: {  	(v2sf) =	vpush v1, $0x1  }
0x1c2: {  	(v2sf) =	vpush v1, $0x2;
	_ =	sdelay $0x2  }
0x1c3: {  	(v2sf) =	vpush v1, $0x3;
	_ =	sdelay $0x1  }
0x1c4: {  	(v2sf) =	vpush v1, $0x4;
	_ =	sdelay $0x1  }
0x1c5: {  	(v2sf) =	vpush v1, $0x5;
	_ =	sdelay $0x1  }
0x1c6: {  	s1 =	sshra.s32 s2, $0x2;
	(v2sf) =	vpush v1, $0x6  }
0x1c7: {  	s22 =	sadd.s32 $0x280, s1;
	s2 =	sadd.s32 $0x880, s1  }
0x1c8: {  	s23 =	sadd.s32 $0x200, s1;
	s7 =	sadd.s32 $0x780, s1;
	s6 =	sadd.s32 $0x800, s1;
	(v2sf) =	vpush v1, $0x7  }
0x1c9: {  	s9 =	sadd.s32 $0x600, s1;
	s10 =	sadd.s32 $0x680, s1;
	s12 =	sadd.s32 $0x700, s1  }
0x1ca: {  	s13 =	sadd.s32 $0x500, s1;
	s14 =	sadd.s32 $0x580, s1;
	s11 =	spop (v2sf);
	(v2sf) =	vpush v1, $0x8  }
0x1cb: {  	s8 =	sadd.s32 $0x480, s1;
	s11 =	sand.u32 $0xFFFFFF0, s11;
	s15 =	spop (v2sf)  }
0x1cc: {  	s19 =	sadd.s32 $0x380, s1;
	(v2sf) =	vpush v1, $0x9;
	s11 =	sadd.s32 s4, s11;
	s25 =	spop (v2sf)  }
0x1cd: {  	[tilespmem:s23], [sflag:$0x2] =	stream.linear.gather [hbm4b:s11+s3], $0x80, $0x38;
	[tilespmem:$0x10200] =	vst v63  }
0x1ce: {  	s21 =	sadd.s32 $0x400, s1;
	s24 =	sand.u32 $0xFFFFFF0, s15;
	(v2sf) =	vpush v1, $0xA;
	s15 =	sand.u32 $0xFFFFFF0, s25  }
0x1cf: {  	s11 =	sadd.s32 s4, s24;
	s26 =	spop (v2sf);
	s17 =	sadd.s32 s4, s15  }
0x1d0: {  	(v2sf) =	vpush v1, $0xB;
	[tilespmem:s22], [sflag:$0x2] =	stream.linear.gather [hbm4b:s11+s3], $0x80, $0x38;
	[tilespmem:$0x10200] =	vst v63  }
0x1d1: {  	s18 =	sand.u32 $0xFFFFFF0, s26;
	s20 =	spop (v2sf);
	s11 =	sadd.s32 $0x300, s1  }
0x1d2: {  	(v2sf) =	vpush v1, $0xC;
	[tilespmem:s11], [sflag:$0x2] =	stream.linear.gather [hbm4b:s17+s3], $0x80, $0x38;
	[tilespmem:$0x10200] =	vst v63  }
0x1d3: {  	s15 =	sadd.s32 s4, s18;
	s22 =	spop (v2sf);
	s11 =	sand.u32 $0xFFFFFF0, s20  }
0x1d4: {  	(v2sf) =	vpush v1, $0xD;
	[tilespmem:s19], [sflag:$0x2] =	stream.linear.gather [hbm4b:s15+s3], $0x80, $0x38;
	[tilespmem:$0x10200] =	vst v63  }
0x1d5: {  	s23 =	spop (v2sf);
	s11 =	sadd.s32 s4, s11;
	s15 =	sand.u32 $0xFFFFFF0, s22  }
0x1d6: {  	(v2sf) =	vpush v1, $0xE;
	[tilespmem:s21], [sflag:$0x2] =	stream.linear.gather [hbm4b:s11+s3], $0x80, $0x38;
	[tilespmem:$0x10200] =	vst v63  }
0x1d7: {  	s25 =	sand.u32 $0xFFFFFF0, s23;
	s26 =	spop (v2sf);
	s24 =	sadd.s32 s4, s15  }
0x1d8: {  	(v2sf) =	vpush v1, $0xF;
	[tilespmem:s8], [sflag:$0x2] =	stream.linear.gather [hbm4b:s24+s3], $0x80, $0x38;
	[tilespmem:$0x10200] =	vst v63  }
0x1d9: {  	s16 =	sand.u32 $0xFFFFFF0, s26;
	s11 =	sadd.s32 s4, s25;
	s17 =	spop (v2sf)  }
0x1da: {  	[tilespmem:s13], [sflag:$0x2] =	stream.linear.gather [hbm4b:s11+s3], $0x80, $0x38;
	[tilespmem:$0x10200] =	vst v63  }
0x1db: {  	s18 =	sadd.s32 s4, s16;
	s19 =	sand.u32 $0xFFFFFF0, s17;
	s20 =	spop (v2sf)  }
0x1dc: {  	[tilespmem:s14], [sflag:$0x2] =	stream.linear.gather [hbm4b:s18+s3], $0x80, $0x38;
	[tilespmem:$0x10200] =	vst v63  }
0x1dd: {  	s21 =	sadd.s32 s4, s19;
	s22 =	sand.u32 $0xFFFFFF0, s20;
	s23 =	spop (v2sf)  }
0x1de: {  	[tilespmem:s9], [sflag:$0x2] =	stream.linear.gather [hbm4b:s21+s3], $0x80, $0x38;
	[tilespmem:$0x10200] =	vst v63  }
0x1df: {  	s24 =	sadd.s32 s4, s22;
	s25 =	sand.u32 $0xFFFFFF0, s23;
	s26 =	spop (v2sf)  }
0x1e0: {  	[tilespmem:s10], [sflag:$0x2] =	stream.linear.gather [hbm4b:s24+s3], $0x80, $0x38;
	[tilespmem:$0x10200] =	vst v63  }
0x1e1: {  	s11 =	sand.u32 $0xFFFFFF0, s26;
	s13 =	spop (v2sf);
	s10 =	sadd.s32 s4, s25  }
0x1e2: {  	[tilespmem:s12], [sflag:$0x2] =	stream.linear.gather [hbm4b:s10+s3], $0x80, $0x38;
	[tilespmem:$0x10200] =	vst v63  }
0x1e3: {  	s14 =	sadd.s32 s4, s11;
	s15 =	sand.u32 $0xFFFFFF0, s13;
	s16 =	spop (v2sf)  }
0x1e4: {  	[tilespmem:s7], [sflag:$0x2] =	stream.linear.gather [hbm4b:s14+s3], $0x80, $0x38;
	[tilespmem:$0x10200] =	vst v63  }
0x1e5: {  	s17 =	sadd.s32 s4, s15;
	s18 =	sand.u32 $0xFFFFFF0, s16;
	s19 =	spop (v2sf)  }
0x1e6: {  	[tilespmem:s6], [sflag:$0x2] =	stream.linear.gather [hbm4b:s17+s3], $0x80, $0x38;
	[tilespmem:$0x10200] =	vst v63  }
0x1e7: {  	s20 =	sadd.s32 s4, s18;
	s21 =	sand.u32 $0xFFFFFF0, s19;
	s22 =	spop (v2sf)  }
0x1e8: {  	[tilespmem:s2], [sflag:$0x2] =	stream.linear.gather [hbm4b:s20+s3], $0x80, $0x38;
	[tilespmem:$0x10200] =	vst v63  }
0x1e9: {  	s23 =	sadd.s32 $0x900, s1;
	s24 =	sadd.s32 s4, s21;
	s25 =	sand.u32 $0xFFFFFF0, s22  }
0x1ea: {  	[tilespmem:s23], [sflag:$0x2] =	stream.linear.gather [hbm4b:s24+s3], $0x80, $0x38;
	[tilespmem:$0x10200] =	vst v63  }
0x1eb: {  	s1 =	sadd.s32 $0x980, s1;
	s26 =	sadd.s32 s4, s25;
	s6 =	simm.s32 $0x3  }
0x1ec: {  	[tilespmem:s1], [sflag:$0x2] =	stream.linear.gather [hbm4b:s26+s3], $0x80, $0x38;
	[tilespmem:$0x10200] =	vst v63  }
0x1ed: {  	s5 =	rddreg [dreg:$0x9];
	_ =	swait.ge [sflag:s6], $0x8000  }
0x1ee: {  	s9 =	simm.s32 $0x80;
	s1 =	sor.u32 s5, s30;
	s7 =	rddreg [dreg:$0xf]  }
0x1ef: {  	s11 =	simm.s32 $0x8200;
	s13 =	simm.s32 $0x4;
	s1 =	sor.u32 s7, s1  }
0x1f0: {  	[sflag:s6] =	ssyncset.done $0x0;
	s8 =	rddreg [dreg:$0x3];
	s1 =	sshrl.u32 s1, $0x3  }
0x1f1: {  	s10 =	simm.s32 $0x1000;
	[sflag:s6] =	ssyncadd.s32 $0xFFFF8000;
	s1 =	sadd.s32 s8, s1  }
0x1f2: {  	[hbm4b:s1+s9] =	stream.strided.scatter [tilespmem:s11], [sflag:$0x4], $0x8000, s10, s9, $0x38;
	[tilespmem:$0x10200] =	vst v63  }
0x1f3: {  	s12 =	rddreg [dreg:$0x6];
	_ =	swait.ge [sflag:s13], $0x8000  }
0x1f4: {  	s1 =	sor.u32 s12, s31;
	[sflag:s13] =	ssyncset.done $0x0  }
0x1f5: {  	s0 =	sor.u32 s0, s1;
	[sflag:s13] =	ssyncadd.s32 $0xFFFF8000  }
0x1f6: {  	s0 =	sshrl.u32 s0, $0x3;
	s29 =	rddreg [dreg:$0x0]  }
0x1f7: {  	s14 =	simm.s32 $0x0;
	s0 =	sadd.s32 s29, s0  }
0x1f8: {  	[tilespmem:s9], [sflag:$0x1] =	stream.linear.gather [hbm4b:s0+s14], $0x80, $0x38;
	[tilespmem:$0x10200] =	vst v63  }
0x1f9: {  	s15 =	simm.s32 $0x180;
	s16 =	simm.s32 $0x1;
	s0 =	sadd.s32 $0x80, s0  }
0x1fa: {  	[tilespmem:s15], [sflag:$0x1] =	stream.linear.gather [hbm4b:s0+s14], $0x80, $0x38;
	[tilespmem:$0x10200] =	vst v63  }
0x1fb: {  	_ =	swait.ge [sflag:s16], $0x100  }
0x1fc: {  	s17 =	sand.u32 $0x70, s14;
	s1 =	sand.u32 $0x100, s14;
	[sflag:s16] =	ssyncset.done $0x0  }
0x1fd: {  	s0 =	sor.u32 s17, s1;
	[sflag:s16] =	ssyncadd.s32 $0xFFFFFF00  }
0x1fe: {  	v1 =	vld [tilespmem:s0+$0x80];
	_ =	sdelay $0x4  }
0x1ff: {  	vm15 =	vgt.s32 v1, $0x0  }
0x200: {  	v1 =	vnsel vm15, $0x0, v1  }
0x201: {  	v1 =	vmin.u32 v1, $0x1869F  }
0x202: {  	v1 =	vadd.s32 v0, v1  }
0x203: {  	v1 =	vshll.u32 v1, $0x4  }
0x204: {  	(v2sf) =	vpush v1, $0x0  }
0x205: {  	(v2sf) =	vpush v1, $0x1  }
0x206: {  	(v2sf) =	vpush v1, $0x2;
	_ =	sdelay $0x1  }
0x207: {  	(v2sf) =	vpush v1, $0x3;
	_ =	sdelay $0x1  }
0x208: {  	(v2sf) =	vpush v1, $0x4;
	_ =	sdelay $0x6  }
0x209: {  	(v2sf) =	vpush v1, $0x5  }
0x20a: {  	s18 =	simm.s32 $0x8280;
	s19 =	simm.s32 $0x8780  }
0x20b: {  	s22 =	simm.s32 $0x8300;
	s25 =	simm.s32 $0x8680;
	(v2sf) =	vpush v1, $0x6;
	s21 =	spop (v2sf)  }
0x20c: {  	s20 =	simm.s32 $0x8200;
	s8 =	sand.u32 $0xFFFFFF0, s21;
	s23 =	spop (v2sf)  }
0x20d: {  	s8 =	sadd.s32 s4, s8;
	s26 =	sand.u32 $0xFFFFFF0, s23;
	s30 =	spop (v2sf)  }
0x20e: {  	[tilespmem:s20], [sflag:$0x3] =	stream.linear.gather [hbm4b:s8+s3], $0x80, $0x38;
	[tilespmem:$0x10200] =	vst v63  }
0x20f: {  	(v2sf) =	vpush v1, $0x7;
	s8 =	sadd.s32 s4, s26;
	s11 =	sand.u32 $0xFFFFFF0, s30;
	s17 =	spop (v2sf)  }
0x210: {  	[tilespmem:s18], [sflag:$0x3] =	stream.linear.gather [hbm4b:s8+s3], $0x80, $0x38;
	[tilespmem:$0x10200] =	vst v63  }
0x211: {  	s8 =	sadd.s32 s4, s11;
	s11 =	sand.u32 $0xFFFFFF0, s17;
	s17 =	spop (v2sf);
	(v2sf) =	vpush v1, $0x8  }
0x212: {  	s2 =	simm.s32 $0x10;
	s24 =	simm.s32 $0x8380;
	s7 =	simm.s32 $0x0  }
0x213: {  	s6 =	simm.s32 $0x8700;
	s31 =	simm.s32 $0x80;
	s12 =	simm.s32 $0x20;
	(v2sf) =	vpush v1, $0x9  }
0x214: {  	s13 =	simm.s32 $0x4000;
	s9 =	simm.s32 $0x40;
	s14 =	simm.s32 $0x20  }
0x215: {  	s15 =	simm.s32 $0x8880;
	s1 =	simm.s32 $0x8600;
	s16 =	simm.s32 $0x8800;
	(v2sf) =	vpush v1, $0xA  }
0x216: {  	s0 =	simm.s32 $0x2000;
	s26 =	simm.s32 $0x8480;
	s18 =	sadd.s32 s4, s11  }
0x217: {  	[tilespmem:s22], [sflag:$0x3] =	stream.linear.gather [hbm4b:s8+s3], $0x80, $0x38;
	(v2sf) =	vpush v1, $0xB;
	[tilespmem:$0x10200] =	vst v63  }
0x218: {  	s20 =	sand.u32 $0xFFFFFF0, s17;
	s21 =	spop (v2sf);
	s22 =	simm.s32 $0x8400  }
0x219: {  	[tilespmem:s24], [sflag:$0x3] =	stream.linear.gather [hbm4b:s18+s3], $0x80, $0x38;
	(v2sf) =	vpush v1, $0xC;
	[tilespmem:$0x10200] =	vst v63  }
0x21a: {  	s23 =	sadd.s32 s4, s20;
	s30 =	spop (v2sf);
	s24 =	sand.u32 $0xFFFFFF0, s21  }
0x21b: {  	(v2sf) =	vpush v1, $0xD;
	[tilespmem:s22], [sflag:$0x3] =	stream.linear.gather [hbm4b:s23+s3], $0x80, $0x38;
	[tilespmem:$0x10200] =	vst v63  }
0x21c: {  	s11 =	sand.u32 $0xFFFFFF0, s30;
	s8 =	sadd.s32 s4, s24;
	s22 =	simm.s32 $0x8980  }
0x21d: {  	(v2sf) =	vpush v1, $0xE;
	[tilespmem:s26], [sflag:$0x3] =	stream.linear.gather [hbm4b:s8+s3], $0x80, $0x38;
	[tilespmem:$0x10200] =	vst v63  }
0x21e: {  	s8 =	simm.s32 $0x8500;
	s26 =	simm.s32 $0x8580;
	s18 =	spop (v2sf);
	(v2sf) =	vpush v1, $0xF  }
.LBB2_10:
0x21f: {  	s5 =	sadd.s32 s4, s11  }
0x220: {  	s11 =	sand.u32 $0xFFFFFF0, s18;
	s17 =	spop (v2sf);
	s10 =	smov.u32 s13  }
0x221: {  	[tilespmem:s8], [sflag:$0x3] =	stream.linear.gather [hbm4b:s5+s3], $0x80, $0x38;
	[tilespmem:$0x10200] =	vst v63  }
0x222: {  	s5 =	sadd.s32 s4, s11;
	s8 =	sand.u32 $0xFFFFFF0, s17;
	s11 =	spop (v2sf)  }
0x223: {  	[tilespmem:s26], [sflag:$0x3] =	stream.linear.gather [hbm4b:s5+s3], $0x80, $0x38;
	[tilespmem:$0x10200] =	vst v63  }
0x224: {  	s5 =	sadd.s32 s4, s8;
	s8 =	sand.u32 $0xFFFFFF0, s11;
	s11 =	spop (v2sf)  }
0x225: {  	[tilespmem:s1], [sflag:$0x3] =	stream.linear.gather [hbm4b:s5+s3], $0x80, $0x38;
	[tilespmem:$0x10200] =	vst v63  }
0x226: {  	s1 =	sadd.s32 s4, s8;
	s5 =	sand.u32 $0xFFFFFF0, s11;
	s8 =	spop (v2sf)  }
0x227: {  	[tilespmem:s25], [sflag:$0x3] =	stream.linear.gather [hbm4b:s1+s3], $0x80, $0x38;
	[tilespmem:$0x10200] =	vst v63  }
0x228: {  	s1 =	sadd.s32 s4, s5;
	s5 =	sand.u32 $0xFFFFFF0, s8;
	s8 =	spop (v2sf)  }
0x229: {  	[tilespmem:s6], [sflag:$0x3] =	stream.linear.gather [hbm4b:s1+s3], $0x80, $0x38;
	[tilespmem:$0x10200] =	vst v63  }
0x22a: {  	s1 =	sadd.s32 s4, s5;
	s5 =	sand.u32 $0xFFFFFF0, s8;
	s6 =	spop (v2sf)  }
0x22b: {  	[tilespmem:s19], [sflag:$0x3] =	stream.linear.gather [hbm4b:s1+s3], $0x80, $0x38;
	[tilespmem:$0x10200] =	vst v63  }
0x22c: {  	s1 =	sadd.s32 s4, s5;
	s5 =	sand.u32 $0xFFFFFF0, s6;
	s6 =	spop (v2sf)  }
0x22d: {  	[tilespmem:s16], [sflag:$0x3] =	stream.linear.gather [hbm4b:s1+s3], $0x80, $0x38;
	[tilespmem:$0x10200] =	vst v63  }
0x22e: {  	s1 =	sadd.s32 s4, s5;
	s5 =	sand.u32 $0xFFFFFF0, s6;
	s6 =	spop (v2sf)  }
0x22f: {  	[tilespmem:s15], [sflag:$0x3] =	stream.linear.gather [hbm4b:s1+s3], $0x80, $0x38;
	[tilespmem:$0x10200] =	vst v63  }
0x230: {  	s5 =	sadd.s32 s4, s5;
	s1 =	sadd.s32 $0x8900, s7;
	s6 =	sand.u32 $0xFFFFFF0, s6  }
0x231: {  	[tilespmem:s1], [sflag:$0x3] =	stream.linear.gather [hbm4b:s5+s3], $0x80, $0x38;
	[tilespmem:$0x10200] =	vst v63  }
0x232: {  	s1 =	sand.u32 $0x70, s2;
	s2 =	sand.u32 $0x100, s12;
	s5 =	sadd.s32 s4, s6  }
0x233: {  	[tilespmem:s22], [sflag:$0x3] =	stream.linear.gather [hbm4b:s5+s3], $0x80, $0x38;
	[tilespmem:$0x10200] =	vst v63  }
0x234: {  	p0 =	seq.s32 s13, $0x1E000;
	s13 =	sadd.s32 $0x2000, s13;
	s1 =	sor.u32 s1, s2  }
0x235: {  	s12 =	smov.u32 s9;
	s2 =	smov.u32 s14;
	v1 =	vld [tilespmem:s1+$0x80];
	_ =	sdelay $0x4  }
0x236: {  	vm0 =	vgt.s32 v1, $0x0  }
0x237: {  	v1 =	vnsel vm0, $0x0, v1  }
0x238: {  	v1 =	vmin.u32 v1, $0x1869F  }
0x239: {  	v1 =	vadd.s32 v0, v1  }
0x23a: {  	s7 =	sshra.s32 s0, $0x2;
	s0 =	smov.u32 s10;
	s14 =	sadd.s32 $0x10, s14;
	v1 =	vshll.u32 v1, $0x4  }
0x23b: {  	s15 =	sadd.s32 $0x8880, s7;
	s9 =	sadd.s32 $0x20, s9;
	s5 =	sadd.s32 $0x8280, s7;
	(v2sf) =	vpush v1, $0x0  }
0x23c: {  	s11 =	sadd.s32 $0x8200, s7;
	s19 =	sadd.s32 $0x8780, s7;
	s16 =	sadd.s32 $0x8800, s7;
	(v2sf) =	vpush v1, $0x1  }
0x23d: {  	s25 =	sadd.s32 $0x8680, s7;
	s6 =	sadd.s32 $0x8700, s7;
	s1 =	sadd.s32 $0x8600, s7;
	(v2sf) =	vpush v1, $0x2  }
0x23e: {  	s8 =	sadd.s32 $0x8500, s7;
	s26 =	sadd.s32 $0x8580, s7  }
0x23f: {  	s10 =	sadd.s32 $0x8480, s7;
	(v2sf) =	vpush v1, $0x3  }
0x240: {  	s17 =	sadd.s32 $0x8400, s7  }
0x241: {  	(v2sf) =	vpush v1, $0x4  }
0x242: {  	s22 =	sadd.s32 $0x8980, s7  }
0x243: {  	(v2sf) =	vpush v1, $0x5;
	_ =	sdelay $0x1  }
0x244: {  	s18 =	sadd.s32 $0x8300, s7;
	(v2sf) =	vpush v1, $0x6;
	_ =	sdelay $0x1  }
0x245: {  	s20 =	sadd.s32 $0x8380, s7;
	(v2sf) =	vpush v1, $0x7;
	_ =	sdelay $0x1  }
0x246: {  	(v2sf) =	vpush v1, $0x8  }
0x247: {  	s21 =	spop (v2sf)  }
0x248: {  	s21 =	sand.u32 $0xFFFFFF0, s21;
	s23 =	spop (v2sf);
	(v2sf) =	vpush v1, $0x9  }
0x249: {  	s21 =	sadd.s32 s4, s21;
	s23 =	sand.u32 $0xFFFFFF0, s23;
	s24 =	spop (v2sf)  }
0x24a: {  	[tilespmem:s11], [sflag:$0x3] =	stream.linear.gather [hbm4b:s21+s3], $0x80, $0x38;
	(v2sf) =	vpush v1, $0xA;
	[tilespmem:$0x10200] =	vst v63  }
0x24b: {  	s11 =	sadd.s32 s4, s23;
	s21 =	sand.u32 $0xFFFFFF0, s24;
	s23 =	spop (v2sf)  }
0x24c: {  	[tilespmem:s5], [sflag:$0x3] =	stream.linear.gather [hbm4b:s11+s3], $0x80, $0x38;
	(v2sf) =	vpush v1, $0xB;
	[tilespmem:$0x10200] =	vst v63  }
0x24d: {  	s5 =	sadd.s32 s4, s21;
	s11 =	sand.u32 $0xFFFFFF0, s23;
	s21 =	spop (v2sf)  }
0x24e: {  	[tilespmem:s18], [sflag:$0x3] =	stream.linear.gather [hbm4b:s5+s3], $0x80, $0x38;
	(v2sf) =	vpush v1, $0xC;
	[tilespmem:$0x10200] =	vst v63  }
0x24f: {  	s5 =	sadd.s32 s4, s11;
	s11 =	sand.u32 $0xFFFFFF0, s21;
	s18 =	spop (v2sf)  }
0x250: {  	[tilespmem:s20], [sflag:$0x3] =	stream.linear.gather [hbm4b:s5+s3], $0x80, $0x38;
	[tilespmem:$0x10200] =	vst v63  }
.Ltmp3:
0x251: {  	(v2sf) =	vpush v1, $0xD;
	(pc) =	sbr.rel @!p0 .LBB2_10-.Ltmp3, $4  }
0x252: {  	s5 =	sadd.s32 s4, s11;
	s11 =	sand.u32 $0xFFFFFF0, s18;
	s18 =	spop (v2sf)  }
0x253: {  	[tilespmem:s17], [sflag:$0x3] =	stream.linear.gather [hbm4b:s5+s3], $0x80, $0x38;
	(v2sf) =	vpush v1, $0xE;
	[tilespmem:$0x10200] =	vst v63  }
0x254: {  	s5 =	sadd.s32 s4, s11;
	s11 =	sand.u32 $0xFFFFFF0, s18;
	s18 =	spop (v2sf)  }
0x255: {  	[tilespmem:s10], [sflag:$0x3] =	stream.linear.gather [hbm4b:s5+s3], $0x80, $0x38;
	(v2sf) =	vpush v1, $0xF;
	[tilespmem:$0x10200] =	vst v63  }
0x256: {  	s5 =	sadd.s32 s4, s11;
	s9 =	sand.u32 $0xFFFFFF0, s18;
	s10 =	spop (v2sf)  }
0x257: {  	[tilespmem:s8], [sflag:$0x3] =	stream.linear.gather [hbm4b:s5+s3], $0x80, $0x38;
	[tilespmem:$0x10200] =	vst v63  }
0x258: {  	s8 =	sadd.s32 s4, s9;
	s9 =	sand.u32 $0xFFFFFF0, s10;
	s10 =	spop (v2sf)  }
0x259: {  	[tilespmem:s26], [sflag:$0x3] =	stream.linear.gather [hbm4b:s8+s3], $0x80, $0x38;
	[tilespmem:$0x10200] =	vst v63  }
0x25a: {  	s11 =	sadd.s32 s4, s9;
	s14 =	spop (v2sf)  }
0x25b: {  	[tilespmem:s1], [sflag:$0x3] =	stream.linear.gather [hbm4b:s11+s3], $0x80, $0x38;
	[tilespmem:$0x10200] =	vst v63  }
0x25c: {  	s13 =	sand.u32 $0xFFFFFF0, s10;
	s18 =	sand.u32 $0xFFFFFF0, s14;
	s20 =	spop (v2sf)  }
0x25d: {  	s17 =	sadd.s32 s4, s13;
	s21 =	sadd.s32 s4, s18;
	s23 =	sand.u32 $0xFFFFFF0, s20  }
0x25e: {  	[tilespmem:s25], [sflag:$0x3] =	stream.linear.gather [hbm4b:s17+s3], $0x80, $0x38;
	[tilespmem:$0x10200] =	vst v63  }
0x25f: {  	s18 =	sand.u32 $0x100, s12;
	s24 =	spop (v2sf);
	s25 =	sadd.s32 s4, s23  }
0x260: {  	[tilespmem:s6], [sflag:$0x3] =	stream.linear.gather [hbm4b:s21+s3], $0x80, $0x38;
	[tilespmem:$0x10200] =	vst v63  }
0x261: {  	s17 =	sand.u32 $0x70, s2;
	s26 =	sand.u32 $0xFFFFFF0, s24;
	s30 =	spop (v2sf)  }
0x262: {  	[tilespmem:s19], [sflag:$0x3] =	stream.linear.gather [hbm4b:s25+s3], $0x80, $0x38;
	[tilespmem:$0x10200] =	vst v63  }
0x263: {  	s8 =	sadd.s32 s4, s26;
	s9 =	sand.u32 $0xFFFFFF0, s30;
	s10 =	spop (v2sf)  }
0x264: {  	[tilespmem:s16], [sflag:$0x3] =	stream.linear.gather [hbm4b:s8+s3], $0x80, $0x38;
	[tilespmem:$0x10200] =	vst v63  }
0x265: {  	s11 =	sadd.s32 s4, s9;
	s13 =	sand.u32 $0xFFFFFF0, s10;
	s14 =	spop (v2sf)  }
0x266: {  	[tilespmem:s15], [sflag:$0x3] =	stream.linear.gather [hbm4b:s11+s3], $0x80, $0x38;
	[tilespmem:$0x10200] =	vst v63  }
0x267: {  	s16 =	sadd.s32 $0x8900, s7;
	s5 =	sadd.s32 s4, s13;
	s6 =	sand.u32 $0xFFFFFF0, s14  }
0x268: {  	[tilespmem:s16], [sflag:$0x3] =	stream.linear.gather [hbm4b:s5+s3], $0x80, $0x38;
	[tilespmem:$0x10200] =	vst v63  }
0x269: {  	s1 =	sor.u32 s17, s18;
	s19 =	sadd.s32 s4, s6  }
0x26a: {  	[tilespmem:s22], [sflag:$0x3] =	stream.linear.gather [hbm4b:s19+s3], $0x80, $0x38;
	[tilespmem:$0x10200] =	vst v63  }
0x26b: {  	v1 =	vld [tilespmem:s1+$0x80];
	_ =	sdelay $0x4  }
0x26c: {  	vm0 =	vgt.s32 v1, $0x0  }
0x26d: {  	v1 =	vnsel vm0, $0x0, v1  }
0x26e: {  	v1 =	vmin.u32 v1, $0x1869F  }
0x26f: {  	v0 =	vadd.s32 v0, v1  }
0x270: {  	v0 =	vshll.u32 v0, $0x4  }
0x271: {  	(v2sf) =	vpush v0, $0x0  }
0x272: {  	(v2sf) =	vpush v0, $0x1  }
0x273: {  	(v2sf) =	vpush v0, $0x2;
	_ =	sdelay $0x1  }
0x274: {  	(v2sf) =	vpush v0, $0x3;
	_ =	sdelay $0x1  }
0x275: {  	(v2sf) =	vpush v0, $0x4;
	_ =	sdelay $0x1  }
0x276: {  	(v2sf) =	vpush v0, $0x5;
	_ =	sdelay $0x1  }
0x277: {  	s0 =	sshra.s32 s0, $0x2;
	(v2sf) =	vpush v0, $0x6  }
0x278: {  	s12 =	sadd.s32 $0x8580, s0;
	s20 =	sadd.s32 $0x8280, s0  }
0x279: {  	s2 =	sadd.s32 $0x8800, s0;
	s17 =	sadd.s32 $0x8380, s0;
	s21 =	sadd.s32 $0x8200, s0;
	(v2sf) =	vpush v0, $0x7  }
0x27a: {  	s9 =	sadd.s32 $0x8680, s0;
	s8 =	sadd.s32 $0x8600, s0;
	s10 =	sadd.s32 $0x8700, s0  }
0x27b: {  	s13 =	sadd.s32 $0x8480, s0;
	s11 =	sadd.s32 $0x8500, s0;
	s14 =	sadd.s32 $0x8400, s0;
	(v2sf) =	vpush v0, $0x8  }
0x27c: {  	s15 =	sadd.s32 $0x8300, s0;
	s6 =	sadd.s32 $0x8780, s0;
	s22 =	spop (v2sf)  }
0x27d: {  	s1 =	sadd.s32 $0x8880, s0;
	(v2sf) =	vpush v0, $0x9;
	s16 =	sand.u32 $0xFFFFFF0, s22;
	s23 =	spop (v2sf)  }
0x27e: {  	s16 =	sadd.s32 s4, s16;
	s18 =	sand.u32 $0xFFFFFF0, s23;
	s24 =	spop (v2sf)  }
0x27f: {  	(v2sf) =	vpush v0, $0xA;
	[tilespmem:s21], [sflag:$0x3] =	stream.linear.gather [hbm4b:s16+s3], $0x80, $0x38;
	[tilespmem:$0x10200] =	vst v63  }
0x280: {  	s25 =	sadd.s32 s4, s18;
	s26 =	sand.u32 $0xFFFFFF0, s24;
	s30 =	spop (v2sf)  }
0x281: {  	(v2sf) =	vpush v0, $0xB;
	[tilespmem:s20], [sflag:$0x3] =	stream.linear.gather [hbm4b:s25+s3], $0x80, $0x38;
	[tilespmem:$0x10200] =	vst v63  }
0x282: {  	s19 =	sadd.s32 s4, s26;
	s21 =	spop (v2sf);
	s20 =	sand.u32 $0xFFFFFF0, s30  }
0x283: {  	(v2sf) =	vpush v0, $0xC;
	[tilespmem:s15], [sflag:$0x3] =	stream.linear.gather [hbm4b:s19+s3], $0x80, $0x38;
	[tilespmem:$0x10200] =	vst v63  }
0x284: {  	s23 =	sand.u32 $0xFFFFFF0, s21;
	s24 =	spop (v2sf);
	s22 =	sadd.s32 s4, s20  }
0x285: {  	(v2sf) =	vpush v0, $0xD;
	[tilespmem:s17], [sflag:$0x3] =	stream.linear.gather [hbm4b:s22+s3], $0x80, $0x38;
	[tilespmem:$0x10200] =	vst v63  }
0x286: {  	s25 =	sadd.s32 s4, s23;
	s26 =	sand.u32 $0xFFFFFF0, s24;
	s30 =	spop (v2sf)  }
0x287: {  	(v2sf) =	vpush v0, $0xE;
	[tilespmem:s14], [sflag:$0x3] =	stream.linear.gather [hbm4b:s25+s3], $0x80, $0x38;
	[tilespmem:$0x10200] =	vst v63  }
0x288: {  	s16 =	sadd.s32 s4, s26;
	s18 =	spop (v2sf);
	s17 =	sand.u32 $0xFFFFFF0, s30  }
0x289: {  	(v2sf) =	vpush v0, $0xF;
	[tilespmem:s13], [sflag:$0x3] =	stream.linear.gather [hbm4b:s16+s3], $0x80, $0x38;
	[tilespmem:$0x10200] =	vst v63  }
0x28a: {  	s20 =	sand.u32 $0xFFFFFF0, s18;
	s21 =	spop (v2sf);
	s19 =	sadd.s32 s4, s17  }
0x28b: {  	[tilespmem:s11], [sflag:$0x3] =	stream.linear.gather [hbm4b:s19+s3], $0x80, $0x38;
	[tilespmem:$0x10200] =	vst v63  }
0x28c: {  	s22 =	sadd.s32 s4, s20;
	s23 =	sand.u32 $0xFFFFFF0, s21;
	s24 =	spop (v2sf)  }
0x28d: {  	[tilespmem:s12], [sflag:$0x3] =	stream.linear.gather [hbm4b:s22+s3], $0x80, $0x38;
	[tilespmem:$0x10200] =	vst v63  }
0x28e: {  	s25 =	sadd.s32 s4, s23;
	s26 =	sand.u32 $0xFFFFFF0, s24;
	s30 =	spop (v2sf)  }
0x28f: {  	[tilespmem:s8], [sflag:$0x3] =	stream.linear.gather [hbm4b:s25+s3], $0x80, $0x38;
	[tilespmem:$0x10200] =	vst v63  }
0x290: {  	s7 =	sadd.s32 s4, s26;
	s11 =	spop (v2sf);
	s8 =	sand.u32 $0xFFFFFF0, s30  }
0x291: {  	[tilespmem:s9], [sflag:$0x3] =	stream.linear.gather [hbm4b:s7+s3], $0x80, $0x38;
	[tilespmem:$0x10200] =	vst v63  }
0x292: {  	s13 =	sand.u32 $0xFFFFFF0, s11;
	s14 =	spop (v2sf);
	s12 =	sadd.s32 s4, s8  }
0x293: {  	[tilespmem:s10], [sflag:$0x3] =	stream.linear.gather [hbm4b:s12+s3], $0x80, $0x38;
	[tilespmem:$0x10200] =	vst v63  }
0x294: {  	s15 =	sadd.s32 s4, s13;
	s16 =	sand.u32 $0xFFFFFF0, s14;
	s17 =	spop (v2sf)  }
0x295: {  	[tilespmem:s6], [sflag:$0x3] =	stream.linear.gather [hbm4b:s15+s3], $0x80, $0x38;
	[tilespmem:$0x10200] =	vst v63  }
0x296: {  	s18 =	sadd.s32 s4, s16;
	s19 =	sand.u32 $0xFFFFFF0, s17;
	s20 =	spop (v2sf)  }
0x297: {  	[tilespmem:s2], [sflag:$0x3] =	stream.linear.gather [hbm4b:s18+s3], $0x80, $0x38;
	[tilespmem:$0x10200] =	vst v63  }
0x298: {  	s21 =	sadd.s32 s4, s19;
	s22 =	sand.u32 $0xFFFFFF0, s20;
	s23 =	spop (v2sf)  }
0x299: {  	[tilespmem:s1], [sflag:$0x3] =	stream.linear.gather [hbm4b:s21+s3], $0x80, $0x38;
	[tilespmem:$0x10200] =	vst v63  }
0x29a: {  	s24 =	sadd.s32 $0x8900, s0;
	s25 =	sadd.s32 s4, s22;
	s26 =	sand.u32 $0xFFFFFF0, s23  }
0x29b: {  	[tilespmem:s24], [sflag:$0x3] =	stream.linear.gather [hbm4b:s25+s3], $0x80, $0x38;
	[tilespmem:$0x10200] =	vst v63  }
0x29c: {  	s0 =	sadd.s32 $0x8980, s0;
	s30 =	sadd.s32 s4, s26  }
0x29d: {  	[tilespmem:s0], [sflag:$0x3] =	stream.linear.gather [hbm4b:s30+s3], $0x80, $0x38;
	[tilespmem:$0x10200] =	vst v63  }
0x29e: {  	p0 =	seq.s32 s28, $0x19  }
.Ltmp4:
0x29f: {  	_ = 	snop;
	(pc) =	sbr.rel @!p0 .LBB2_7-.Ltmp4, $1  }
0x2a0: {  	_ =	sdelay $0x3  }
0x2a1: {  	s0 =	simm.s32 $0x2  }
0x2a2: {  	s1 =	simm.s32 $0x80;
	_ =	swait.ge [sflag:s0], $0x8000  }
0x2a3: {  	s2 =	simm.s32 $0x1000;
	s5 =	simm.s32 $0x200;
	[sflag:s0] =	ssyncset.done $0x0  }
0x2a4: {  	s24 =	simm.s32 $0x4;
	s23 =	rddreg [dreg:$0xa];
	[sflag:s0] =	ssyncadd.s32 $0xFFFF8000  }
0x2a5: {  	[hbm4b:s23+s1] =	stream.strided.scatter [tilespmem:s5], [sflag:$0x4], $0x8000, s2, s1, $0x38;
	[tilespmem:$0x10200] =	vst v63  }
0x2a6: {  	_ =	swait.ge [sflag:s24], $0x8000  }
0x2a7: {  	[sflag:s24] =	ssyncset.done $0x0  }
0x2a8: {  	s25 =	simm.s32 $0x3;
	[sflag:s24] =	ssyncadd.s32 $0xFFFF8000  }
0x2a9: {  	_ =	swait.ge [sflag:s25], $0x8000  }
0x2aa: {  	[sflag:s25] =	ssyncset.done $0x0  }
0x2ab: {  	s6 =	simm.s32 $0x8200;
	s26 =	rddreg [dreg:$0xb];
	[sflag:s25] =	ssyncadd.s32 $0xFFFF8000  }
0x2ac: {  	[hbm4b:s26+s1] =	stream.strided.scatter [tilespmem:s6], [sflag:$0x4], $0x8000, s2, s1, $0x38;
	[tilespmem:$0x10200] =	vst v63  }
0x2ad: {  	_ =	swait.ge [sflag:s24], $0x8000  }
0x2ae: {  	s28 =	rddreg [dreg:$0xe]  }
0x2af: {  	s30 =	rddreg [dreg:$0xc];
	s1 =	sadd.s32 $0x1, s28  }
0x2b0: {  	p0 =	sne.s32 s1, s30  }
.Ltmp5:
0x2b1: {  	_ = 	snop;
	(pc) =	sbr.rel @p0 .LBB2_1-.Ltmp5, $3  }
0x2b2: {  	_ =	sdelay $0x1  }
0x2b3: {  	[sflag:s24] =	ssyncset.done $0x0  }
0x2b4: {  	s31 =	simm.s32 $0x80;
	[sflag:s24] =	ssyncadd.s32 $0xFFFF8000  }
0x2b5: {  	_ =	sfence.sel $0x180000  }
0x2b6: {  	[bflag:$0x0] =	sbarrier.arrive $0xFFFF  }
0x2b7: {  	_ =	strace $0x90000047  }
0x2b8: {  	s0 =	stileid.u32;
	[bflag:$0x2] =	sbarrier.arrive $0xFFFF  }
0x2b9: {  	p0 =	sne.s32 s0, $0x0;
	s0 =	rddreg [dreg:$0x2]  }
0x2ba: {  	s0 =	sadd.s32 @!p0 $0x100000, s0  }
0x2bb: {  	[sflag:s0] =	ssyncadd.tile.s32 @!p0 $0x1;
	_ =	shalt  }
.Lfunc_end2:
_tile_overlayer_lowered:
.L_overlay_start_2:
0x2bc: {  	(tag) =	ssettag $0x2  }
0x2bd: {  	s0 =	rddreg [dreg:$0x0];
	s2 =	stileid.u32  }
0x2be: {  	s1 =	rddreg [dreg:$0x1];
	p0 =	sne.s32 s2, $0x0  }
0x2bf: {  	s3 =	rddreg [dreg:$0x2];
	[bflag:$0x3] =	sbarrier.arrive $0xFFFF;
	s2 =	simm.s32 @!p0 $0x1C05  }
0x2c0: {  	[timem:s3], [sflag:s2] =	dma.local @!p0 [hbm:s0], s1  }
0x2c1: {  	s0 =	simm.s32 @!p0 $0x5  }
0x2c2: {  	_ =	swait.ge @!p0 [sflag:s0], s1  }
0x2c3: {  	s1 =	ssub.s32 @!p0 $0x0, s1;
	[sflag:s0] =	ssyncset.done @!p0 $0x0  }
0x2c4: {  	[sflag:s0] =	ssyncadd.s32 @!p0 s1  }
0x2c5: {  	[bflag:$0x3] =	sbarrier.arrive $0xFFFF  }
0x2c6: {  	_ =	shalt  }

</sc_bundles>
